<compile_context>
chip_gen: v7x
topology: tpu7x:2x2x1
jax: 0.10.2.dev20260603
libtpu: 0.0.44.dev20260713+nightly
codegen_flags: <defaults>
</compile_context>

<pallas_src>
import functools

import jax
import jax.numpy as jnp
from jax import lax
from jax.experimental import pallas as pl
from jax.experimental.pallas import tpu as pltpu
from jax.experimental.pallas import tpu_sc as plsc

_B = 16384
_D = 64
_NC = 2
_NS = 16
_NW = _NC * _NS
_BPW = _B // _NW
_L = 16
_V = 1000000
_BLK = 16384
_SH = _BLK.bit_length() - 1
_HMASK = _BLK // 2 - 1
_GRID = (_V + _BLK - 1) // _BLK
_YROWS = _GRID * (_BLK // 2)


def _retile_body(u_ref, m_ref, yu_ref, ym_ref):
    xu = u_ref[...].T
    yu_ref[...] = jnp.concatenate([xu[: _BLK // 2], xu[_BLK // 2:]], axis=1)
    xm = m_ref[...].T
    ym_ref[...] = jnp.concatenate([xm[: _BLK // 2], xm[_BLK // 2:]], axis=1)


def _retile(ut, mt):
    return pl.pallas_call(
        _retile_body,
        grid=(_GRID,),
        in_specs=[
            pl.BlockSpec((_D, _BLK), lambda i: (0, i)),
            pl.BlockSpec((_D, _BLK), lambda i: (0, i)),
        ],
        out_specs=[
            pl.BlockSpec((_BLK // 2, 2 * _D), lambda i: (i, 0)),
            pl.BlockSpec((_BLK // 2, 2 * _D), lambda i: (i, 0)),
        ],
        out_shape=[
            jax.ShapeDtypeStruct((_YROWS, 2 * _D), jnp.float32),
            jax.ShapeDtypeStruct((_YROWS, 2 * _D), jnp.float32),
        ],
        compiler_params=pltpu.CompilerParams(
            dimension_semantics=("arbitrary",),
            vmem_limit_bytes=100 * 1024 * 1024),
    )(ut, mt)


def _mf_body(uid_hbm, mid_hbm, yu_hbm, ym_hbm, ubias_hbm, mbias_hbm,
             out_hbm,
             uid_v, mid_v, rowu0_v, rowu1_v, rowm0_v, rowm1_v,
             bu_v, bm_v, ubias_v, mbias_v, out_v,
             sem_g, sem_b):
    wid = lax.axis_index("s") * _NC + lax.axis_index("c")
    base = wid * _BPW
    half = _BPW // 2

    pltpu.sync_copy(uid_hbm.at[pl.ds(base, _BPW)], uid_v)
    pltpu.sync_copy(mid_hbm.at[pl.ds(base, _BPW)], mid_v)

    cbu = pltpu.async_copy(ubias_hbm.at[uid_v], ubias_v, sem_b)
    cbm = pltpu.async_copy(mbias_hbm.at[mid_v], mbias_v, sem_b)

    def packed_rows(ids_v, dst, off):
        def chunk(c, carry):
            v = ids_v[pl.ds(off + c * _L, _L)]
            dst[pl.ds(c * _L, _L)] = ((v >> _SH) << (_SH - 1)) + (v & _HMASK)
            return carry
        lax.fori_loop(0, half // _L, chunk, 0)

    packed_rows(uid_v, rowu0_v, 0)
    packed_rows(uid_v, rowu1_v, half)
    packed_rows(mid_v, rowm0_v, 0)
    packed_rows(mid_v, rowm1_v, half)

    cbu.wait()
    cbm.wait()

    for h, (ru, rm) in enumerate(((rowu0_v, rowm0_v), (rowu1_v, rowm1_v))):
        off = h * half
        cu = pltpu.async_copy(yu_hbm.at[ru], bu_v, sem_g)
        cm = pltpu.async_copy(ym_hbm.at[rm], bm_v, sem_g)
        cu.wait()
        cm.wait()

        def dot_group(g, carry):
            r0 = g * _L
            rows = lax.iota(jnp.int32, _L) + r0
            cbase_u = ((uid_v[pl.ds(off + r0, _L)] >> (_SH - 1)) & 1) * _D
            cbase_m = ((mid_v[pl.ds(off + r0, _L)] >> (_SH - 1)) & 1) * _D
            acc = (ubias_v[pl.ds(off + r0, _L)] +
                   mbias_v[pl.ds(off + r0, _L)])
            for d in range(_D):
                u = plsc.load_gather(bu_v, [rows, cbase_u + d])
                m = plsc.load_gather(bm_v, [rows, cbase_m + d])
                acc = acc + u * m
            out_v[pl.ds(off + r0, _L)] = acc
            return carry

        lax.fori_loop(0, half // _L, dot_group, 0)

    pltpu.sync_copy(out_v, out_hbm.at[pl.ds(base, _BPW)])


@functools.partial(jax.jit, donate_argnums=())
def kernel(user_ids, movie_ids, user_emb, movie_emb, user_bias, movie_bias):
    yu, ym = _retile(user_emb.T, movie_emb.T)
    run = pl.kernel(
        _mf_body,
        out_type=jax.ShapeDtypeStruct((_B,), jnp.float32),
        mesh=plsc.VectorSubcoreMesh(core_axis_name="c", subcore_axis_name="s"),
        compiler_params=pltpu.CompilerParams(
            needs_layout_passes=False, use_tc_tiling_on_sc=False),
        scratch_types=[
            pltpu.VMEM((_BPW,), jnp.int32),
            pltpu.VMEM((_BPW,), jnp.int32),
            pltpu.VMEM((_BPW // 2,), jnp.int32),
            pltpu.VMEM((_BPW // 2,), jnp.int32),
            pltpu.VMEM((_BPW // 2,), jnp.int32),
            pltpu.VMEM((_BPW // 2,), jnp.int32),
            pltpu.VMEM((_BPW // 2, 2 * _D), jnp.float32),
            pltpu.VMEM((_BPW // 2, 2 * _D), jnp.float32),
            pltpu.VMEM((_BPW,), jnp.float32),
            pltpu.VMEM((_BPW,), jnp.float32),
            pltpu.VMEM((_BPW,), jnp.float32),
            pltpu.SemaphoreType.DMA,
            pltpu.SemaphoreType.DMA,
        ],
    )
    return run(user_ids.astype(jnp.int32), movie_ids.astype(jnp.int32),
               yu, ym,
               user_bias.reshape(-1), movie_bias.reshape(-1))

# --- scband reference (transcript-rebuilt; emitter-appended) ---
"""Pipeline reference for scband-explicit-mf-76605036691995 (READ-ONLY COPY).

The authoritative reference and input builder live on the scoring server;
editing this copy changes nothing except your own understanding.
"""

import jax, jax.numpy as jnp
import numpy as np

N_USERS = 1000000
N_MOVIES = 1000000
EMBED_DIM = 64
BATCH = 16384


def setup_inputs(seed: int = 0) -> dict:
    key = jax.random.key(seed)
    k1, k2, k3, k4, k5, k6 = jax.random.split(key, 6)
    user_ids = jax.random.randint(k1, (BATCH,), 0, N_USERS, dtype=jnp.int64 if jax.config.read('jax_enable_x64') else jnp.int32)
    movie_ids = jax.random.randint(k2, (BATCH,), 0, N_MOVIES, dtype=jnp.int64 if jax.config.read('jax_enable_x64') else jnp.int32)
    user_emb = jax.random.normal(k3, (N_USERS, EMBED_DIM), dtype=jnp.float32)
    movie_emb = jax.random.normal(k4, (N_MOVIES, EMBED_DIM), dtype=jnp.float32)
    user_bias = jax.random.normal(k5, (N_USERS, 1), dtype=jnp.float32)
    movie_bias = jax.random.normal(k6, (N_MOVIES, 1), dtype=jnp.float32)
    return {
        'user_ids': user_ids,
        'movie_ids': movie_ids,
        'user_emb': user_emb,
        'movie_emb': movie_emb,
        'user_bias': user_bias,
        'movie_bias': movie_bias,
    }


def reference(user_ids, movie_ids, user_emb, movie_emb, user_bias, movie_bias):
    user_vec = jnp.take(user_emb, user_ids, axis=0)      # [B, D]
    movie_vec = jnp.take(movie_emb, movie_ids, axis=0)   # [B, D]
    dot = jnp.sum(user_vec * movie_vec, axis=1, keepdims=True)  # [B, 1]
    bias = jnp.take(user_bias, user_ids, axis=0) + jnp.take(movie_bias, movie_ids, axis=0)  # [B, 1]
    return jnp.squeeze(dot + bias, axis=1)  # [B]

if __name__ == "__main__":
    import jax
    _d = setup_inputs()
    print(jax.jit(kernel)(*tuple(_d.values())))

</pallas_src>

<mosaic_0001>
#map = affine_map<(d0, d1) -> (0)>
#map1 = affine_map<(d0, d1) -> (0, 0)>
module attributes {stable_mosaic.version = 14 : i64} {
  func.func @_mf_body(%arg0: i32, %arg1: i32, %arg2: memref<16384xi32, #tpu.memory_space<hbm>>, %arg3: memref<16384xi32, #tpu.memory_space<hbm>>, %arg4: memref<507904x128xf32, #tpu.memory_space<hbm>>, %arg5: memref<507904x128xf32, #tpu.memory_space<hbm>>, %arg6: memref<1000000xf32, #tpu.memory_space<hbm>>, %arg7: memref<1000000xf32, #tpu.memory_space<hbm>>, %arg8: memref<16384xf32, #tpu.memory_space<hbm>>, %arg9: memref<512xi32, #tpu.memory_space<vmem>>, %arg10: memref<512xi32, #tpu.memory_space<vmem>>, %arg11: memref<256xi32, #tpu.memory_space<vmem>>, %arg12: memref<256xi32, #tpu.memory_space<vmem>>, %arg13: memref<256xi32, #tpu.memory_space<vmem>>, %arg14: memref<256xi32, #tpu.memory_space<vmem>>, %arg15: memref<256x128xf32, #tpu.memory_space<vmem>>, %arg16: memref<256x128xf32, #tpu.memory_space<vmem>>, %arg17: memref<512xf32, #tpu.memory_space<vmem>>, %arg18: memref<512xf32, #tpu.memory_space<vmem>>, %arg19: memref<512xf32, #tpu.memory_space<vmem>>, %arg20: memref<!tpu.dma_semaphore, #tpu.memory_space<semaphore_mem>>, %arg21: memref<!tpu.dma_semaphore, #tpu.memory_space<semaphore_mem>>) attributes {dimension_semantics = [#tpu.dimension_semantics<core_parallel>, #tpu.dimension_semantics<subcore_parallel>], iteration_bounds = array<i64: 2, 16>, scalar_prefetch = 0 : i64, scratch_operands = 13 : i64, tpu.core_type = #tpu.core_type<sc_vector_subcore>, window_params = [{transform_indices = #map}, {transform_indices = #map}, {transform_indices = #map1}, {transform_indices = #map1}, {transform_indices = #map}, {transform_indices = #map}, {transform_indices = #map}]} {
    %mul3A = arith.constant 2 : i32
    %mul3A_0 = arith.muli %arg1, %mul3A : i32
    %add3A = arith.addi %mul3A_0, %arg0 : i32
    %mul3A_1 = arith.constant 512 : i32
    %mul3A_2 = arith.muli %add3A, %mul3A_1 : i32
    "tpu.region"() ({
      %run_scoped3A = tpu.sem_alloc : memref<!tpu.dma_semaphore, #tpu.memory_space<semaphore_mem>>
      %dma_start3A_68 = tpu.memref_slice %arg2[%mul3A_2] : memref<16384xi32, #tpu.memory_space<hbm>> -> memref<512xi32, #tpu.memory_space<hbm>>
      %dma_start3A_69 = tpu.memref_slice %arg2[%mul3A_2] : memref<16384xi32, #tpu.memory_space<hbm>> -> memref<512xi32, #tpu.memory_space<hbm>>
      tpu.enqueue_dma source(%dma_start3A_69 : memref<512xi32, #tpu.memory_space<hbm>>) target(%arg9 : memref<512xi32, #tpu.memory_space<vmem>>) target_semaphore(%run_scoped3A : memref<!tpu.dma_semaphore, #tpu.memory_space<semaphore_mem>>)
      %dma_wait3A_70 = tpu.memref_slice %arg2[%mul3A_2] : memref<16384xi32, #tpu.memory_space<hbm>> -> memref<512xi32, #tpu.memory_space<hbm>>
      %dma_wait3A_71 = tpu.memref_slice %arg2[%mul3A_2] : memref<16384xi32, #tpu.memory_space<hbm>> -> memref<512xi32, #tpu.memory_space<hbm>>
      tpu.wait_dma2 semaphore(%run_scoped3A : memref<!tpu.dma_semaphore, #tpu.memory_space<semaphore_mem>>) src(%dma_wait3A_71 : memref<512xi32, #tpu.memory_space<hbm>>) dst(%arg9 : memref<512xi32, #tpu.memory_space<vmem>>)
      tpu.yield
    }) : () -> ()
    "tpu.region"() ({
      %run_scoped3A = tpu.sem_alloc : memref<!tpu.dma_semaphore, #tpu.memory_space<semaphore_mem>>
      %dma_start3A_68 = tpu.memref_slice %arg3[%mul3A_2] : memref<16384xi32, #tpu.memory_space<hbm>> -> memref<512xi32, #tpu.memory_space<hbm>>
      %dma_start3A_69 = tpu.memref_slice %arg3[%mul3A_2] : memref<16384xi32, #tpu.memory_space<hbm>> -> memref<512xi32, #tpu.memory_space<hbm>>
      tpu.enqueue_dma source(%dma_start3A_69 : memref<512xi32, #tpu.memory_space<hbm>>) target(%arg10 : memref<512xi32, #tpu.memory_space<vmem>>) target_semaphore(%run_scoped3A : memref<!tpu.dma_semaphore, #tpu.memory_space<semaphore_mem>>)
      %dma_wait3A_70 = tpu.memref_slice %arg3[%mul3A_2] : memref<16384xi32, #tpu.memory_space<hbm>> -> memref<512xi32, #tpu.memory_space<hbm>>
      %dma_wait3A_71 = tpu.memref_slice %arg3[%mul3A_2] : memref<16384xi32, #tpu.memory_space<hbm>> -> memref<512xi32, #tpu.memory_space<hbm>>
      tpu.wait_dma2 semaphore(%run_scoped3A : memref<!tpu.dma_semaphore, #tpu.memory_space<semaphore_mem>>) src(%dma_wait3A_71 : memref<512xi32, #tpu.memory_space<hbm>>) dst(%arg10 : memref<512xi32, #tpu.memory_space<vmem>>)
      tpu.yield
    }) : () -> ()
    %dma_start3A = arith.constant 0 : i32
    %dma_start3A_3 = tpu.memref_slice %arg6[%dma_start3A] : memref<1000000xf32, #tpu.memory_space<hbm>> -> memref<1000000xf32, #tpu.memory_space<hbm>>
    tpu.enqueue_indirect_dma source(%dma_start3A_3 : memref<1000000xf32, #tpu.memory_space<hbm>>) target(%arg17 : memref<512xf32, #tpu.memory_space<vmem>>) offsets(%arg9 : memref<512xi32, #tpu.memory_space<vmem>>) semaphore(%arg21 : memref<!tpu.dma_semaphore, #tpu.memory_space<semaphore_mem>>)
    %dma_start3A_4 = arith.constant 0 : i32
    %dma_start3A_5 = tpu.memref_slice %arg7[%dma_start3A_4] : memref<1000000xf32, #tpu.memory_space<hbm>> -> memref<1000000xf32, #tpu.memory_space<hbm>>
    tpu.enqueue_indirect_dma source(%dma_start3A_5 : memref<1000000xf32, #tpu.memory_space<hbm>>) target(%arg18 : memref<512xf32, #tpu.memory_space<vmem>>) offsets(%arg10 : memref<512xi32, #tpu.memory_space<vmem>>) semaphore(%arg21 : memref<!tpu.dma_semaphore, #tpu.memory_space<semaphore_mem>>)
    %scan3A = arith.constant 0 : i32
    %scan3A_6 = arith.constant 0 : i32
    %scan3A_7 = arith.constant 16 : i32
    %scan3A_8 = arith.addi %scan3A_6, %scan3A_7 : i32
    %scan3A_9 = arith.constant 1 : i32
    scf.for %scan3A_68 = %scan3A_6 to %scan3A_8 step %scan3A_9  : i32 {
      %mul3A_69 = arith.constant 16 : i32
      %mul3A_70 = arith.muli %scan3A_68, %mul3A_69 : i32
      %add3A_71 = arith.constant 0 : i32
      %add3A_72 = arith.addi %add3A_71, %mul3A_70 : i32
      %get3A = arith.index_cast %add3A_72 : i32 to index
      %get3A_73 = tpu.vector_load %arg9[%get3A] {strides = array<i32>} : memref<512xi32, #tpu.memory_space<vmem>>, vector<16xi32>,
      %shift_right_arithmetic3A = arith.constant 14 : i32
      %shift_right_arithmetic3A_74 = vector.broadcast %shift_right_arithmetic3A : i32 to vector<16xi32>
      %shift_right_arithmetic3A_75 = arith.shrsi %get3A_73, %shift_right_arithmetic3A_74 : vector<16xi32>
      %shift_left3A = arith.constant 13 : i32
      %shift_left3A_76 = vector.broadcast %shift_left3A : i32 to vector<16xi32>
      %shift_left3A_77 = arith.shli %shift_right_arithmetic3A_75, %shift_left3A_76 : vector<16xi32>
      %and3A = arith.constant 8191 : i32
      %and3A_78 = vector.broadcast %and3A : i32 to vector<16xi32>
      %and3A_79 = arith.andi %get3A_73, %and3A_78 : vector<16xi32>
      %add3A_80 = arith.addi %shift_left3A_77, %and3A_79 : vector<16xi32>
      %mul3A_81 = arith.constant 16 : i32
      %mul3A_82 = arith.muli %scan3A_68, %mul3A_81 : i32
      %swap3A = arith.index_cast %mul3A_82 : i32 to index
      %swap3A_83 = tpu.vector_load %arg11[%swap3A] {strides = array<i32>} : memref<256xi32, #tpu.memory_space<vmem>>, vector<16xi32>,
      tpu.vector_store %arg11[%swap3A], %add3A_80 {strides = array<i32>} : memref<256xi32, #tpu.memory_space<vmem>>, vector<16xi32>,
    }
    %scan3A_10 = arith.constant 16 : i32
    %scan3A_11 = arith.constant 0 : i32
    %scan3A_12 = arith.constant 0 : i32
    %scan3A_13 = arith.constant 16 : i32
    %scan3A_14 = arith.addi %scan3A_12, %scan3A_13 : i32
    %scan3A_15 = arith.constant 1 : i32
    scf.for %scan3A_68 = %scan3A_12 to %scan3A_14 step %scan3A_15  : i32 {
      %mul3A_69 = arith.constant 16 : i32
      %mul3A_70 = arith.muli %scan3A_68, %mul3A_69 : i32
      %add3A_71 = arith.constant 256 : i32
      %add3A_72 = arith.addi %add3A_71, %mul3A_70 : i32
      %get3A = arith.index_cast %add3A_72 : i32 to index
      %get3A_73 = tpu.vector_load %arg9[%get3A] {strides = array<i32>} : memref<512xi32, #tpu.memory_space<vmem>>, vector<16xi32>,
      %shift_right_arithmetic3A = arith.constant 14 : i32
      %shift_right_arithmetic3A_74 = vector.broadcast %shift_right_arithmetic3A : i32 to vector<16xi32>
      %shift_right_arithmetic3A_75 = arith.shrsi %get3A_73, %shift_right_arithmetic3A_74 : vector<16xi32>
      %shift_left3A = arith.constant 13 : i32
      %shift_left3A_76 = vector.broadcast %shift_left3A : i32 to vector<16xi32>
      %shift_left3A_77 = arith.shli %shift_right_arithmetic3A_75, %shift_left3A_76 : vector<16xi32>
      %and3A = arith.constant 8191 : i32
      %and3A_78 = vector.broadcast %and3A : i32 to vector<16xi32>
      %and3A_79 = arith.andi %get3A_73, %and3A_78 : vector<16xi32>
      %add3A_80 = arith.addi %shift_left3A_77, %and3A_79 : vector<16xi32>
      %mul3A_81 = arith.constant 16 : i32
      %mul3A_82 = arith.muli %scan3A_68, %mul3A_81 : i32
      %swap3A = arith.index_cast %mul3A_82 : i32 to index
      %swap3A_83 = tpu.vector_load %arg12[%swap3A] {strides = array<i32>} : memref<256xi32, #tpu.memory_space<vmem>>, vector<16xi32>,
      tpu.vector_store %arg12[%swap3A], %add3A_80 {strides = array<i32>} : memref<256xi32, #tpu.memory_space<vmem>>, vector<16xi32>,
    }
    %scan3A_16 = arith.constant 16 : i32
    %scan3A_17 = arith.constant 0 : i32
    %scan3A_18 = arith.constant 0 : i32
    %scan3A_19 = arith.constant 16 : i32
    %scan3A_20 = arith.addi %scan3A_18, %scan3A_19 : i32
    %scan3A_21 = arith.constant 1 : i32
    scf.for %scan3A_68 = %scan3A_18 to %scan3A_20 step %scan3A_21  : i32 {
      %mul3A_69 = arith.constant 16 : i32
      %mul3A_70 = arith.muli %scan3A_68, %mul3A_69 : i32
      %add3A_71 = arith.constant 0 : i32
      %add3A_72 = arith.addi %add3A_71, %mul3A_70 : i32
      %get3A = arith.index_cast %add3A_72 : i32 to index
      %get3A_73 = tpu.vector_load %arg10[%get3A] {strides = array<i32>} : memref<512xi32, #tpu.memory_space<vmem>>, vector<16xi32>,
      %shift_right_arithmetic3A = arith.constant 14 : i32
      %shift_right_arithmetic3A_74 = vector.broadcast %shift_right_arithmetic3A : i32 to vector<16xi32>
      %shift_right_arithmetic3A_75 = arith.shrsi %get3A_73, %shift_right_arithmetic3A_74 : vector<16xi32>
      %shift_left3A = arith.constant 13 : i32
      %shift_left3A_76 = vector.broadcast %shift_left3A : i32 to vector<16xi32>
      %shift_left3A_77 = arith.shli %shift_right_arithmetic3A_75, %shift_left3A_76 : vector<16xi32>
      %and3A = arith.constant 8191 : i32
      %and3A_78 = vector.broadcast %and3A : i32 to vector<16xi32>
      %and3A_79 = arith.andi %get3A_73, %and3A_78 : vector<16xi32>
      %add3A_80 = arith.addi %shift_left3A_77, %and3A_79 : vector<16xi32>
      %mul3A_81 = arith.constant 16 : i32
      %mul3A_82 = arith.muli %scan3A_68, %mul3A_81 : i32
      %swap3A = arith.index_cast %mul3A_82 : i32 to index
      %swap3A_83 = tpu.vector_load %arg13[%swap3A] {strides = array<i32>} : memref<256xi32, #tpu.memory_space<vmem>>, vector<16xi32>,
      tpu.vector_store %arg13[%swap3A], %add3A_80 {strides = array<i32>} : memref<256xi32, #tpu.memory_space<vmem>>, vector<16xi32>,
    }
    %scan3A_22 = arith.constant 16 : i32
    %scan3A_23 = arith.constant 0 : i32
    %scan3A_24 = arith.constant 0 : i32
    %scan3A_25 = arith.constant 16 : i32
    %scan3A_26 = arith.addi %scan3A_24, %scan3A_25 : i32
    %scan3A_27 = arith.constant 1 : i32
    scf.for %scan3A_68 = %scan3A_24 to %scan3A_26 step %scan3A_27  : i32 {
      %mul3A_69 = arith.constant 16 : i32
      %mul3A_70 = arith.muli %scan3A_68, %mul3A_69 : i32
      %add3A_71 = arith.constant 256 : i32
      %add3A_72 = arith.addi %add3A_71, %mul3A_70 : i32
      %get3A = arith.index_cast %add3A_72 : i32 to index
      %get3A_73 = tpu.vector_load %arg10[%get3A] {strides = array<i32>} : memref<512xi32, #tpu.memory_space<vmem>>, vector<16xi32>,
      %shift_right_arithmetic3A = arith.constant 14 : i32
      %shift_right_arithmetic3A_74 = vector.broadcast %shift_right_arithmetic3A : i32 to vector<16xi32>
      %shift_right_arithmetic3A_75 = arith.shrsi %get3A_73, %shift_right_arithmetic3A_74 : vector<16xi32>
      %shift_left3A = arith.constant 13 : i32
      %shift_left3A_76 = vector.broadcast %shift_left3A : i32 to vector<16xi32>
      %shift_left3A_77 = arith.shli %shift_right_arithmetic3A_75, %shift_left3A_76 : vector<16xi32>
      %and3A = arith.constant 8191 : i32
      %and3A_78 = vector.broadcast %and3A : i32 to vector<16xi32>
      %and3A_79 = arith.andi %get3A_73, %and3A_78 : vector<16xi32>
      %add3A_80 = arith.addi %shift_left3A_77, %and3A_79 : vector<16xi32>
      %mul3A_81 = arith.constant 16 : i32
      %mul3A_82 = arith.muli %scan3A_68, %mul3A_81 : i32
      %swap3A = arith.index_cast %mul3A_82 : i32 to index
      %swap3A_83 = tpu.vector_load %arg14[%swap3A] {strides = array<i32>} : memref<256xi32, #tpu.memory_space<vmem>>, vector<16xi32>,
      tpu.vector_store %arg14[%swap3A], %add3A_80 {strides = array<i32>} : memref<256xi32, #tpu.memory_space<vmem>>, vector<16xi32>,
    }
    %scan3A_28 = arith.constant 16 : i32
    %dma_wait3A = arith.constant 0 : i32
    %dma_wait3A_29 = tpu.memref_slice %arg6[%dma_wait3A] : memref<1000000xf32, #tpu.memory_space<hbm>> -> memref<1000000xf32, #tpu.memory_space<hbm>>
    tpu.wait_indirect_dma semaphore(%arg21 : memref<!tpu.dma_semaphore, #tpu.memory_space<semaphore_mem>>) src(%dma_wait3A_29 : memref<1000000xf32, #tpu.memory_space<hbm>>) dst(%arg17 : memref<512xf32, #tpu.memory_space<vmem>>)
    %dma_wait3A_30 = arith.constant 0 : i32
    %dma_wait3A_31 = tpu.memref_slice %arg7[%dma_wait3A_30] : memref<1000000xf32, #tpu.memory_space<hbm>> -> memref<1000000xf32, #tpu.memory_space<hbm>>
    tpu.wait_indirect_dma semaphore(%arg21 : memref<!tpu.dma_semaphore, #tpu.memory_space<semaphore_mem>>) src(%dma_wait3A_31 : memref<1000000xf32, #tpu.memory_space<hbm>>) dst(%arg18 : memref<512xf32, #tpu.memory_space<vmem>>)
    %dma_start3A_32 = arith.constant 0 : i32
    %dma_start3A_33 = arith.constant 0 : i32
    %dma_start3A_34 = tpu.memref_slice %arg4[%dma_start3A_32, %dma_start3A_33] : memref<507904x128xf32, #tpu.memory_space<hbm>> -> memref<507904x128xf32, #tpu.memory_space<hbm>>
    tpu.enqueue_indirect_dma source(%dma_start3A_34 : memref<507904x128xf32, #tpu.memory_space<hbm>>) target(%arg15 : memref<256x128xf32, #tpu.memory_space<vmem>>) offsets(%arg11 : memref<256xi32, #tpu.memory_space<vmem>>) semaphore(%arg20 : memref<!tpu.dma_semaphore, #tpu.memory_space<semaphore_mem>>)
    %dma_start3A_35 = arith.constant 0 : i32
    %dma_start3A_36 = arith.constant 0 : i32
    %dma_start3A_37 = tpu.memref_slice %arg5[%dma_start3A_35, %dma_start3A_36] : memref<507904x128xf32, #tpu.memory_space<hbm>> -> memref<507904x128xf32, #tpu.memory_space<hbm>>
    tpu.enqueue_indirect_dma source(%dma_start3A_37 : memref<507904x128xf32, #tpu.memory_space<hbm>>) target(%arg16 : memref<256x128xf32, #tpu.memory_space<vmem>>) offsets(%arg13 : memref<256xi32, #tpu.memory_space<vmem>>) semaphore(%arg20 : memref<!tpu.dma_semaphore, #tpu.memory_space<semaphore_mem>>)
    %dma_wait3A_38 = arith.constant 0 : i32
    %dma_wait3A_39 = arith.constant 0 : i32
    %dma_wait3A_40 = tpu.memref_slice %arg4[%dma_wait3A_38, %dma_wait3A_39] : memref<507904x128xf32, #tpu.memory_space<hbm>> -> memref<507904x128xf32, #tpu.memory_space<hbm>>
    tpu.wait_indirect_dma semaphore(%arg20 : memref<!tpu.dma_semaphore, #tpu.memory_space<semaphore_mem>>) src(%dma_wait3A_40 : memref<507904x128xf32, #tpu.memory_space<hbm>>) dst(%arg15 : memref<256x128xf32, #tpu.memory_space<vmem>>)
    %dma_wait3A_41 = arith.constant 0 : i32
    %dma_wait3A_42 = arith.constant 0 : i32
    %dma_wait3A_43 = tpu.memref_slice %arg5[%dma_wait3A_41, %dma_wait3A_42] : memref<507904x128xf32, #tpu.memory_space<hbm>> -> memref<507904x128xf32, #tpu.memory_space<hbm>>
    tpu.wait_indirect_dma semaphore(%arg20 : memref<!tpu.dma_semaphore, #tpu.memory_space<semaphore_mem>>) src(%dma_wait3A_43 : memref<507904x128xf32, #tpu.memory_space<hbm>>) dst(%arg16 : memref<256x128xf32, #tpu.memory_space<vmem>>)
    %scan3A_44 = arith.constant 0 : i32
    %scan3A_45 = arith.constant 0 : i32
    %scan3A_46 = arith.constant 16 : i32
    %scan3A_47 = arith.addi %scan3A_45, %scan3A_46 : i32
    %scan3A_48 = arith.constant 1 : i32
    scf.for %scan3A_68 = %scan3A_45 to %scan3A_47 step %scan3A_48  : i32 {
      %mul3A_69 = arith.constant 16 : i32
      %mul3A_70 = arith.muli %scan3A_68, %mul3A_69 : i32
      %iota3A = tpu.iota {dimensions = array<i32: 0>} : vector<16xi32>
      %add3A_71 = vector.broadcast %mul3A_70 : i32 to vector<16xi32>
      %add3A_72 = arith.addi %iota3A, %add3A_71 : vector<16xi32>
      %add3A_73 = arith.constant 0 : i32
      %add3A_74 = arith.addi %add3A_73, %mul3A_70 : i32
      %get3A = arith.index_cast %add3A_74 : i32 to index
      %get3A_75 = tpu.vector_load %arg9[%get3A] {strides = array<i32>} : memref<512xi32, #tpu.memory_space<vmem>>, vector<16xi32>,
      %shift_right_arithmetic3A = arith.constant 13 : i32
      %shift_right_arithmetic3A_76 = vector.broadcast %shift_right_arithmetic3A : i32 to vector<16xi32>
      %shift_right_arithmetic3A_77 = arith.shrsi %get3A_75, %shift_right_arithmetic3A_76 : vector<16xi32>
      %and3A = arith.constant 1 : i32
      %and3A_78 = vector.broadcast %and3A : i32 to vector<16xi32>
      %and3A_79 = arith.andi %shift_right_arithmetic3A_77, %and3A_78 : vector<16xi32>
      %mul3A_80 = arith.constant 64 : i32
      %mul3A_81 = vector.broadcast %mul3A_80 : i32 to vector<16xi32>
      %mul3A_82 = arith.muli %and3A_79, %mul3A_81 : vector<16xi32>
      %add3A_83 = arith.constant 0 : i32
      %add3A_84 = arith.addi %add3A_83, %mul3A_70 : i32
      %get3A_85 = arith.index_cast %add3A_84 : i32 to index
      %get3A_86 = tpu.vector_load %arg10[%get3A_85] {strides = array<i32>} : memref<512xi32, #tpu.memory_space<vmem>>, vector<16xi32>,
      %shift_right_arithmetic3A_87 = arith.constant 13 : i32
      %shift_right_arithmetic3A_88 = vector.broadcast %shift_right_arithmetic3A_87 : i32 to vector<16xi32>
      %shift_right_arithmetic3A_89 = arith.shrsi %get3A_86, %shift_right_arithmetic3A_88 : vector<16xi32>
      %and3A_90 = arith.constant 1 : i32
      %and3A_91 = vector.broadcast %and3A_90 : i32 to vector<16xi32>
      %and3A_92 = arith.andi %shift_right_arithmetic3A_89, %and3A_91 : vector<16xi32>
      %mul3A_93 = arith.constant 64 : i32
      %mul3A_94 = vector.broadcast %mul3A_93 : i32 to vector<16xi32>
      %mul3A_95 = arith.muli %and3A_92, %mul3A_94 : vector<16xi32>
      %add3A_96 = arith.constant 0 : i32
      %add3A_97 = arith.addi %add3A_96, %mul3A_70 : i32
      %get3A_98 = arith.index_cast %add3A_97 : i32 to index
      %get3A_99 = tpu.vector_load %arg17[%get3A_98] {strides = array<i32>} : memref<512xf32, #tpu.memory_space<vmem>>, vector<16xf32>,
      %add3A_100 = arith.constant 0 : i32
      %add3A_101 = arith.addi %add3A_100, %mul3A_70 : i32
      %get3A_102 = arith.index_cast %add3A_101 : i32 to index
      %get3A_103 = tpu.vector_load %arg18[%get3A_102] {strides = array<i32>} : memref<512xf32, #tpu.memory_space<vmem>>, vector<16xf32>,
      %add3A_104 = arith.addf %get3A_99, %get3A_103 : vector<16xf32>
      %add3A_105 = arith.constant 0 : i32
      %add3A_106 = vector.broadcast %add3A_105 : i32 to vector<16xi32>
      %add3A_107 = arith.addi %mul3A_82, %add3A_106 : vector<16xi32>
      %gather3A = tpu.vector_load_idx %arg15[%add3A_72, %add3A_107] : memref<256x128xf32, #tpu.memory_space<vmem>>[vector<16xi32>, vector<16xi32>], vector<16xf32>,
      %add3A_108 = arith.constant 0 : i32
      %add3A_109 = vector.broadcast %add3A_108 : i32 to vector<16xi32>
      %add3A_110 = arith.addi %mul3A_95, %add3A_109 : vector<16xi32>
      %gather3A_111 = tpu.vector_load_idx %arg16[%add3A_72, %add3A_110] : memref<256x128xf32, #tpu.memory_space<vmem>>[vector<16xi32>, vector<16xi32>], vector<16xf32>,
      %mul3A_112 = arith.mulf %gather3A, %gather3A_111 : vector<16xf32>
      %add3A_113 = arith.addf %add3A_104, %mul3A_112 : vector<16xf32>
      %add3A_114 = arith.constant 1 : i32
      %add3A_115 = vector.broadcast %add3A_114 : i32 to vector<16xi32>
      %add3A_116 = arith.addi %mul3A_82, %add3A_115 : vector<16xi32>
      %gather3A_117 = tpu.vector_load_idx %arg15[%add3A_72, %add3A_116] : memref<256x128xf32, #tpu.memory_space<vmem>>[vector<16xi32>, vector<16xi32>], vector<16xf32>,
      %add3A_118 = arith.constant 1 : i32
      %add3A_119 = vector.broadcast %add3A_118 : i32 to vector<16xi32>
      %add3A_120 = arith.addi %mul3A_95, %add3A_119 : vector<16xi32>
      %gather3A_121 = tpu.vector_load_idx %arg16[%add3A_72, %add3A_120] : memref<256x128xf32, #tpu.memory_space<vmem>>[vector<16xi32>, vector<16xi32>], vector<16xf32>,
      %mul3A_122 = arith.mulf %gather3A_117, %gather3A_121 : vector<16xf32>
      %add3A_123 = arith.addf %add3A_113, %mul3A_122 : vector<16xf32>
      %add3A_124 = arith.constant 2 : i32
      %add3A_125 = vector.broadcast %add3A_124 : i32 to vector<16xi32>
      %add3A_126 = arith.addi %mul3A_82, %add3A_125 : vector<16xi32>
      %gather3A_127 = tpu.vector_load_idx %arg15[%add3A_72, %add3A_126] : memref<256x128xf32, #tpu.memory_space<vmem>>[vector<16xi32>, vector<16xi32>], vector<16xf32>,
      %add3A_128 = arith.constant 2 : i32
      %add3A_129 = vector.broadcast %add3A_128 : i32 to vector<16xi32>
      %add3A_130 = arith.addi %mul3A_95, %add3A_129 : vector<16xi32>
      %gather3A_131 = tpu.vector_load_idx %arg16[%add3A_72, %add3A_130] : memref<256x128xf32, #tpu.memory_space<vmem>>[vector<16xi32>, vector<16xi32>], vector<16xf32>,
      %mul3A_132 = arith.mulf %gather3A_127, %gather3A_131 : vector<16xf32>
      %add3A_133 = arith.addf %add3A_123, %mul3A_132 : vector<16xf32>
      %add3A_134 = arith.constant 3 : i32
      %add3A_135 = vector.broadcast %add3A_134 : i32 to vector<16xi32>
      %add3A_136 = arith.addi %mul3A_82, %add3A_135 : vector<16xi32>
      %gather3A_137 = tpu.vector_load_idx %arg15[%add3A_72, %add3A_136] : memref<256x128xf32, #tpu.memory_space<vmem>>[vector<16xi32>, vector<16xi32>], vector<16xf32>,
      %add3A_138 = arith.constant 3 : i32
      %add3A_139 = vector.broadcast %add3A_138 : i32 to vector<16xi32>
      %add3A_140 = arith.addi %mul3A_95, %add3A_139 : vector<16xi32>
      %gather3A_141 = tpu.vector_load_idx %arg16[%add3A_72, %add3A_140] : memref<256x128xf32, #tpu.memory_space<vmem>>[vector<16xi32>, vector<16xi32>], vector<16xf32>,
      %mul3A_142 = arith.mulf %gather3A_137, %gather3A_141 : vector<16xf32>
      %add3A_143 = arith.addf %add3A_133, %mul3A_142 : vector<16xf32>
      %add3A_144 = arith.constant 4 : i32
      %add3A_145 = vector.broadcast %add3A_144 : i32 to vector<16xi32>
      %add3A_146 = arith.addi %mul3A_82, %add3A_145 : vector<16xi32>
      %gather3A_147 = tpu.vector_load_idx %arg15[%add3A_72, %add3A_146] : memref<256x128xf32, #tpu.memory_space<vmem>>[vector<16xi32>, vector<16xi32>], vector<16xf32>,
      %add3A_148 = arith.constant 4 : i32
      %add3A_149 = vector.broadcast %add3A_148 : i32 to vector<16xi32>
      %add3A_150 = arith.addi %mul3A_95, %add3A_149 : vector<16xi32>
      %gather3A_151 = tpu.vector_load_idx %arg16[%add3A_72, %add3A_150] : memref<256x128xf32, #tpu.memory_space<vmem>>[vector<16xi32>, vector<16xi32>], vector<16xf32>,
      %mul3A_152 = arith.mulf %gather3A_147, %gather3A_151 : vector<16xf32>
      %add3A_153 = arith.addf %add3A_143, %mul3A_152 : vector<16xf32>
      %add3A_154 = arith.constant 5 : i32
      %add3A_155 = vector.broadcast %add3A_154 : i32 to vector<16xi32>
      %add3A_156 = arith.addi %mul3A_82, %add3A_155 : vector<16xi32>
      %gather3A_157 = tpu.vector_load_idx %arg15[%add3A_72, %add3A_156] : memref<256x128xf32, #tpu.memory_space<vmem>>[vector<16xi32>, vector<16xi32>], vector<16xf32>,
      %add3A_158 = arith.constant 5 : i32
      %add3A_159 = vector.broadcast %add3A_158 : i32 to vector<16xi32>
      %add3A_160 = arith.addi %mul3A_95, %add3A_159 : vector<16xi32>
      %gather3A_161 = tpu.vector_load_idx %arg16[%add3A_72, %add3A_160] : memref<256x128xf32, #tpu.memory_space<vmem>>[vector<16xi32>, vector<16xi32>], vector<16xf32>,
      %mul3A_162 = arith.mulf %gather3A_157, %gather3A_161 : vector<16xf32>
      %add3A_163 = arith.addf %add3A_153, %mul3A_162 : vector<16xf32>
      %add3A_164 = arith.constant 6 : i32
      %add3A_165 = vector.broadcast %add3A_164 : i32 to vector<16xi32>
      %add3A_166 = arith.addi %mul3A_82, %add3A_165 : vector<16xi32>
      %gather3A_167 = tpu.vector_load_idx %arg15[%add3A_72, %add3A_166] : memref<256x128xf32, #tpu.memory_space<vmem>>[vector<16xi32>, vector<16xi32>], vector<16xf32>,
      %add3A_168 = arith.constant 6 : i32
      %add3A_169 = vector.broadcast %add3A_168 : i32 to vector<16xi32>
      %add3A_170 = arith.addi %mul3A_95, %add3A_169 : vector<16xi32>
      %gather3A_171 = tpu.vector_load_idx %arg16[%add3A_72, %add3A_170] : memref<256x128xf32, #tpu.memory_space<vmem>>[vector<16xi32>, vector<16xi32>], vector<16xf32>,
      %mul3A_172 = arith.mulf %gather3A_167, %gather3A_171 : vector<16xf32>
      %add3A_173 = arith.addf %add3A_163, %mul3A_172 : vector<16xf32>
      %add3A_174 = arith.constant 7 : i32
      %add3A_175 = vector.broadcast %add3A_174 : i32 to vector<16xi32>
      %add3A_176 = arith.addi %mul3A_82, %add3A_175 : vector<16xi32>
      %gather3A_177 = tpu.vector_load_idx %arg15[%add3A_72, %add3A_176] : memref<256x128xf32, #tpu.memory_space<vmem>>[vector<16xi32>, vector<16xi32>], vector<16xf32>,
      %add3A_178 = arith.constant 7 : i32
      %add3A_179 = vector.broadcast %add3A_178 : i32 to vector<16xi32>
      %add3A_180 = arith.addi %mul3A_95, %add3A_179 : vector<16xi32>
      %gather3A_181 = tpu.vector_load_idx %arg16[%add3A_72, %add3A_180] : memref<256x128xf32, #tpu.memory_space<vmem>>[vector<16xi32>, vector<16xi32>], vector<16xf32>,
      %mul3A_182 = arith.mulf %gather3A_177, %gather3A_181 : vector<16xf32>
      %add3A_183 = arith.addf %add3A_173, %mul3A_182 : vector<16xf32>
      %add3A_184 = arith.constant 8 : i32
      %add3A_185 = vector.broadcast %add3A_184 : i32 to vector<16xi32>
      %add3A_186 = arith.addi %mul3A_82, %add3A_185 : vector<16xi32>
      %gather3A_187 = tpu.vector_load_idx %arg15[%add3A_72, %add3A_186] : memref<256x128xf32, #tpu.memory_space<vmem>>[vector<16xi32>, vector<16xi32>], vector<16xf32>,
      %add3A_188 = arith.constant 8 : i32
      %add3A_189 = vector.broadcast %add3A_188 : i32 to vector<16xi32>
      %add3A_190 = arith.addi %mul3A_95, %add3A_189 : vector<16xi32>
      %gather3A_191 = tpu.vector_load_idx %arg16[%add3A_72, %add3A_190] : memref<256x128xf32, #tpu.memory_space<vmem>>[vector<16xi32>, vector<16xi32>], vector<16xf32>,
      %mul3A_192 = arith.mulf %gather3A_187, %gather3A_191 : vector<16xf32>
      %add3A_193 = arith.addf %add3A_183, %mul3A_192 : vector<16xf32>
      %add3A_194 = arith.constant 9 : i32
      %add3A_195 = vector.broadcast %add3A_194 : i32 to vector<16xi32>
      %add3A_196 = arith.addi %mul3A_82, %add3A_195 : vector<16xi32>
      %gather3A_197 = tpu.vector_load_idx %arg15[%add3A_72, %add3A_196] : memref<256x128xf32, #tpu.memory_space<vmem>>[vector<16xi32>, vector<16xi32>], vector<16xf32>,
      %add3A_198 = arith.constant 9 : i32
      %add3A_199 = vector.broadcast %add3A_198 : i32 to vector<16xi32>
      %add3A_200 = arith.addi %mul3A_95, %add3A_199 : vector<16xi32>
      %gather3A_201 = tpu.vector_load_idx %arg16[%add3A_72, %add3A_200] : memref<256x128xf32, #tpu.memory_space<vmem>>[vector<16xi32>, vector<16xi32>], vector<16xf32>,
      %mul3A_202 = arith.mulf %gather3A_197, %gather3A_201 : vector<16xf32>
      %add3A_203 = arith.addf %add3A_193, %mul3A_202 : vector<16xf32>
      %add3A_204 = arith.constant 10 : i32
      %add3A_205 = vector.broadcast %add3A_204 : i32 to vector<16xi32>
      %add3A_206 = arith.addi %mul3A_82, %add3A_205 : vector<16xi32>
      %gather3A_207 = tpu.vector_load_idx %arg15[%add3A_72, %add3A_206] : memref<256x128xf32, #tpu.memory_space<vmem>>[vector<16xi32>, vector<16xi32>], vector<16xf32>,
      %add3A_208 = arith.constant 10 : i32
      %add3A_209 = vector.broadcast %add3A_208 : i32 to vector<16xi32>
      %add3A_210 = arith.addi %mul3A_95, %add3A_209 : vector<16xi32>
      %gather3A_211 = tpu.vector_load_idx %arg16[%add3A_72, %add3A_210] : memref<256x128xf32, #tpu.memory_space<vmem>>[vector<16xi32>, vector<16xi32>], vector<16xf32>,
      %mul3A_212 = arith.mulf %gather3A_207, %gather3A_211 : vector<16xf32>
      %add3A_213 = arith.addf %add3A_203, %mul3A_212 : vector<16xf32>
      %add3A_214 = arith.constant 11 : i32
      %add3A_215 = vector.broadcast %add3A_214 : i32 to vector<16xi32>
      %add3A_216 = arith.addi %mul3A_82, %add3A_215 : vector<16xi32>
      %gather3A_217 = tpu.vector_load_idx %arg15[%add3A_72, %add3A_216] : memref<256x128xf32, #tpu.memory_space<vmem>>[vector<16xi32>, vector<16xi32>], vector<16xf32>,
      %add3A_218 = arith.constant 11 : i32
      %add3A_219 = vector.broadcast %add3A_218 : i32 to vector<16xi32>
      %add3A_220 = arith.addi %mul3A_95, %add3A_219 : vector<16xi32>
      %gather3A_221 = tpu.vector_load_idx %arg16[%add3A_72, %add3A_220] : memref<256x128xf32, #tpu.memory_space<vmem>>[vector<16xi32>, vector<16xi32>], vector<16xf32>,
      %mul3A_222 = arith.mulf %gather3A_217, %gather3A_221 : vector<16xf32>
      %add3A_223 = arith.addf %add3A_213, %mul3A_222 : vector<16xf32>
      %add3A_224 = arith.constant 12 : i32
      %add3A_225 = vector.broadcast %add3A_224 : i32 to vector<16xi32>
      %add3A_226 = arith.addi %mul3A_82, %add3A_225 : vector<16xi32>
      %gather3A_227 = tpu.vector_load_idx %arg15[%add3A_72, %add3A_226] : memref<256x128xf32, #tpu.memory_space<vmem>>[vector<16xi32>, vector<16xi32>], vector<16xf32>,
      %add3A_228 = arith.constant 12 : i32
      %add3A_229 = vector.broadcast %add3A_228 : i32 to vector<16xi32>
      %add3A_230 = arith.addi %mul3A_95, %add3A_229 : vector<16xi32>
      %gather3A_231 = tpu.vector_load_idx %arg16[%add3A_72, %add3A_230] : memref<256x128xf32, #tpu.memory_space<vmem>>[vector<16xi32>, vector<16xi32>], vector<16xf32>,
      %mul3A_232 = arith.mulf %gather3A_227, %gather3A_231 : vector<16xf32>
      %add3A_233 = arith.addf %add3A_223, %mul3A_232 : vector<16xf32>
      %add3A_234 = arith.constant 13 : i32
      %add3A_235 = vector.broadcast %add3A_234 : i32 to vector<16xi32>
      %add3A_236 = arith.addi %mul3A_82, %add3A_235 : vector<16xi32>
      %gather3A_237 = tpu.vector_load_idx %arg15[%add3A_72, %add3A_236] : memref<256x128xf32, #tpu.memory_space<vmem>>[vector<16xi32>, vector<16xi32>], vector<16xf32>,
      %add3A_238 = arith.constant 13 : i32
      %add3A_239 = vector.broadcast %add3A_238 : i32 to vector<16xi32>
      %add3A_240 = arith.addi %mul3A_95, %add3A_239 : vector<16xi32>
      %gather3A_241 = tpu.vector_load_idx %arg16[%add3A_72, %add3A_240] : memref<256x128xf32, #tpu.memory_space<vmem>>[vector<16xi32>, vector<16xi32>], vector<16xf32>,
      %mul3A_242 = arith.mulf %gather3A_237, %gather3A_241 : vector<16xf32>
      %add3A_243 = arith.addf %add3A_233, %mul3A_242 : vector<16xf32>
      %add3A_244 = arith.constant 14 : i32
      %add3A_245 = vector.broadcast %add3A_244 : i32 to vector<16xi32>
      %add3A_246 = arith.addi %mul3A_82, %add3A_245 : vector<16xi32>
      %gather3A_247 = tpu.vector_load_idx %arg15[%add3A_72, %add3A_246] : memref<256x128xf32, #tpu.memory_space<vmem>>[vector<16xi32>, vector<16xi32>], vector<16xf32>,
      %add3A_248 = arith.constant 14 : i32
      %add3A_249 = vector.broadcast %add3A_248 : i32 to vector<16xi32>
      %add3A_250 = arith.addi %mul3A_95, %add3A_249 : vector<16xi32>
      %gather3A_251 = tpu.vector_load_idx %arg16[%add3A_72, %add3A_250] : memref<256x128xf32, #tpu.memory_space<vmem>>[vector<16xi32>, vector<16xi32>], vector<16xf32>,
      %mul3A_252 = arith.mulf %gather3A_247, %gather3A_251 : vector<16xf32>
      %add3A_253 = arith.addf %add3A_243, %mul3A_252 : vector<16xf32>
      %add3A_254 = arith.constant 15 : i32
      %add3A_255 = vector.broadcast %add3A_254 : i32 to vector<16xi32>
      %add3A_256 = arith.addi %mul3A_82, %add3A_255 : vector<16xi32>
      %gather3A_257 = tpu.vector_load_idx %arg15[%add3A_72, %add3A_256] : memref<256x128xf32, #tpu.memory_space<vmem>>[vector<16xi32>, vector<16xi32>], vector<16xf32>,
      %add3A_258 = arith.constant 15 : i32
      %add3A_259 = vector.broadcast %add3A_258 : i32 to vector<16xi32>
      %add3A_260 = arith.addi %mul3A_95, %add3A_259 : vector<16xi32>
      %gather3A_261 = tpu.vector_load_idx %arg16[%add3A_72, %add3A_260] : memref<256x128xf32, #tpu.memory_space<vmem>>[vector<16xi32>, vector<16xi32>], vector<16xf32>,
      %mul3A_262 = arith.mulf %gather3A_257, %gather3A_261 : vector<16xf32>
      %add3A_263 = arith.addf %add3A_253, %mul3A_262 : vector<16xf32>
      %add3A_264 = arith.constant 16 : i32
      %add3A_265 = vector.broadcast %add3A_264 : i32 to vector<16xi32>
      %add3A_266 = arith.addi %mul3A_82, %add3A_265 : vector<16xi32>
      %gather3A_267 = tpu.vector_load_idx %arg15[%add3A_72, %add3A_266] : memref<256x128xf32, #tpu.memory_space<vmem>>[vector<16xi32>, vector<16xi32>], vector<16xf32>,
      %add3A_268 = arith.constant 16 : i32
      %add3A_269 = vector.broadcast %add3A_268 : i32 to vector<16xi32>
      %add3A_270 = arith.addi %mul3A_95, %add3A_269 : vector<16xi32>
      %gather3A_271 = tpu.vector_load_idx %arg16[%add3A_72, %add3A_270] : memref<256x128xf32, #tpu.memory_space<vmem>>[vector<16xi32>, vector<16xi32>], vector<16xf32>,
      %mul3A_272 = arith.mulf %gather3A_267, %gather3A_271 : vector<16xf32>
      %add3A_273 = arith.addf %add3A_263, %mul3A_272 : vector<16xf32>
      %add3A_274 = arith.constant 17 : i32
      %add3A_275 = vector.broadcast %add3A_274 : i32 to vector<16xi32>
      %add3A_276 = arith.addi %mul3A_82, %add3A_275 : vector<16xi32>
      %gather3A_277 = tpu.vector_load_idx %arg15[%add3A_72, %add3A_276] : memref<256x128xf32, #tpu.memory_space<vmem>>[vector<16xi32>, vector<16xi32>], vector<16xf32>,
      %add3A_278 = arith.constant 17 : i32
      %add3A_279 = vector.broadcast %add3A_278 : i32 to vector<16xi32>
      %add3A_280 = arith.addi %mul3A_95, %add3A_279 : vector<16xi32>
      %gather3A_281 = tpu.vector_load_idx %arg16[%add3A_72, %add3A_280] : memref<256x128xf32, #tpu.memory_space<vmem>>[vector<16xi32>, vector<16xi32>], vector<16xf32>,
      %mul3A_282 = arith.mulf %gather3A_277, %gather3A_281 : vector<16xf32>
      %add3A_283 = arith.addf %add3A_273, %mul3A_282 : vector<16xf32>
      %add3A_284 = arith.constant 18 : i32
      %add3A_285 = vector.broadcast %add3A_284 : i32 to vector<16xi32>
      %add3A_286 = arith.addi %mul3A_82, %add3A_285 : vector<16xi32>
      %gather3A_287 = tpu.vector_load_idx %arg15[%add3A_72, %add3A_286] : memref<256x128xf32, #tpu.memory_space<vmem>>[vector<16xi32>, vector<16xi32>], vector<16xf32>,
      %add3A_288 = arith.constant 18 : i32
      %add3A_289 = vector.broadcast %add3A_288 : i32 to vector<16xi32>
      %add3A_290 = arith.addi %mul3A_95, %add3A_289 : vector<16xi32>
      %gather3A_291 = tpu.vector_load_idx %arg16[%add3A_72, %add3A_290] : memref<256x128xf32, #tpu.memory_space<vmem>>[vector<16xi32>, vector<16xi32>], vector<16xf32>,
      %mul3A_292 = arith.mulf %gather3A_287, %gather3A_291 : vector<16xf32>
      %add3A_293 = arith.addf %add3A_283, %mul3A_292 : vector<16xf32>
      %add3A_294 = arith.constant 19 : i32
      %add3A_295 = vector.broadcast %add3A_294 : i32 to vector<16xi32>
      %add3A_296 = arith.addi %mul3A_82, %add3A_295 : vector<16xi32>
      %gather3A_297 = tpu.vector_load_idx %arg15[%add3A_72, %add3A_296] : memref<256x128xf32, #tpu.memory_space<vmem>>[vector<16xi32>, vector<16xi32>], vector<16xf32>,
      %add3A_298 = arith.constant 19 : i32
      %add3A_299 = vector.broadcast %add3A_298 : i32 to vector<16xi32>
      %add3A_300 = arith.addi %mul3A_95, %add3A_299 : vector<16xi32>
      %gather3A_301 = tpu.vector_load_idx %arg16[%add3A_72, %add3A_300] : memref<256x128xf32, #tpu.memory_space<vmem>>[vector<16xi32>, vector<16xi32>], vector<16xf32>,
      %mul3A_302 = arith.mulf %gather3A_297, %gather3A_301 : vector<16xf32>
      %add3A_303 = arith.addf %add3A_293, %mul3A_302 : vector<16xf32>
      %add3A_304 = arith.constant 20 : i32
      %add3A_305 = vector.broadcast %add3A_304 : i32 to vector<16xi32>
      %add3A_306 = arith.addi %mul3A_82, %add3A_305 : vector<16xi32>
      %gather3A_307 = tpu.vector_load_idx %arg15[%add3A_72, %add3A_306] : memref<256x128xf32, #tpu.memory_space<vmem>>[vector<16xi32>, vector<16xi32>], vector<16xf32>,
      %add3A_308 = arith.constant 20 : i32
      %add3A_309 = vector.broadcast %add3A_308 : i32 to vector<16xi32>
      %add3A_310 = arith.addi %mul3A_95, %add3A_309 : vector<16xi32>
      %gather3A_311 = tpu.vector_load_idx %arg16[%add3A_72, %add3A_310] : memref<256x128xf32, #tpu.memory_space<vmem>>[vector<16xi32>, vector<16xi32>], vector<16xf32>,
      %mul3A_312 = arith.mulf %gather3A_307, %gather3A_311 : vector<16xf32>
      %add3A_313 = arith.addf %add3A_303, %mul3A_312 : vector<16xf32>
      %add3A_314 = arith.constant 21 : i32
      %add3A_315 = vector.broadcast %add3A_314 : i32 to vector<16xi32>
      %add3A_316 = arith.addi %mul3A_82, %add3A_315 : vector<16xi32>
      %gather3A_317 = tpu.vector_load_idx %arg15[%add3A_72, %add3A_316] : memref<256x128xf32, #tpu.memory_space<vmem>>[vector<16xi32>, vector<16xi32>], vector<16xf32>,
      %add3A_318 = arith.constant 21 : i32
      %add3A_319 = vector.broadcast %add3A_318 : i32 to vector<16xi32>
      %add3A_320 = arith.addi %mul3A_95, %add3A_319 : vector<16xi32>
      %gather3A_321 = tpu.vector_load_idx %arg16[%add3A_72, %add3A_320] : memref<256x128xf32, #tpu.memory_space<vmem>>[vector<16xi32>, vector<16xi32>], vector<16xf32>,
      %mul3A_322 = arith.mulf %gather3A_317, %gather3A_321 : vector<16xf32>
      %add3A_323 = arith.addf %add3A_313, %mul3A_322 : vector<16xf32>
      %add3A_324 = arith.constant 22 : i32
      %add3A_325 = vector.broadcast %add3A_324 : i32 to vector<16xi32>
      %add3A_326 = arith.addi %mul3A_82, %add3A_325 : vector<16xi32>
      %gather3A_327 = tpu.vector_load_idx %arg15[%add3A_72, %add3A_326] : memref<256x128xf32, #tpu.memory_space<vmem>>[vector<16xi32>, vector<16xi32>], vector<16xf32>,
      %add3A_328 = arith.constant 22 : i32
      %add3A_329 = vector.broadcast %add3A_328 : i32 to vector<16xi32>
      %add3A_330 = arith.addi %mul3A_95, %add3A_329 : vector<16xi32>
      %gather3A_331 = tpu.vector_load_idx %arg16[%add3A_72, %add3A_330] : memref<256x128xf32, #tpu.memory_space<vmem>>[vector<16xi32>, vector<16xi32>], vector<16xf32>,
      %mul3A_332 = arith.mulf %gather3A_327, %gather3A_331 : vector<16xf32>
      %add3A_333 = arith.addf %add3A_323, %mul3A_332 : vector<16xf32>
      %add3A_334 = arith.constant 23 : i32
      %add3A_335 = vector.broadcast %add3A_334 : i32 to vector<16xi32>
      %add3A_336 = arith.addi %mul3A_82, %add3A_335 : vector<16xi32>
      %gather3A_337 = tpu.vector_load_idx %arg15[%add3A_72, %add3A_336] : memref<256x128xf32, #tpu.memory_space<vmem>>[vector<16xi32>, vector<16xi32>], vector<16xf32>,
      %add3A_338 = arith.constant 23 : i32
      %add3A_339 = vector.broadcast %add3A_338 : i32 to vector<16xi32>
      %add3A_340 = arith.addi %mul3A_95, %add3A_339 : vector<16xi32>
      %gather3A_341 = tpu.vector_load_idx %arg16[%add3A_72, %add3A_340] : memref<256x128xf32, #tpu.memory_space<vmem>>[vector<16xi32>, vector<16xi32>], vector<16xf32>,
      %mul3A_342 = arith.mulf %gather3A_337, %gather3A_341 : vector<16xf32>
      %add3A_343 = arith.addf %add3A_333, %mul3A_342 : vector<16xf32>
      %add3A_344 = arith.constant 24 : i32
      %add3A_345 = vector.broadcast %add3A_344 : i32 to vector<16xi32>
      %add3A_346 = arith.addi %mul3A_82, %add3A_345 : vector<16xi32>
      %gather3A_347 = tpu.vector_load_idx %arg15[%add3A_72, %add3A_346] : memref<256x128xf32, #tpu.memory_space<vmem>>[vector<16xi32>, vector<16xi32>], vector<16xf32>,
      %add3A_348 = arith.constant 24 : i32
      %add3A_349 = vector.broadcast %add3A_348 : i32 to vector<16xi32>
      %add3A_350 = arith.addi %mul3A_95, %add3A_349 : vector<16xi32>
      %gather3A_351 = tpu.vector_load_idx %arg16[%add3A_72, %add3A_350] : memref<256x128xf32, #tpu.memory_space<vmem>>[vector<16xi32>, vector<16xi32>], vector<16xf32>,
      %mul3A_352 = arith.mulf %gather3A_347, %gather3A_351 : vector<16xf32>
      %add3A_353 = arith.addf %add3A_343, %mul3A_352 : vector<16xf32>
      %add3A_354 = arith.constant 25 : i32
      %add3A_355 = vector.broadcast %add3A_354 : i32 to vector<16xi32>
      %add3A_356 = arith.addi %mul3A_82, %add3A_355 : vector<16xi32>
      %gather3A_357 = tpu.vector_load_idx %arg15[%add3A_72, %add3A_356] : memref<256x128xf32, #tpu.memory_space<vmem>>[vector<16xi32>, vector<16xi32>], vector<16xf32>,
      %add3A_358 = arith.constant 25 : i32
      %add3A_359 = vector.broadcast %add3A_358 : i32 to vector<16xi32>
      %add3A_360 = arith.addi %mul3A_95, %add3A_359 : vector<16xi32>
      %gather3A_361 = tpu.vector_load_idx %arg16[%add3A_72, %add3A_360] : memref<256x128xf32, #tpu.memory_space<vmem>>[vector<16xi32>, vector<16xi32>], vector<16xf32>,
      %mul3A_362 = arith.mulf %gather3A_357, %gather3A_361 : vector<16xf32>
      %add3A_363 = arith.addf %add3A_353, %mul3A_362 : vector<16xf32>
      %add3A_364 = arith.constant 26 : i32
      %add3A_365 = vector.broadcast %add3A_364 : i32 to vector<16xi32>
      %add3A_366 = arith.addi %mul3A_82, %add3A_365 : vector<16xi32>
      %gather3A_367 = tpu.vector_load_idx %arg15[%add3A_72, %add3A_366] : memref<256x128xf32, #tpu.memory_space<vmem>>[vector<16xi32>, vector<16xi32>], vector<16xf32>,
      %add3A_368 = arith.constant 26 : i32
      %add3A_369 = vector.broadcast %add3A_368 : i32 to vector<16xi32>
      %add3A_370 = arith.addi %mul3A_95, %add3A_369 : vector<16xi32>
      %gather3A_371 = tpu.vector_load_idx %arg16[%add3A_72, %add3A_370] : memref<256x128xf32, #tpu.memory_space<vmem>>[vector<16xi32>, vector<16xi32>], vector<16xf32>,
      %mul3A_372 = arith.mulf %gather3A_367, %gather3A_371 : vector<16xf32>
      %add3A_373 = arith.addf %add3A_363, %mul3A_372 : vector<16xf32>
      %add3A_374 = arith.constant 27 : i32
      %add3A_375 = vector.broadcast %add3A_374 : i32 to vector<16xi32>
      %add3A_376 = arith.addi %mul3A_82, %add3A_375 : vector<16xi32>
      %gather3A_377 = tpu.vector_load_idx %arg15[%add3A_72, %add3A_376] : memref<256x128xf32, #tpu.memory_space<vmem>>[vector<16xi32>, vector<16xi32>], vector<16xf32>,
      %add3A_378 = arith.constant 27 : i32
      %add3A_379 = vector.broadcast %add3A_378 : i32 to vector<16xi32>
      %add3A_380 = arith.addi %mul3A_95, %add3A_379 : vector<16xi32>
      %gather3A_381 = tpu.vector_load_idx %arg16[%add3A_72, %add3A_380] : memref<256x128xf32, #tpu.memory_space<vmem>>[vector<16xi32>, vector<16xi32>], vector<16xf32>,
      %mul3A_382 = arith.mulf %gather3A_377, %gather3A_381 : vector<16xf32>
      %add3A_383 = arith.addf %add3A_373, %mul3A_382 : vector<16xf32>
      %add3A_384 = arith.constant 28 : i32
      %add3A_385 = vector.broadcast %add3A_384 : i32 to vector<16xi32>
      %add3A_386 = arith.addi %mul3A_82, %add3A_385 : vector<16xi32>
      %gather3A_387 = tpu.vector_load_idx %arg15[%add3A_72, %add3A_386] : memref<256x128xf32, #tpu.memory_space<vmem>>[vector<16xi32>, vector<16xi32>], vector<16xf32>,
      %add3A_388 = arith.constant 28 : i32
      %add3A_389 = vector.broadcast %add3A_388 : i32 to vector<16xi32>
      %add3A_390 = arith.addi %mul3A_95, %add3A_389 : vector<16xi32>
      %gather3A_391 = tpu.vector_load_idx %arg16[%add3A_72, %add3A_390] : memref<256x128xf32, #tpu.memory_space<vmem>>[vector<16xi32>, vector<16xi32>], vector<16xf32>,
      %mul3A_392 = arith.mulf %gather3A_387, %gather3A_391 : vector<16xf32>
      %add3A_393 = arith.addf %add3A_383, %mul3A_392 : vector<16xf32>
      %add3A_394 = arith.constant 29 : i32
      %add3A_395 = vector.broadcast %add3A_394 : i32 to vector<16xi32>
      %add3A_396 = arith.addi %mul3A_82, %add3A_395 : vector<16xi32>
      %gather3A_397 = tpu.vector_load_idx %arg15[%add3A_72, %add3A_396] : memref<256x128xf32, #tpu.memory_space<vmem>>[vector<16xi32>, vector<16xi32>], vector<16xf32>,
      %add3A_398 = arith.constant 29 : i32
      %add3A_399 = vector.broadcast %add3A_398 : i32 to vector<16xi32>
      %add3A_400 = arith.addi %mul3A_95, %add3A_399 : vector<16xi32>
      %gather3A_401 = tpu.vector_load_idx %arg16[%add3A_72, %add3A_400] : memref<256x128xf32, #tpu.memory_space<vmem>>[vector<16xi32>, vector<16xi32>], vector<16xf32>,
      %mul3A_402 = arith.mulf %gather3A_397, %gather3A_401 : vector<16xf32>
      %add3A_403 = arith.addf %add3A_393, %mul3A_402 : vector<16xf32>
      %add3A_404 = arith.constant 30 : i32
      %add3A_405 = vector.broadcast %add3A_404 : i32 to vector<16xi32>
      %add3A_406 = arith.addi %mul3A_82, %add3A_405 : vector<16xi32>
      %gather3A_407 = tpu.vector_load_idx %arg15[%add3A_72, %add3A_406] : memref<256x128xf32, #tpu.memory_space<vmem>>[vector<16xi32>, vector<16xi32>], vector<16xf32>,
      %add3A_408 = arith.constant 30 : i32
      %add3A_409 = vector.broadcast %add3A_408 : i32 to vector<16xi32>
      %add3A_410 = arith.addi %mul3A_95, %add3A_409 : vector<16xi32>
      %gather3A_411 = tpu.vector_load_idx %arg16[%add3A_72, %add3A_410] : memref<256x128xf32, #tpu.memory_space<vmem>>[vector<16xi32>, vector<16xi32>], vector<16xf32>,
      %mul3A_412 = arith.mulf %gather3A_407, %gather3A_411 : vector<16xf32>
      %add3A_413 = arith.addf %add3A_403, %mul3A_412 : vector<16xf32>
      %add3A_414 = arith.constant 31 : i32
      %add3A_415 = vector.broadcast %add3A_414 : i32 to vector<16xi32>
      %add3A_416 = arith.addi %mul3A_82, %add3A_415 : vector<16xi32>
      %gather3A_417 = tpu.vector_load_idx %arg15[%add3A_72, %add3A_416] : memref<256x128xf32, #tpu.memory_space<vmem>>[vector<16xi32>, vector<16xi32>], vector<16xf32>,
      %add3A_418 = arith.constant 31 : i32
      %add3A_419 = vector.broadcast %add3A_418 : i32 to vector<16xi32>
      %add3A_420 = arith.addi %mul3A_95, %add3A_419 : vector<16xi32>
      %gather3A_421 = tpu.vector_load_idx %arg16[%add3A_72, %add3A_420] : memref<256x128xf32, #tpu.memory_space<vmem>>[vector<16xi32>, vector<16xi32>], vector<16xf32>,
      %mul3A_422 = arith.mulf %gather3A_417, %gather3A_421 : vector<16xf32>
      %add3A_423 = arith.addf %add3A_413, %mul3A_422 : vector<16xf32>
      %add3A_424 = arith.constant 32 : i32
      %add3A_425 = vector.broadcast %add3A_424 : i32 to vector<16xi32>
      %add3A_426 = arith.addi %mul3A_82, %add3A_425 : vector<16xi32>
      %gather3A_427 = tpu.vector_load_idx %arg15[%add3A_72, %add3A_426] : memref<256x128xf32, #tpu.memory_space<vmem>>[vector<16xi32>, vector<16xi32>], vector<16xf32>,
      %add3A_428 = arith.constant 32 : i32
      %add3A_429 = vector.broadcast %add3A_428 : i32 to vector<16xi32>
      %add3A_430 = arith.addi %mul3A_95, %add3A_429 : vector<16xi32>
      %gather3A_431 = tpu.vector_load_idx %arg16[%add3A_72, %add3A_430] : memref<256x128xf32, #tpu.memory_space<vmem>>[vector<16xi32>, vector<16xi32>], vector<16xf32>,
      %mul3A_432 = arith.mulf %gather3A_427, %gather3A_431 : vector<16xf32>
      %add3A_433 = arith.addf %add3A_423, %mul3A_432 : vector<16xf32>
      %add3A_434 = arith.constant 33 : i32
      %add3A_435 = vector.broadcast %add3A_434 : i32 to vector<16xi32>
      %add3A_436 = arith.addi %mul3A_82, %add3A_435 : vector<16xi32>
      %gather3A_437 = tpu.vector_load_idx %arg15[%add3A_72, %add3A_436] : memref<256x128xf32, #tpu.memory_space<vmem>>[vector<16xi32>, vector<16xi32>], vector<16xf32>,
      %add3A_438 = arith.constant 33 : i32
      %add3A_439 = vector.broadcast %add3A_438 : i32 to vector<16xi32>
      %add3A_440 = arith.addi %mul3A_95, %add3A_439 : vector<16xi32>
      %gather3A_441 = tpu.vector_load_idx %arg16[%add3A_72, %add3A_440] : memref<256x128xf32, #tpu.memory_space<vmem>>[vector<16xi32>, vector<16xi32>], vector<16xf32>,
      %mul3A_442 = arith.mulf %gather3A_437, %gather3A_441 : vector<16xf32>
      %add3A_443 = arith.addf %add3A_433, %mul3A_442 : vector<16xf32>
      %add3A_444 = arith.constant 34 : i32
      %add3A_445 = vector.broadcast %add3A_444 : i32 to vector<16xi32>
      %add3A_446 = arith.addi %mul3A_82, %add3A_445 : vector<16xi32>
      %gather3A_447 = tpu.vector_load_idx %arg15[%add3A_72, %add3A_446] : memref<256x128xf32, #tpu.memory_space<vmem>>[vector<16xi32>, vector<16xi32>], vector<16xf32>,
      %add3A_448 = arith.constant 34 : i32
      %add3A_449 = vector.broadcast %add3A_448 : i32 to vector<16xi32>
      %add3A_450 = arith.addi %mul3A_95, %add3A_449 : vector<16xi32>
      %gather3A_451 = tpu.vector_load_idx %arg16[%add3A_72, %add3A_450] : memref<256x128xf32, #tpu.memory_space<vmem>>[vector<16xi32>, vector<16xi32>], vector<16xf32>,
      %mul3A_452 = arith.mulf %gather3A_447, %gather3A_451 : vector<16xf32>
      %add3A_453 = arith.addf %add3A_443, %mul3A_452 : vector<16xf32>
      %add3A_454 = arith.constant 35 : i32
      %add3A_455 = vector.broadcast %add3A_454 : i32 to vector<16xi32>
      %add3A_456 = arith.addi %mul3A_82, %add3A_455 : vector<16xi32>
      %gather3A_457 = tpu.vector_load_idx %arg15[%add3A_72, %add3A_456] : memref<256x128xf32, #tpu.memory_space<vmem>>[vector<16xi32>, vector<16xi32>], vector<16xf32>,
      %add3A_458 = arith.constant 35 : i32
      %add3A_459 = vector.broadcast %add3A_458 : i32 to vector<16xi32>
      %add3A_460 = arith.addi %mul3A_95, %add3A_459 : vector<16xi32>
      %gather3A_461 = tpu.vector_load_idx %arg16[%add3A_72, %add3A_460] : memref<256x128xf32, #tpu.memory_space<vmem>>[vector<16xi32>, vector<16xi32>], vector<16xf32>,
      %mul3A_462 = arith.mulf %gather3A_457, %gather3A_461 : vector<16xf32>
      %add3A_463 = arith.addf %add3A_453, %mul3A_462 : vector<16xf32>
      %add3A_464 = arith.constant 36 : i32
      %add3A_465 = vector.broadcast %add3A_464 : i32 to vector<16xi32>
      %add3A_466 = arith.addi %mul3A_82, %add3A_465 : vector<16xi32>
      %gather3A_467 = tpu.vector_load_idx %arg15[%add3A_72, %add3A_466] : memref<256x128xf32, #tpu.memory_space<vmem>>[vector<16xi32>, vector<16xi32>], vector<16xf32>,
      %add3A_468 = arith.constant 36 : i32
      %add3A_469 = vector.broadcast %add3A_468 : i32 to vector<16xi32>
      %add3A_470 = arith.addi %mul3A_95, %add3A_469 : vector<16xi32>
      %gather3A_471 = tpu.vector_load_idx %arg16[%add3A_72, %add3A_470] : memref<256x128xf32, #tpu.memory_space<vmem>>[vector<16xi32>, vector<16xi32>], vector<16xf32>,
      %mul3A_472 = arith.mulf %gather3A_467, %gather3A_471 : vector<16xf32>
      %add3A_473 = arith.addf %add3A_463, %mul3A_472 : vector<16xf32>
      %add3A_474 = arith.constant 37 : i32
      %add3A_475 = vector.broadcast %add3A_474 : i32 to vector<16xi32>
      %add3A_476 = arith.addi %mul3A_82, %add3A_475 : vector<16xi32>
      %gather3A_477 = tpu.vector_load_idx %arg15[%add3A_72, %add3A_476] : memref<256x128xf32, #tpu.memory_space<vmem>>[vector<16xi32>, vector<16xi32>], vector<16xf32>,
      %add3A_478 = arith.constant 37 : i32
      %add3A_479 = vector.broadcast %add3A_478 : i32 to vector<16xi32>
      %add3A_480 = arith.addi %mul3A_95, %add3A_479 : vector<16xi32>
      %gather3A_481 = tpu.vector_load_idx %arg16[%add3A_72, %add3A_480] : memref<256x128xf32, #tpu.memory_space<vmem>>[vector<16xi32>, vector<16xi32>], vector<16xf32>,
      %mul3A_482 = arith.mulf %gather3A_477, %gather3A_481 : vector<16xf32>
      %add3A_483 = arith.addf %add3A_473, %mul3A_482 : vector<16xf32>
      %add3A_484 = arith.constant 38 : i32
      %add3A_485 = vector.broadcast %add3A_484 : i32 to vector<16xi32>
      %add3A_486 = arith.addi %mul3A_82, %add3A_485 : vector<16xi32>
      %gather3A_487 = tpu.vector_load_idx %arg15[%add3A_72, %add3A_486] : memref<256x128xf32, #tpu.memory_space<vmem>>[vector<16xi32>, vector<16xi32>], vector<16xf32>,
      %add3A_488 = arith.constant 38 : i32
      %add3A_489 = vector.broadcast %add3A_488 : i32 to vector<16xi32>
      %add3A_490 = arith.addi %mul3A_95, %add3A_489 : vector<16xi32>
      %gather3A_491 = tpu.vector_load_idx %arg16[%add3A_72, %add3A_490] : memref<256x128xf32, #tpu.memory_space<vmem>>[vector<16xi32>, vector<16xi32>], vector<16xf32>,
      %mul3A_492 = arith.mulf %gather3A_487, %gather3A_491 : vector<16xf32>
      %add3A_493 = arith.addf %add3A_483, %mul3A_492 : vector<16xf32>
      %add3A_494 = arith.constant 39 : i32
      %add3A_495 = vector.broadcast %add3A_494 : i32 to vector<16xi32>
      %add3A_496 = arith.addi %mul3A_82, %add3A_495 : vector<16xi32>
      %gather3A_497 = tpu.vector_load_idx %arg15[%add3A_72, %add3A_496] : memref<256x128xf32, #tpu.memory_space<vmem>>[vector<16xi32>, vector<16xi32>], vector<16xf32>,
      %add3A_498 = arith.constant 39 : i32
      %add3A_499 = vector.broadcast %add3A_498 : i32 to vector<16xi32>
      %add3A_500 = arith.addi %mul3A_95, %add3A_499 : vector<16xi32>
      %gather3A_501 = tpu.vector_load_idx %arg16[%add3A_72, %add3A_500] : memref<256x128xf32, #tpu.memory_space<vmem>>[vector<16xi32>, vector<16xi32>], vector<16xf32>,
      %mul3A_502 = arith.mulf %gather3A_497, %gather3A_501 : vector<16xf32>
      %add3A_503 = arith.addf %add3A_493, %mul3A_502 : vector<16xf32>
      %add3A_504 = arith.constant 40 : i32
      %add3A_505 = vector.broadcast %add3A_504 : i32 to vector<16xi32>
      %add3A_506 = arith.addi %mul3A_82, %add3A_505 : vector<16xi32>
      %gather3A_507 = tpu.vector_load_idx %arg15[%add3A_72, %add3A_506] : memref<256x128xf32, #tpu.memory_space<vmem>>[vector<16xi32>, vector<16xi32>], vector<16xf32>,
      %add3A_508 = arith.constant 40 : i32
      %add3A_509 = vector.broadcast %add3A_508 : i32 to vector<16xi32>
      %add3A_510 = arith.addi %mul3A_95, %add3A_509 : vector<16xi32>
      %gather3A_511 = tpu.vector_load_idx %arg16[%add3A_72, %add3A_510] : memref<256x128xf32, #tpu.memory_space<vmem>>[vector<16xi32>, vector<16xi32>], vector<16xf32>,
      %mul3A_512 = arith.mulf %gather3A_507, %gather3A_511 : vector<16xf32>
      %add3A_513 = arith.addf %add3A_503, %mul3A_512 : vector<16xf32>
      %add3A_514 = arith.constant 41 : i32
      %add3A_515 = vector.broadcast %add3A_514 : i32 to vector<16xi32>
      %add3A_516 = arith.addi %mul3A_82, %add3A_515 : vector<16xi32>
      %gather3A_517 = tpu.vector_load_idx %arg15[%add3A_72, %add3A_516] : memref<256x128xf32, #tpu.memory_space<vmem>>[vector<16xi32>, vector<16xi32>], vector<16xf32>,
      %add3A_518 = arith.constant 41 : i32
      %add3A_519 = vector.broadcast %add3A_518 : i32 to vector<16xi32>
      %add3A_520 = arith.addi %mul3A_95, %add3A_519 : vector<16xi32>
      %gather3A_521 = tpu.vector_load_idx %arg16[%add3A_72, %add3A_520] : memref<256x128xf32, #tpu.memory_space<vmem>>[vector<16xi32>, vector<16xi32>], vector<16xf32>,
      %mul3A_522 = arith.mulf %gather3A_517, %gather3A_521 : vector<16xf32>
      %add3A_523 = arith.addf %add3A_513, %mul3A_522 : vector<16xf32>
      %add3A_524 = arith.constant 42 : i32
      %add3A_525 = vector.broadcast %add3A_524 : i32 to vector<16xi32>
      %add3A_526 = arith.addi %mul3A_82, %add3A_525 : vector<16xi32>
      %gather3A_527 = tpu.vector_load_idx %arg15[%add3A_72, %add3A_526] : memref<256x128xf32, #tpu.memory_space<vmem>>[vector<16xi32>, vector<16xi32>], vector<16xf32>,
      %add3A_528 = arith.constant 42 : i32
      %add3A_529 = vector.broadcast %add3A_528 : i32 to vector<16xi32>
      %add3A_530 = arith.addi %mul3A_95, %add3A_529 : vector<16xi32>
      %gather3A_531 = tpu.vector_load_idx %arg16[%add3A_72, %add3A_530] : memref<256x128xf32, #tpu.memory_space<vmem>>[vector<16xi32>, vector<16xi32>], vector<16xf32>,
      %mul3A_532 = arith.mulf %gather3A_527, %gather3A_531 : vector<16xf32>
      %add3A_533 = arith.addf %add3A_523, %mul3A_532 : vector<16xf32>
      %add3A_534 = arith.constant 43 : i32
      %add3A_535 = vector.broadcast %add3A_534 : i32 to vector<16xi32>
      %add3A_536 = arith.addi %mul3A_82, %add3A_535 : vector<16xi32>
      %gather3A_537 = tpu.vector_load_idx %arg15[%add3A_72, %add3A_536] : memref<256x128xf32, #tpu.memory_space<vmem>>[vector<16xi32>, vector<16xi32>], vector<16xf32>,
      %add3A_538 = arith.constant 43 : i32
      %add3A_539 = vector.broadcast %add3A_538 : i32 to vector<16xi32>
      %add3A_540 = arith.addi %mul3A_95, %add3A_539 : vector<16xi32>
      %gather3A_541 = tpu.vector_load_idx %arg16[%add3A_72, %add3A_540] : memref<256x128xf32, #tpu.memory_space<vmem>>[vector<16xi32>, vector<16xi32>], vector<16xf32>,
      %mul3A_542 = arith.mulf %gather3A_537, %gather3A_541 : vector<16xf32>
      %add3A_543 = arith.addf %add3A_533, %mul3A_542 : vector<16xf32>
      %add3A_544 = arith.constant 44 : i32
      %add3A_545 = vector.broadcast %add3A_544 : i32 to vector<16xi32>
      %add3A_546 = arith.addi %mul3A_82, %add3A_545 : vector<16xi32>
      %gather3A_547 = tpu.vector_load_idx %arg15[%add3A_72, %add3A_546] : memref<256x128xf32, #tpu.memory_space<vmem>>[vector<16xi32>, vector<16xi32>], vector<16xf32>,
      %add3A_548 = arith.constant 44 : i32
      %add3A_549 = vector.broadcast %add3A_548 : i32 to vector<16xi32>
      %add3A_550 = arith.addi %mul3A_95, %add3A_549 : vector<16xi32>
      %gather3A_551 = tpu.vector_load_idx %arg16[%add3A_72, %add3A_550] : memref<256x128xf32, #tpu.memory_space<vmem>>[vector<16xi32>, vector<16xi32>], vector<16xf32>,
      %mul3A_552 = arith.mulf %gather3A_547, %gather3A_551 : vector<16xf32>
      %add3A_553 = arith.addf %add3A_543, %mul3A_552 : vector<16xf32>
      %add3A_554 = arith.constant 45 : i32
      %add3A_555 = vector.broadcast %add3A_554 : i32 to vector<16xi32>
      %add3A_556 = arith.addi %mul3A_82, %add3A_555 : vector<16xi32>
      %gather3A_557 = tpu.vector_load_idx %arg15[%add3A_72, %add3A_556] : memref<256x128xf32, #tpu.memory_space<vmem>>[vector<16xi32>, vector<16xi32>], vector<16xf32>,
      %add3A_558 = arith.constant 45 : i32
      %add3A_559 = vector.broadcast %add3A_558 : i32 to vector<16xi32>
      %add3A_560 = arith.addi %mul3A_95, %add3A_559 : vector<16xi32>
      %gather3A_561 = tpu.vector_load_idx %arg16[%add3A_72, %add3A_560] : memref<256x128xf32, #tpu.memory_space<vmem>>[vector<16xi32>, vector<16xi32>], vector<16xf32>,
      %mul3A_562 = arith.mulf %gather3A_557, %gather3A_561 : vector<16xf32>
      %add3A_563 = arith.addf %add3A_553, %mul3A_562 : vector<16xf32>
      %add3A_564 = arith.constant 46 : i32
      %add3A_565 = vector.broadcast %add3A_564 : i32 to vector<16xi32>
      %add3A_566 = arith.addi %mul3A_82, %add3A_565 : vector<16xi32>
      %gather3A_567 = tpu.vector_load_idx %arg15[%add3A_72, %add3A_566] : memref<256x128xf32, #tpu.memory_space<vmem>>[vector<16xi32>, vector<16xi32>], vector<16xf32>,
      %add3A_568 = arith.constant 46 : i32
      %add3A_569 = vector.broadcast %add3A_568 : i32 to vector<16xi32>
      %add3A_570 = arith.addi %mul3A_95, %add3A_569 : vector<16xi32>
      %gather3A_571 = tpu.vector_load_idx %arg16[%add3A_72, %add3A_570] : memref<256x128xf32, #tpu.memory_space<vmem>>[vector<16xi32>, vector<16xi32>], vector<16xf32>,
      %mul3A_572 = arith.mulf %gather3A_567, %gather3A_571 : vector<16xf32>
      %add3A_573 = arith.addf %add3A_563, %mul3A_572 : vector<16xf32>
      %add3A_574 = arith.constant 47 : i32
      %add3A_575 = vector.broadcast %add3A_574 : i32 to vector<16xi32>
      %add3A_576 = arith.addi %mul3A_82, %add3A_575 : vector<16xi32>
      %gather3A_577 = tpu.vector_load_idx %arg15[%add3A_72, %add3A_576] : memref<256x128xf32, #tpu.memory_space<vmem>>[vector<16xi32>, vector<16xi32>], vector<16xf32>,
      %add3A_578 = arith.constant 47 : i32
      %add3A_579 = vector.broadcast %add3A_578 : i32 to vector<16xi32>
      %add3A_580 = arith.addi %mul3A_95, %add3A_579 : vector<16xi32>
      %gather3A_581 = tpu.vector_load_idx %arg16[%add3A_72, %add3A_580] : memref<256x128xf32, #tpu.memory_space<vmem>>[vector<16xi32>, vector<16xi32>], vector<16xf32>,
      %mul3A_582 = arith.mulf %gather3A_577, %gather3A_581 : vector<16xf32>
      %add3A_583 = arith.addf %add3A_573, %mul3A_582 : vector<16xf32>
      %add3A_584 = arith.constant 48 : i32
      %add3A_585 = vector.broadcast %add3A_584 : i32 to vector<16xi32>
      %add3A_586 = arith.addi %mul3A_82, %add3A_585 : vector<16xi32>
      %gather3A_587 = tpu.vector_load_idx %arg15[%add3A_72, %add3A_586] : memref<256x128xf32, #tpu.memory_space<vmem>>[vector<16xi32>, vector<16xi32>], vector<16xf32>,
      %add3A_588 = arith.constant 48 : i32
      %add3A_589 = vector.broadcast %add3A_588 : i32 to vector<16xi32>
      %add3A_590 = arith.addi %mul3A_95, %add3A_589 : vector<16xi32>
      %gather3A_591 = tpu.vector_load_idx %arg16[%add3A_72, %add3A_590] : memref<256x128xf32, #tpu.memory_space<vmem>>[vector<16xi32>, vector<16xi32>], vector<16xf32>,
      %mul3A_592 = arith.mulf %gather3A_587, %gather3A_591 : vector<16xf32>
      %add3A_593 = arith.addf %add3A_583, %mul3A_592 : vector<16xf32>
      %add3A_594 = arith.constant 49 : i32
      %add3A_595 = vector.broadcast %add3A_594 : i32 to vector<16xi32>
      %add3A_596 = arith.addi %mul3A_82, %add3A_595 : vector<16xi32>
      %gather3A_597 = tpu.vector_load_idx %arg15[%add3A_72, %add3A_596] : memref<256x128xf32, #tpu.memory_space<vmem>>[vector<16xi32>, vector<16xi32>], vector<16xf32>,
      %add3A_598 = arith.constant 49 : i32
      %add3A_599 = vector.broadcast %add3A_598 : i32 to vector<16xi32>
      %add3A_600 = arith.addi %mul3A_95, %add3A_599 : vector<16xi32>
      %gather3A_601 = tpu.vector_load_idx %arg16[%add3A_72, %add3A_600] : memref<256x128xf32, #tpu.memory_space<vmem>>[vector<16xi32>, vector<16xi32>], vector<16xf32>,
      %mul3A_602 = arith.mulf %gather3A_597, %gather3A_601 : vector<16xf32>
      %add3A_603 = arith.addf %add3A_593, %mul3A_602 : vector<16xf32>
      %add3A_604 = arith.constant 50 : i32
      %add3A_605 = vector.broadcast %add3A_604 : i32 to vector<16xi32>
      %add3A_606 = arith.addi %mul3A_82, %add3A_605 : vector<16xi32>
      %gather3A_607 = tpu.vector_load_idx %arg15[%add3A_72, %add3A_606] : memref<256x128xf32, #tpu.memory_space<vmem>>[vector<16xi32>, vector<16xi32>], vector<16xf32>,
      %add3A_608 = arith.constant 50 : i32
      %add3A_609 = vector.broadcast %add3A_608 : i32 to vector<16xi32>
      %add3A_610 = arith.addi %mul3A_95, %add3A_609 : vector<16xi32>
      %gather3A_611 = tpu.vector_load_idx %arg16[%add3A_72, %add3A_610] : memref<256x128xf32, #tpu.memory_space<vmem>>[vector<16xi32>, vector<16xi32>], vector<16xf32>,
      %mul3A_612 = arith.mulf %gather3A_607, %gather3A_611 : vector<16xf32>
      %add3A_613 = arith.addf %add3A_603, %mul3A_612 : vector<16xf32>
      %add3A_614 = arith.constant 51 : i32
      %add3A_615 = vector.broadcast %add3A_614 : i32 to vector<16xi32>
      %add3A_616 = arith.addi %mul3A_82, %add3A_615 : vector<16xi32>
      %gather3A_617 = tpu.vector_load_idx %arg15[%add3A_72, %add3A_616] : memref<256x128xf32, #tpu.memory_space<vmem>>[vector<16xi32>, vector<16xi32>], vector<16xf32>,
      %add3A_618 = arith.constant 51 : i32
      %add3A_619 = vector.broadcast %add3A_618 : i32 to vector<16xi32>
      %add3A_620 = arith.addi %mul3A_95, %add3A_619 : vector<16xi32>
      %gather3A_621 = tpu.vector_load_idx %arg16[%add3A_72, %add3A_620] : memref<256x128xf32, #tpu.memory_space<vmem>>[vector<16xi32>, vector<16xi32>], vector<16xf32>,
      %mul3A_622 = arith.mulf %gather3A_617, %gather3A_621 : vector<16xf32>
      %add3A_623 = arith.addf %add3A_613, %mul3A_622 : vector<16xf32>
      %add3A_624 = arith.constant 52 : i32
      %add3A_625 = vector.broadcast %add3A_624 : i32 to vector<16xi32>
      %add3A_626 = arith.addi %mul3A_82, %add3A_625 : vector<16xi32>
      %gather3A_627 = tpu.vector_load_idx %arg15[%add3A_72, %add3A_626] : memref<256x128xf32, #tpu.memory_space<vmem>>[vector<16xi32>, vector<16xi32>], vector<16xf32>,
      %add3A_628 = arith.constant 52 : i32
      %add3A_629 = vector.broadcast %add3A_628 : i32 to vector<16xi32>
      %add3A_630 = arith.addi %mul3A_95, %add3A_629 : vector<16xi32>
      %gather3A_631 = tpu.vector_load_idx %arg16[%add3A_72, %add3A_630] : memref<256x128xf32, #tpu.memory_space<vmem>>[vector<16xi32>, vector<16xi32>], vector<16xf32>,
      %mul3A_632 = arith.mulf %gather3A_627, %gather3A_631 : vector<16xf32>
      %add3A_633 = arith.addf %add3A_623, %mul3A_632 : vector<16xf32>
      %add3A_634 = arith.constant 53 : i32
      %add3A_635 = vector.broadcast %add3A_634 : i32 to vector<16xi32>
      %add3A_636 = arith.addi %mul3A_82, %add3A_635 : vector<16xi32>
      %gather3A_637 = tpu.vector_load_idx %arg15[%add3A_72, %add3A_636] : memref<256x128xf32, #tpu.memory_space<vmem>>[vector<16xi32>, vector<16xi32>], vector<16xf32>,
      %add3A_638 = arith.constant 53 : i32
      %add3A_639 = vector.broadcast %add3A_638 : i32 to vector<16xi32>
      %add3A_640 = arith.addi %mul3A_95, %add3A_639 : vector<16xi32>
      %gather3A_641 = tpu.vector_load_idx %arg16[%add3A_72, %add3A_640] : memref<256x128xf32, #tpu.memory_space<vmem>>[vector<16xi32>, vector<16xi32>], vector<16xf32>,
      %mul3A_642 = arith.mulf %gather3A_637, %gather3A_641 : vector<16xf32>
      %add3A_643 = arith.addf %add3A_633, %mul3A_642 : vector<16xf32>
      %add3A_644 = arith.constant 54 : i32
      %add3A_645 = vector.broadcast %add3A_644 : i32 to vector<16xi32>
      %add3A_646 = arith.addi %mul3A_82, %add3A_645 : vector<16xi32>
      %gather3A_647 = tpu.vector_load_idx %arg15[%add3A_72, %add3A_646] : memref<256x128xf32, #tpu.memory_space<vmem>>[vector<16xi32>, vector<16xi32>], vector<16xf32>,
      %add3A_648 = arith.constant 54 : i32
      %add3A_649 = vector.broadcast %add3A_648 : i32 to vector<16xi32>
      %add3A_650 = arith.addi %mul3A_95, %add3A_649 : vector<16xi32>
      %gather3A_651 = tpu.vector_load_idx %arg16[%add3A_72, %add3A_650] : memref<256x128xf32, #tpu.memory_space<vmem>>[vector<16xi32>, vector<16xi32>], vector<16xf32>,
      %mul3A_652 = arith.mulf %gather3A_647, %gather3A_651 : vector<16xf32>
      %add3A_653 = arith.addf %add3A_643, %mul3A_652 : vector<16xf32>
      %add3A_654 = arith.constant 55 : i32
      %add3A_655 = vector.broadcast %add3A_654 : i32 to vector<16xi32>
      %add3A_656 = arith.addi %mul3A_82, %add3A_655 : vector<16xi32>
      %gather3A_657 = tpu.vector_load_idx %arg15[%add3A_72, %add3A_656] : memref<256x128xf32, #tpu.memory_space<vmem>>[vector<16xi32>, vector<16xi32>], vector<16xf32>,
      %add3A_658 = arith.constant 55 : i32
      %add3A_659 = vector.broadcast %add3A_658 : i32 to vector<16xi32>
      %add3A_660 = arith.addi %mul3A_95, %add3A_659 : vector<16xi32>
      %gather3A_661 = tpu.vector_load_idx %arg16[%add3A_72, %add3A_660] : memref<256x128xf32, #tpu.memory_space<vmem>>[vector<16xi32>, vector<16xi32>], vector<16xf32>,
      %mul3A_662 = arith.mulf %gather3A_657, %gather3A_661 : vector<16xf32>
      %add3A_663 = arith.addf %add3A_653, %mul3A_662 : vector<16xf32>
      %add3A_664 = arith.constant 56 : i32
      %add3A_665 = vector.broadcast %add3A_664 : i32 to vector<16xi32>
      %add3A_666 = arith.addi %mul3A_82, %add3A_665 : vector<16xi32>
      %gather3A_667 = tpu.vector_load_idx %arg15[%add3A_72, %add3A_666] : memref<256x128xf32, #tpu.memory_space<vmem>>[vector<16xi32>, vector<16xi32>], vector<16xf32>,
      %add3A_668 = arith.constant 56 : i32
      %add3A_669 = vector.broadcast %add3A_668 : i32 to vector<16xi32>
      %add3A_670 = arith.addi %mul3A_95, %add3A_669 : vector<16xi32>
      %gather3A_671 = tpu.vector_load_idx %arg16[%add3A_72, %add3A_670] : memref<256x128xf32, #tpu.memory_space<vmem>>[vector<16xi32>, vector<16xi32>], vector<16xf32>,
      %mul3A_672 = arith.mulf %gather3A_667, %gather3A_671 : vector<16xf32>
      %add3A_673 = arith.addf %add3A_663, %mul3A_672 : vector<16xf32>
      %add3A_674 = arith.constant 57 : i32
      %add3A_675 = vector.broadcast %add3A_674 : i32 to vector<16xi32>
      %add3A_676 = arith.addi %mul3A_82, %add3A_675 : vector<16xi32>
      %gather3A_677 = tpu.vector_load_idx %arg15[%add3A_72, %add3A_676] : memref<256x128xf32, #tpu.memory_space<vmem>>[vector<16xi32>, vector<16xi32>], vector<16xf32>,
      %add3A_678 = arith.constant 57 : i32
      %add3A_679 = vector.broadcast %add3A_678 : i32 to vector<16xi32>
      %add3A_680 = arith.addi %mul3A_95, %add3A_679 : vector<16xi32>
      %gather3A_681 = tpu.vector_load_idx %arg16[%add3A_72, %add3A_680] : memref<256x128xf32, #tpu.memory_space<vmem>>[vector<16xi32>, vector<16xi32>], vector<16xf32>,
      %mul3A_682 = arith.mulf %gather3A_677, %gather3A_681 : vector<16xf32>
      %add3A_683 = arith.addf %add3A_673, %mul3A_682 : vector<16xf32>
      %add3A_684 = arith.constant 58 : i32
      %add3A_685 = vector.broadcast %add3A_684 : i32 to vector<16xi32>
      %add3A_686 = arith.addi %mul3A_82, %add3A_685 : vector<16xi32>
      %gather3A_687 = tpu.vector_load_idx %arg15[%add3A_72, %add3A_686] : memref<256x128xf32, #tpu.memory_space<vmem>>[vector<16xi32>, vector<16xi32>], vector<16xf32>,
      %add3A_688 = arith.constant 58 : i32
      %add3A_689 = vector.broadcast %add3A_688 : i32 to vector<16xi32>
      %add3A_690 = arith.addi %mul3A_95, %add3A_689 : vector<16xi32>
      %gather3A_691 = tpu.vector_load_idx %arg16[%add3A_72, %add3A_690] : memref<256x128xf32, #tpu.memory_space<vmem>>[vector<16xi32>, vector<16xi32>], vector<16xf32>,
      %mul3A_692 = arith.mulf %gather3A_687, %gather3A_691 : vector<16xf32>
      %add3A_693 = arith.addf %add3A_683, %mul3A_692 : vector<16xf32>
      %add3A_694 = arith.constant 59 : i32
      %add3A_695 = vector.broadcast %add3A_694 : i32 to vector<16xi32>
      %add3A_696 = arith.addi %mul3A_82, %add3A_695 : vector<16xi32>
      %gather3A_697 = tpu.vector_load_idx %arg15[%add3A_72, %add3A_696] : memref<256x128xf32, #tpu.memory_space<vmem>>[vector<16xi32>, vector<16xi32>], vector<16xf32>,
      %add3A_698 = arith.constant 59 : i32
      %add3A_699 = vector.broadcast %add3A_698 : i32 to vector<16xi32>
      %add3A_700 = arith.addi %mul3A_95, %add3A_699 : vector<16xi32>
      %gather3A_701 = tpu.vector_load_idx %arg16[%add3A_72, %add3A_700] : memref<256x128xf32, #tpu.memory_space<vmem>>[vector<16xi32>, vector<16xi32>], vector<16xf32>,
      %mul3A_702 = arith.mulf %gather3A_697, %gather3A_701 : vector<16xf32>
      %add3A_703 = arith.addf %add3A_693, %mul3A_702 : vector<16xf32>
      %add3A_704 = arith.constant 60 : i32
      %add3A_705 = vector.broadcast %add3A_704 : i32 to vector<16xi32>
      %add3A_706 = arith.addi %mul3A_82, %add3A_705 : vector<16xi32>
      %gather3A_707 = tpu.vector_load_idx %arg15[%add3A_72, %add3A_706] : memref<256x128xf32, #tpu.memory_space<vmem>>[vector<16xi32>, vector<16xi32>], vector<16xf32>,
      %add3A_708 = arith.constant 60 : i32
      %add3A_709 = vector.broadcast %add3A_708 : i32 to vector<16xi32>
      %add3A_710 = arith.addi %mul3A_95, %add3A_709 : vector<16xi32>
      %gather3A_711 = tpu.vector_load_idx %arg16[%add3A_72, %add3A_710] : memref<256x128xf32, #tpu.memory_space<vmem>>[vector<16xi32>, vector<16xi32>], vector<16xf32>,
      %mul3A_712 = arith.mulf %gather3A_707, %gather3A_711 : vector<16xf32>
      %add3A_713 = arith.addf %add3A_703, %mul3A_712 : vector<16xf32>
      %add3A_714 = arith.constant 61 : i32
      %add3A_715 = vector.broadcast %add3A_714 : i32 to vector<16xi32>
      %add3A_716 = arith.addi %mul3A_82, %add3A_715 : vector<16xi32>
      %gather3A_717 = tpu.vector_load_idx %arg15[%add3A_72, %add3A_716] : memref<256x128xf32, #tpu.memory_space<vmem>>[vector<16xi32>, vector<16xi32>], vector<16xf32>,
      %add3A_718 = arith.constant 61 : i32
      %add3A_719 = vector.broadcast %add3A_718 : i32 to vector<16xi32>
      %add3A_720 = arith.addi %mul3A_95, %add3A_719 : vector<16xi32>
      %gather3A_721 = tpu.vector_load_idx %arg16[%add3A_72, %add3A_720] : memref<256x128xf32, #tpu.memory_space<vmem>>[vector<16xi32>, vector<16xi32>], vector<16xf32>,
      %mul3A_722 = arith.mulf %gather3A_717, %gather3A_721 : vector<16xf32>
      %add3A_723 = arith.addf %add3A_713, %mul3A_722 : vector<16xf32>
      %add3A_724 = arith.constant 62 : i32
      %add3A_725 = vector.broadcast %add3A_724 : i32 to vector<16xi32>
      %add3A_726 = arith.addi %mul3A_82, %add3A_725 : vector<16xi32>
      %gather3A_727 = tpu.vector_load_idx %arg15[%add3A_72, %add3A_726] : memref<256x128xf32, #tpu.memory_space<vmem>>[vector<16xi32>, vector<16xi32>], vector<16xf32>,
      %add3A_728 = arith.constant 62 : i32
      %add3A_729 = vector.broadcast %add3A_728 : i32 to vector<16xi32>
      %add3A_730 = arith.addi %mul3A_95, %add3A_729 : vector<16xi32>
      %gather3A_731 = tpu.vector_load_idx %arg16[%add3A_72, %add3A_730] : memref<256x128xf32, #tpu.memory_space<vmem>>[vector<16xi32>, vector<16xi32>], vector<16xf32>,
      %mul3A_732 = arith.mulf %gather3A_727, %gather3A_731 : vector<16xf32>
      %add3A_733 = arith.addf %add3A_723, %mul3A_732 : vector<16xf32>
      %add3A_734 = arith.constant 63 : i32
      %add3A_735 = vector.broadcast %add3A_734 : i32 to vector<16xi32>
      %add3A_736 = arith.addi %mul3A_82, %add3A_735 : vector<16xi32>
      %gather3A_737 = tpu.vector_load_idx %arg15[%add3A_72, %add3A_736] : memref<256x128xf32, #tpu.memory_space<vmem>>[vector<16xi32>, vector<16xi32>], vector<16xf32>,
      %add3A_738 = arith.constant 63 : i32
      %add3A_739 = vector.broadcast %add3A_738 : i32 to vector<16xi32>
      %add3A_740 = arith.addi %mul3A_95, %add3A_739 : vector<16xi32>
      %gather3A_741 = tpu.vector_load_idx %arg16[%add3A_72, %add3A_740] : memref<256x128xf32, #tpu.memory_space<vmem>>[vector<16xi32>, vector<16xi32>], vector<16xf32>,
      %mul3A_742 = arith.mulf %gather3A_737, %gather3A_741 : vector<16xf32>
      %add3A_743 = arith.addf %add3A_733, %mul3A_742 : vector<16xf32>
      %add3A_744 = arith.constant 0 : i32
      %add3A_745 = arith.addi %add3A_744, %mul3A_70 : i32
      %swap3A = arith.index_cast %add3A_745 : i32 to index
      %swap3A_746 = tpu.vector_load %arg19[%swap3A] {strides = array<i32>} : memref<512xf32, #tpu.memory_space<vmem>>, vector<16xf32>,
      tpu.vector_store %arg19[%swap3A], %add3A_743 {strides = array<i32>} : memref<512xf32, #tpu.memory_space<vmem>>, vector<16xf32>,
    }
    %scan3A_49 = arith.constant 16 : i32
    %dma_start3A_50 = arith.constant 0 : i32
    %dma_start3A_51 = arith.constant 0 : i32
    %dma_start3A_52 = tpu.memref_slice %arg4[%dma_start3A_50, %dma_start3A_51] : memref<507904x128xf32, #tpu.memory_space<hbm>> -> memref<507904x128xf32, #tpu.memory_space<hbm>>
    tpu.enqueue_indirect_dma source(%dma_start3A_52 : memref<507904x128xf32, #tpu.memory_space<hbm>>) target(%arg15 : memref<256x128xf32, #tpu.memory_space<vmem>>) offsets(%arg12 : memref<256xi32, #tpu.memory_space<vmem>>) semaphore(%arg20 : memref<!tpu.dma_semaphore, #tpu.memory_space<semaphore_mem>>)
    %dma_start3A_53 = arith.constant 0 : i32
    %dma_start3A_54 = arith.constant 0 : i32
    %dma_start3A_55 = tpu.memref_slice %arg5[%dma_start3A_53, %dma_start3A_54] : memref<507904x128xf32, #tpu.memory_space<hbm>> -> memref<507904x128xf32, #tpu.memory_space<hbm>>
    tpu.enqueue_indirect_dma source(%dma_start3A_55 : memref<507904x128xf32, #tpu.memory_space<hbm>>) target(%arg16 : memref<256x128xf32, #tpu.memory_space<vmem>>) offsets(%arg14 : memref<256xi32, #tpu.memory_space<vmem>>) semaphore(%arg20 : memref<!tpu.dma_semaphore, #tpu.memory_space<semaphore_mem>>)
    %dma_wait3A_56 = arith.constant 0 : i32
    %dma_wait3A_57 = arith.constant 0 : i32
    %dma_wait3A_58 = tpu.memref_slice %arg4[%dma_wait3A_56, %dma_wait3A_57] : memref<507904x128xf32, #tpu.memory_space<hbm>> -> memref<507904x128xf32, #tpu.memory_space<hbm>>
    tpu.wait_indirect_dma semaphore(%arg20 : memref<!tpu.dma_semaphore, #tpu.memory_space<semaphore_mem>>) src(%dma_wait3A_58 : memref<507904x128xf32, #tpu.memory_space<hbm>>) dst(%arg15 : memref<256x128xf32, #tpu.memory_space<vmem>>)
    %dma_wait3A_59 = arith.constant 0 : i32
    %dma_wait3A_60 = arith.constant 0 : i32
    %dma_wait3A_61 = tpu.memref_slice %arg5[%dma_wait3A_59, %dma_wait3A_60] : memref<507904x128xf32, #tpu.memory_space<hbm>> -> memref<507904x128xf32, #tpu.memory_space<hbm>>
    tpu.wait_indirect_dma semaphore(%arg20 : memref<!tpu.dma_semaphore, #tpu.memory_space<semaphore_mem>>) src(%dma_wait3A_61 : memref<507904x128xf32, #tpu.memory_space<hbm>>) dst(%arg16 : memref<256x128xf32, #tpu.memory_space<vmem>>)
    %scan3A_62 = arith.constant 0 : i32
    %scan3A_63 = arith.constant 0 : i32
    %scan3A_64 = arith.constant 16 : i32
    %scan3A_65 = arith.addi %scan3A_63, %scan3A_64 : i32
    %scan3A_66 = arith.constant 1 : i32
    scf.for %scan3A_68 = %scan3A_63 to %scan3A_65 step %scan3A_66  : i32 {
      %mul3A_69 = arith.constant 16 : i32
      %mul3A_70 = arith.muli %scan3A_68, %mul3A_69 : i32
      %iota3A = tpu.iota {dimensions = array<i32: 0>} : vector<16xi32>
      %add3A_71 = vector.broadcast %mul3A_70 : i32 to vector<16xi32>
      %add3A_72 = arith.addi %iota3A, %add3A_71 : vector<16xi32>
      %add3A_73 = arith.constant 256 : i32
      %add3A_74 = arith.addi %add3A_73, %mul3A_70 : i32
      %get3A = arith.index_cast %add3A_74 : i32 to index
      %get3A_75 = tpu.vector_load %arg9[%get3A] {strides = array<i32>} : memref<512xi32, #tpu.memory_space<vmem>>, vector<16xi32>,
      %shift_right_arithmetic3A = arith.constant 13 : i32
      %shift_right_arithmetic3A_76 = vector.broadcast %shift_right_arithmetic3A : i32 to vector<16xi32>
      %shift_right_arithmetic3A_77 = arith.shrsi %get3A_75, %shift_right_arithmetic3A_76 : vector<16xi32>
      %and3A = arith.constant 1 : i32
      %and3A_78 = vector.broadcast %and3A : i32 to vector<16xi32>
      %and3A_79 = arith.andi %shift_right_arithmetic3A_77, %and3A_78 : vector<16xi32>
      %mul3A_80 = arith.constant 64 : i32
      %mul3A_81 = vector.broadcast %mul3A_80 : i32 to vector<16xi32>
      %mul3A_82 = arith.muli %and3A_79, %mul3A_81 : vector<16xi32>
      %add3A_83 = arith.constant 256 : i32
      %add3A_84 = arith.addi %add3A_83, %mul3A_70 : i32
      %get3A_85 = arith.index_cast %add3A_84 : i32 to index
      %get3A_86 = tpu.vector_load %arg10[%get3A_85] {strides = array<i32>} : memref<512xi32, #tpu.memory_space<vmem>>, vector<16xi32>,
      %shift_right_arithmetic3A_87 = arith.constant 13 : i32
      %shift_right_arithmetic3A_88 = vector.broadcast %shift_right_arithmetic3A_87 : i32 to vector<16xi32>
      %shift_right_arithmetic3A_89 = arith.shrsi %get3A_86, %shift_right_arithmetic3A_88 : vector<16xi32>
      %and3A_90 = arith.constant 1 : i32
      %and3A_91 = vector.broadcast %and3A_90 : i32 to vector<16xi32>
      %and3A_92 = arith.andi %shift_right_arithmetic3A_89, %and3A_91 : vector<16xi32>
      %mul3A_93 = arith.constant 64 : i32
      %mul3A_94 = vector.broadcast %mul3A_93 : i32 to vector<16xi32>
      %mul3A_95 = arith.muli %and3A_92, %mul3A_94 : vector<16xi32>
      %add3A_96 = arith.constant 256 : i32
      %add3A_97 = arith.addi %add3A_96, %mul3A_70 : i32
      %get3A_98 = arith.index_cast %add3A_97 : i32 to index
      %get3A_99 = tpu.vector_load %arg17[%get3A_98] {strides = array<i32>} : memref<512xf32, #tpu.memory_space<vmem>>, vector<16xf32>,
      %add3A_100 = arith.constant 256 : i32
      %add3A_101 = arith.addi %add3A_100, %mul3A_70 : i32
      %get3A_102 = arith.index_cast %add3A_101 : i32 to index
      %get3A_103 = tpu.vector_load %arg18[%get3A_102] {strides = array<i32>} : memref<512xf32, #tpu.memory_space<vmem>>, vector<16xf32>,
      %add3A_104 = arith.addf %get3A_99, %get3A_103 : vector<16xf32>
      %add3A_105 = arith.constant 0 : i32
      %add3A_106 = vector.broadcast %add3A_105 : i32 to vector<16xi32>
      %add3A_107 = arith.addi %mul3A_82, %add3A_106 : vector<16xi32>
      %gather3A = tpu.vector_load_idx %arg15[%add3A_72, %add3A_107] : memref<256x128xf32, #tpu.memory_space<vmem>>[vector<16xi32>, vector<16xi32>], vector<16xf32>,
      %add3A_108 = arith.constant 0 : i32
      %add3A_109 = vector.broadcast %add3A_108 : i32 to vector<16xi32>
      %add3A_110 = arith.addi %mul3A_95, %add3A_109 : vector<16xi32>
      %gather3A_111 = tpu.vector_load_idx %arg16[%add3A_72, %add3A_110] : memref<256x128xf32, #tpu.memory_space<vmem>>[vector<16xi32>, vector<16xi32>], vector<16xf32>,
      %mul3A_112 = arith.mulf %gather3A, %gather3A_111 : vector<16xf32>
      %add3A_113 = arith.addf %add3A_104, %mul3A_112 : vector<16xf32>
      %add3A_114 = arith.constant 1 : i32
      %add3A_115 = vector.broadcast %add3A_114 : i32 to vector<16xi32>
      %add3A_116 = arith.addi %mul3A_82, %add3A_115 : vector<16xi32>
      %gather3A_117 = tpu.vector_load_idx %arg15[%add3A_72, %add3A_116] : memref<256x128xf32, #tpu.memory_space<vmem>>[vector<16xi32>, vector<16xi32>], vector<16xf32>,
      %add3A_118 = arith.constant 1 : i32
      %add3A_119 = vector.broadcast %add3A_118 : i32 to vector<16xi32>
      %add3A_120 = arith.addi %mul3A_95, %add3A_119 : vector<16xi32>
      %gather3A_121 = tpu.vector_load_idx %arg16[%add3A_72, %add3A_120] : memref<256x128xf32, #tpu.memory_space<vmem>>[vector<16xi32>, vector<16xi32>], vector<16xf32>,
      %mul3A_122 = arith.mulf %gather3A_117, %gather3A_121 : vector<16xf32>
      %add3A_123 = arith.addf %add3A_113, %mul3A_122 : vector<16xf32>
      %add3A_124 = arith.constant 2 : i32
      %add3A_125 = vector.broadcast %add3A_124 : i32 to vector<16xi32>
      %add3A_126 = arith.addi %mul3A_82, %add3A_125 : vector<16xi32>
      %gather3A_127 = tpu.vector_load_idx %arg15[%add3A_72, %add3A_126] : memref<256x128xf32, #tpu.memory_space<vmem>>[vector<16xi32>, vector<16xi32>], vector<16xf32>,
      %add3A_128 = arith.constant 2 : i32
      %add3A_129 = vector.broadcast %add3A_128 : i32 to vector<16xi32>
      %add3A_130 = arith.addi %mul3A_95, %add3A_129 : vector<16xi32>
      %gather3A_131 = tpu.vector_load_idx %arg16[%add3A_72, %add3A_130] : memref<256x128xf32, #tpu.memory_space<vmem>>[vector<16xi32>, vector<16xi32>], vector<16xf32>,
      %mul3A_132 = arith.mulf %gather3A_127, %gather3A_131 : vector<16xf32>
      %add3A_133 = arith.addf %add3A_123, %mul3A_132 : vector<16xf32>
      %add3A_134 = arith.constant 3 : i32
      %add3A_135 = vector.broadcast %add3A_134 : i32 to vector<16xi32>
      %add3A_136 = arith.addi %mul3A_82, %add3A_135 : vector<16xi32>
      %gather3A_137 = tpu.vector_load_idx %arg15[%add3A_72, %add3A_136] : memref<256x128xf32, #tpu.memory_space<vmem>>[vector<16xi32>, vector<16xi32>], vector<16xf32>,
      %add3A_138 = arith.constant 3 : i32
      %add3A_139 = vector.broadcast %add3A_138 : i32 to vector<16xi32>
      %add3A_140 = arith.addi %mul3A_95, %add3A_139 : vector<16xi32>
      %gather3A_141 = tpu.vector_load_idx %arg16[%add3A_72, %add3A_140] : memref<256x128xf32, #tpu.memory_space<vmem>>[vector<16xi32>, vector<16xi32>], vector<16xf32>,
      %mul3A_142 = arith.mulf %gather3A_137, %gather3A_141 : vector<16xf32>
      %add3A_143 = arith.addf %add3A_133, %mul3A_142 : vector<16xf32>
      %add3A_144 = arith.constant 4 : i32
      %add3A_145 = vector.broadcast %add3A_144 : i32 to vector<16xi32>
      %add3A_146 = arith.addi %mul3A_82, %add3A_145 : vector<16xi32>
      %gather3A_147 = tpu.vector_load_idx %arg15[%add3A_72, %add3A_146] : memref<256x128xf32, #tpu.memory_space<vmem>>[vector<16xi32>, vector<16xi32>], vector<16xf32>,
      %add3A_148 = arith.constant 4 : i32
      %add3A_149 = vector.broadcast %add3A_148 : i32 to vector<16xi32>
      %add3A_150 = arith.addi %mul3A_95, %add3A_149 : vector<16xi32>
      %gather3A_151 = tpu.vector_load_idx %arg16[%add3A_72, %add3A_150] : memref<256x128xf32, #tpu.memory_space<vmem>>[vector<16xi32>, vector<16xi32>], vector<16xf32>,
      %mul3A_152 = arith.mulf %gather3A_147, %gather3A_151 : vector<16xf32>
      %add3A_153 = arith.addf %add3A_143, %mul3A_152 : vector<16xf32>
      %add3A_154 = arith.constant 5 : i32
      %add3A_155 = vector.broadcast %add3A_154 : i32 to vector<16xi32>
      %add3A_156 = arith.addi %mul3A_82, %add3A_155 : vector<16xi32>
      %gather3A_157 = tpu.vector_load_idx %arg15[%add3A_72, %add3A_156] : memref<256x128xf32, #tpu.memory_space<vmem>>[vector<16xi32>, vector<16xi32>], vector<16xf32>,
      %add3A_158 = arith.constant 5 : i32
      %add3A_159 = vector.broadcast %add3A_158 : i32 to vector<16xi32>
      %add3A_160 = arith.addi %mul3A_95, %add3A_159 : vector<16xi32>
      %gather3A_161 = tpu.vector_load_idx %arg16[%add3A_72, %add3A_160] : memref<256x128xf32, #tpu.memory_space<vmem>>[vector<16xi32>, vector<16xi32>], vector<16xf32>,
      %mul3A_162 = arith.mulf %gather3A_157, %gather3A_161 : vector<16xf32>
      %add3A_163 = arith.addf %add3A_153, %mul3A_162 : vector<16xf32>
      %add3A_164 = arith.constant 6 : i32
      %add3A_165 = vector.broadcast %add3A_164 : i32 to vector<16xi32>
      %add3A_166 = arith.addi %mul3A_82, %add3A_165 : vector<16xi32>
      %gather3A_167 = tpu.vector_load_idx %arg15[%add3A_72, %add3A_166] : memref<256x128xf32, #tpu.memory_space<vmem>>[vector<16xi32>, vector<16xi32>], vector<16xf32>,
      %add3A_168 = arith.constant 6 : i32
      %add3A_169 = vector.broadcast %add3A_168 : i32 to vector<16xi32>
      %add3A_170 = arith.addi %mul3A_95, %add3A_169 : vector<16xi32>
      %gather3A_171 = tpu.vector_load_idx %arg16[%add3A_72, %add3A_170] : memref<256x128xf32, #tpu.memory_space<vmem>>[vector<16xi32>, vector<16xi32>], vector<16xf32>,
      %mul3A_172 = arith.mulf %gather3A_167, %gather3A_171 : vector<16xf32>
      %add3A_173 = arith.addf %add3A_163, %mul3A_172 : vector<16xf32>
      %add3A_174 = arith.constant 7 : i32
      %add3A_175 = vector.broadcast %add3A_174 : i32 to vector<16xi32>
      %add3A_176 = arith.addi %mul3A_82, %add3A_175 : vector<16xi32>
      %gather3A_177 = tpu.vector_load_idx %arg15[%add3A_72, %add3A_176] : memref<256x128xf32, #tpu.memory_space<vmem>>[vector<16xi32>, vector<16xi32>], vector<16xf32>,
      %add3A_178 = arith.constant 7 : i32
      %add3A_179 = vector.broadcast %add3A_178 : i32 to vector<16xi32>
      %add3A_180 = arith.addi %mul3A_95, %add3A_179 : vector<16xi32>
      %gather3A_181 = tpu.vector_load_idx %arg16[%add3A_72, %add3A_180] : memref<256x128xf32, #tpu.memory_space<vmem>>[vector<16xi32>, vector<16xi32>], vector<16xf32>,
      %mul3A_182 = arith.mulf %gather3A_177, %gather3A_181 : vector<16xf32>
      %add3A_183 = arith.addf %add3A_173, %mul3A_182 : vector<16xf32>
      %add3A_184 = arith.constant 8 : i32
      %add3A_185 = vector.broadcast %add3A_184 : i32 to vector<16xi32>
      %add3A_186 = arith.addi %mul3A_82, %add3A_185 : vector<16xi32>
      %gather3A_187 = tpu.vector_load_idx %arg15[%add3A_72, %add3A_186] : memref<256x128xf32, #tpu.memory_space<vmem>>[vector<16xi32>, vector<16xi32>], vector<16xf32>,
      %add3A_188 = arith.constant 8 : i32
      %add3A_189 = vector.broadcast %add3A_188 : i32 to vector<16xi32>
      %add3A_190 = arith.addi %mul3A_95, %add3A_189 : vector<16xi32>
      %gather3A_191 = tpu.vector_load_idx %arg16[%add3A_72, %add3A_190] : memref<256x128xf32, #tpu.memory_space<vmem>>[vector<16xi32>, vector<16xi32>], vector<16xf32>,
      %mul3A_192 = arith.mulf %gather3A_187, %gather3A_191 : vector<16xf32>
      %add3A_193 = arith.addf %add3A_183, %mul3A_192 : vector<16xf32>
      %add3A_194 = arith.constant 9 : i32
      %add3A_195 = vector.broadcast %add3A_194 : i32 to vector<16xi32>
      %add3A_196 = arith.addi %mul3A_82, %add3A_195 : vector<16xi32>
      %gather3A_197 = tpu.vector_load_idx %arg15[%add3A_72, %add3A_196] : memref<256x128xf32, #tpu.memory_space<vmem>>[vector<16xi32>, vector<16xi32>], vector<16xf32>,
      %add3A_198 = arith.constant 9 : i32
      %add3A_199 = vector.broadcast %add3A_198 : i32 to vector<16xi32>
      %add3A_200 = arith.addi %mul3A_95, %add3A_199 : vector<16xi32>
      %gather3A_201 = tpu.vector_load_idx %arg16[%add3A_72, %add3A_200] : memref<256x128xf32, #tpu.memory_space<vmem>>[vector<16xi32>, vector<16xi32>], vector<16xf32>,
      %mul3A_202 = arith.mulf %gather3A_197, %gather3A_201 : vector<16xf32>
      %add3A_203 = arith.addf %add3A_193, %mul3A_202 : vector<16xf32>
      %add3A_204 = arith.constant 10 : i32
      %add3A_205 = vector.broadcast %add3A_204 : i32 to vector<16xi32>
      %add3A_206 = arith.addi %mul3A_82, %add3A_205 : vector<16xi32>
      %gather3A_207 = tpu.vector_load_idx %arg15[%add3A_72, %add3A_206] : memref<256x128xf32, #tpu.memory_space<vmem>>[vector<16xi32>, vector<16xi32>], vector<16xf32>,
      %add3A_208 = arith.constant 10 : i32
      %add3A_209 = vector.broadcast %add3A_208 : i32 to vector<16xi32>
      %add3A_210 = arith.addi %mul3A_95, %add3A_209 : vector<16xi32>
      %gather3A_211 = tpu.vector_load_idx %arg16[%add3A_72, %add3A_210] : memref<256x128xf32, #tpu.memory_space<vmem>>[vector<16xi32>, vector<16xi32>], vector<16xf32>,
      %mul3A_212 = arith.mulf %gather3A_207, %gather3A_211 : vector<16xf32>
      %add3A_213 = arith.addf %add3A_203, %mul3A_212 : vector<16xf32>
      %add3A_214 = arith.constant 11 : i32
      %add3A_215 = vector.broadcast %add3A_214 : i32 to vector<16xi32>
      %add3A_216 = arith.addi %mul3A_82, %add3A_215 : vector<16xi32>
      %gather3A_217 = tpu.vector_load_idx %arg15[%add3A_72, %add3A_216] : memref<256x128xf32, #tpu.memory_space<vmem>>[vector<16xi32>, vector<16xi32>], vector<16xf32>,
      %add3A_218 = arith.constant 11 : i32
      %add3A_219 = vector.broadcast %add3A_218 : i32 to vector<16xi32>
      %add3A_220 = arith.addi %mul3A_95, %add3A_219 : vector<16xi32>
      %gather3A_221 = tpu.vector_load_idx %arg16[%add3A_72, %add3A_220] : memref<256x128xf32, #tpu.memory_space<vmem>>[vector<16xi32>, vector<16xi32>], vector<16xf32>,
      %mul3A_222 = arith.mulf %gather3A_217, %gather3A_221 : vector<16xf32>
      %add3A_223 = arith.addf %add3A_213, %mul3A_222 : vector<16xf32>
      %add3A_224 = arith.constant 12 : i32
      %add3A_225 = vector.broadcast %add3A_224 : i32 to vector<16xi32>
      %add3A_226 = arith.addi %mul3A_82, %add3A_225 : vector<16xi32>
      %gather3A_227 = tpu.vector_load_idx %arg15[%add3A_72, %add3A_226] : memref<256x128xf32, #tpu.memory_space<vmem>>[vector<16xi32>, vector<16xi32>], vector<16xf32>,
      %add3A_228 = arith.constant 12 : i32
      %add3A_229 = vector.broadcast %add3A_228 : i32 to vector<16xi32>
      %add3A_230 = arith.addi %mul3A_95, %add3A_229 : vector<16xi32>
      %gather3A_231 = tpu.vector_load_idx %arg16[%add3A_72, %add3A_230] : memref<256x128xf32, #tpu.memory_space<vmem>>[vector<16xi32>, vector<16xi32>], vector<16xf32>,
      %mul3A_232 = arith.mulf %gather3A_227, %gather3A_231 : vector<16xf32>
      %add3A_233 = arith.addf %add3A_223, %mul3A_232 : vector<16xf32>
      %add3A_234 = arith.constant 13 : i32
      %add3A_235 = vector.broadcast %add3A_234 : i32 to vector<16xi32>
      %add3A_236 = arith.addi %mul3A_82, %add3A_235 : vector<16xi32>
      %gather3A_237 = tpu.vector_load_idx %arg15[%add3A_72, %add3A_236] : memref<256x128xf32, #tpu.memory_space<vmem>>[vector<16xi32>, vector<16xi32>], vector<16xf32>,
      %add3A_238 = arith.constant 13 : i32
      %add3A_239 = vector.broadcast %add3A_238 : i32 to vector<16xi32>
      %add3A_240 = arith.addi %mul3A_95, %add3A_239 : vector<16xi32>
      %gather3A_241 = tpu.vector_load_idx %arg16[%add3A_72, %add3A_240] : memref<256x128xf32, #tpu.memory_space<vmem>>[vector<16xi32>, vector<16xi32>], vector<16xf32>,
      %mul3A_242 = arith.mulf %gather3A_237, %gather3A_241 : vector<16xf32>
      %add3A_243 = arith.addf %add3A_233, %mul3A_242 : vector<16xf32>
      %add3A_244 = arith.constant 14 : i32
      %add3A_245 = vector.broadcast %add3A_244 : i32 to vector<16xi32>
      %add3A_246 = arith.addi %mul3A_82, %add3A_245 : vector<16xi32>
      %gather3A_247 = tpu.vector_load_idx %arg15[%add3A_72, %add3A_246] : memref<256x128xf32, #tpu.memory_space<vmem>>[vector<16xi32>, vector<16xi32>], vector<16xf32>,
      %add3A_248 = arith.constant 14 : i32
      %add3A_249 = vector.broadcast %add3A_248 : i32 to vector<16xi32>
      %add3A_250 = arith.addi %mul3A_95, %add3A_249 : vector<16xi32>
      %gather3A_251 = tpu.vector_load_idx %arg16[%add3A_72, %add3A_250] : memref<256x128xf32, #tpu.memory_space<vmem>>[vector<16xi32>, vector<16xi32>], vector<16xf32>,
      %mul3A_252 = arith.mulf %gather3A_247, %gather3A_251 : vector<16xf32>
      %add3A_253 = arith.addf %add3A_243, %mul3A_252 : vector<16xf32>
      %add3A_254 = arith.constant 15 : i32
      %add3A_255 = vector.broadcast %add3A_254 : i32 to vector<16xi32>
      %add3A_256 = arith.addi %mul3A_82, %add3A_255 : vector<16xi32>
      %gather3A_257 = tpu.vector_load_idx %arg15[%add3A_72, %add3A_256] : memref<256x128xf32, #tpu.memory_space<vmem>>[vector<16xi32>, vector<16xi32>], vector<16xf32>,
      %add3A_258 = arith.constant 15 : i32
      %add3A_259 = vector.broadcast %add3A_258 : i32 to vector<16xi32>
      %add3A_260 = arith.addi %mul3A_95, %add3A_259 : vector<16xi32>
      %gather3A_261 = tpu.vector_load_idx %arg16[%add3A_72, %add3A_260] : memref<256x128xf32, #tpu.memory_space<vmem>>[vector<16xi32>, vector<16xi32>], vector<16xf32>,
      %mul3A_262 = arith.mulf %gather3A_257, %gather3A_261 : vector<16xf32>
      %add3A_263 = arith.addf %add3A_253, %mul3A_262 : vector<16xf32>
      %add3A_264 = arith.constant 16 : i32
      %add3A_265 = vector.broadcast %add3A_264 : i32 to vector<16xi32>
      %add3A_266 = arith.addi %mul3A_82, %add3A_265 : vector<16xi32>
      %gather3A_267 = tpu.vector_load_idx %arg15[%add3A_72, %add3A_266] : memref<256x128xf32, #tpu.memory_space<vmem>>[vector<16xi32>, vector<16xi32>], vector<16xf32>,
      %add3A_268 = arith.constant 16 : i32
      %add3A_269 = vector.broadcast %add3A_268 : i32 to vector<16xi32>
      %add3A_270 = arith.addi %mul3A_95, %add3A_269 : vector<16xi32>
      %gather3A_271 = tpu.vector_load_idx %arg16[%add3A_72, %add3A_270] : memref<256x128xf32, #tpu.memory_space<vmem>>[vector<16xi32>, vector<16xi32>], vector<16xf32>,
      %mul3A_272 = arith.mulf %gather3A_267, %gather3A_271 : vector<16xf32>
      %add3A_273 = arith.addf %add3A_263, %mul3A_272 : vector<16xf32>
      %add3A_274 = arith.constant 17 : i32
      %add3A_275 = vector.broadcast %add3A_274 : i32 to vector<16xi32>
      %add3A_276 = arith.addi %mul3A_82, %add3A_275 : vector<16xi32>
      %gather3A_277 = tpu.vector_load_idx %arg15[%add3A_72, %add3A_276] : memref<256x128xf32, #tpu.memory_space<vmem>>[vector<16xi32>, vector<16xi32>], vector<16xf32>,
      %add3A_278 = arith.constant 17 : i32
      %add3A_279 = vector.broadcast %add3A_278 : i32 to vector<16xi32>
      %add3A_280 = arith.addi %mul3A_95, %add3A_279 : vector<16xi32>
      %gather3A_281 = tpu.vector_load_idx %arg16[%add3A_72, %add3A_280] : memref<256x128xf32, #tpu.memory_space<vmem>>[vector<16xi32>, vector<16xi32>], vector<16xf32>,
      %mul3A_282 = arith.mulf %gather3A_277, %gather3A_281 : vector<16xf32>
      %add3A_283 = arith.addf %add3A_273, %mul3A_282 : vector<16xf32>
      %add3A_284 = arith.constant 18 : i32
      %add3A_285 = vector.broadcast %add3A_284 : i32 to vector<16xi32>
      %add3A_286 = arith.addi %mul3A_82, %add3A_285 : vector<16xi32>
      %gather3A_287 = tpu.vector_load_idx %arg15[%add3A_72, %add3A_286] : memref<256x128xf32, #tpu.memory_space<vmem>>[vector<16xi32>, vector<16xi32>], vector<16xf32>,
      %add3A_288 = arith.constant 18 : i32
      %add3A_289 = vector.broadcast %add3A_288 : i32 to vector<16xi32>
      %add3A_290 = arith.addi %mul3A_95, %add3A_289 : vector<16xi32>
      %gather3A_291 = tpu.vector_load_idx %arg16[%add3A_72, %add3A_290] : memref<256x128xf32, #tpu.memory_space<vmem>>[vector<16xi32>, vector<16xi32>], vector<16xf32>,
      %mul3A_292 = arith.mulf %gather3A_287, %gather3A_291 : vector<16xf32>
      %add3A_293 = arith.addf %add3A_283, %mul3A_292 : vector<16xf32>
      %add3A_294 = arith.constant 19 : i32
      %add3A_295 = vector.broadcast %add3A_294 : i32 to vector<16xi32>
      %add3A_296 = arith.addi %mul3A_82, %add3A_295 : vector<16xi32>
      %gather3A_297 = tpu.vector_load_idx %arg15[%add3A_72, %add3A_296] : memref<256x128xf32, #tpu.memory_space<vmem>>[vector<16xi32>, vector<16xi32>], vector<16xf32>,
      %add3A_298 = arith.constant 19 : i32
      %add3A_299 = vector.broadcast %add3A_298 : i32 to vector<16xi32>
      %add3A_300 = arith.addi %mul3A_95, %add3A_299 : vector<16xi32>
      %gather3A_301 = tpu.vector_load_idx %arg16[%add3A_72, %add3A_300] : memref<256x128xf32, #tpu.memory_space<vmem>>[vector<16xi32>, vector<16xi32>], vector<16xf32>,
      %mul3A_302 = arith.mulf %gather3A_297, %gather3A_301 : vector<16xf32>
      %add3A_303 = arith.addf %add3A_293, %mul3A_302 : vector<16xf32>
      %add3A_304 = arith.constant 20 : i32
      %add3A_305 = vector.broadcast %add3A_304 : i32 to vector<16xi32>
      %add3A_306 = arith.addi %mul3A_82, %add3A_305 : vector<16xi32>
      %gather3A_307 = tpu.vector_load_idx %arg15[%add3A_72, %add3A_306] : memref<256x128xf32, #tpu.memory_space<vmem>>[vector<16xi32>, vector<16xi32>], vector<16xf32>,
      %add3A_308 = arith.constant 20 : i32
      %add3A_309 = vector.broadcast %add3A_308 : i32 to vector<16xi32>
      %add3A_310 = arith.addi %mul3A_95, %add3A_309 : vector<16xi32>
      %gather3A_311 = tpu.vector_load_idx %arg16[%add3A_72, %add3A_310] : memref<256x128xf32, #tpu.memory_space<vmem>>[vector<16xi32>, vector<16xi32>], vector<16xf32>,
      %mul3A_312 = arith.mulf %gather3A_307, %gather3A_311 : vector<16xf32>
      %add3A_313 = arith.addf %add3A_303, %mul3A_312 : vector<16xf32>
      %add3A_314 = arith.constant 21 : i32
      %add3A_315 = vector.broadcast %add3A_314 : i32 to vector<16xi32>
      %add3A_316 = arith.addi %mul3A_82, %add3A_315 : vector<16xi32>
      %gather3A_317 = tpu.vector_load_idx %arg15[%add3A_72, %add3A_316] : memref<256x128xf32, #tpu.memory_space<vmem>>[vector<16xi32>, vector<16xi32>], vector<16xf32>,
      %add3A_318 = arith.constant 21 : i32
      %add3A_319 = vector.broadcast %add3A_318 : i32 to vector<16xi32>
      %add3A_320 = arith.addi %mul3A_95, %add3A_319 : vector<16xi32>
      %gather3A_321 = tpu.vector_load_idx %arg16[%add3A_72, %add3A_320] : memref<256x128xf32, #tpu.memory_space<vmem>>[vector<16xi32>, vector<16xi32>], vector<16xf32>,
      %mul3A_322 = arith.mulf %gather3A_317, %gather3A_321 : vector<16xf32>
      %add3A_323 = arith.addf %add3A_313, %mul3A_322 : vector<16xf32>
      %add3A_324 = arith.constant 22 : i32
      %add3A_325 = vector.broadcast %add3A_324 : i32 to vector<16xi32>
      %add3A_326 = arith.addi %mul3A_82, %add3A_325 : vector<16xi32>
      %gather3A_327 = tpu.vector_load_idx %arg15[%add3A_72, %add3A_326] : memref<256x128xf32, #tpu.memory_space<vmem>>[vector<16xi32>, vector<16xi32>], vector<16xf32>,
      %add3A_328 = arith.constant 22 : i32
      %add3A_329 = vector.broadcast %add3A_328 : i32 to vector<16xi32>
      %add3A_330 = arith.addi %mul3A_95, %add3A_329 : vector<16xi32>
      %gather3A_331 = tpu.vector_load_idx %arg16[%add3A_72, %add3A_330] : memref<256x128xf32, #tpu.memory_space<vmem>>[vector<16xi32>, vector<16xi32>], vector<16xf32>,
      %mul3A_332 = arith.mulf %gather3A_327, %gather3A_331 : vector<16xf32>
      %add3A_333 = arith.addf %add3A_323, %mul3A_332 : vector<16xf32>
      %add3A_334 = arith.constant 23 : i32
      %add3A_335 = vector.broadcast %add3A_334 : i32 to vector<16xi32>
      %add3A_336 = arith.addi %mul3A_82, %add3A_335 : vector<16xi32>
      %gather3A_337 = tpu.vector_load_idx %arg15[%add3A_72, %add3A_336] : memref<256x128xf32, #tpu.memory_space<vmem>>[vector<16xi32>, vector<16xi32>], vector<16xf32>,
      %add3A_338 = arith.constant 23 : i32
      %add3A_339 = vector.broadcast %add3A_338 : i32 to vector<16xi32>
      %add3A_340 = arith.addi %mul3A_95, %add3A_339 : vector<16xi32>
      %gather3A_341 = tpu.vector_load_idx %arg16[%add3A_72, %add3A_340] : memref<256x128xf32, #tpu.memory_space<vmem>>[vector<16xi32>, vector<16xi32>], vector<16xf32>,
      %mul3A_342 = arith.mulf %gather3A_337, %gather3A_341 : vector<16xf32>
      %add3A_343 = arith.addf %add3A_333, %mul3A_342 : vector<16xf32>
      %add3A_344 = arith.constant 24 : i32
      %add3A_345 = vector.broadcast %add3A_344 : i32 to vector<16xi32>
      %add3A_346 = arith.addi %mul3A_82, %add3A_345 : vector<16xi32>
      %gather3A_347 = tpu.vector_load_idx %arg15[%add3A_72, %add3A_346] : memref<256x128xf32, #tpu.memory_space<vmem>>[vector<16xi32>, vector<16xi32>], vector<16xf32>,
      %add3A_348 = arith.constant 24 : i32
      %add3A_349 = vector.broadcast %add3A_348 : i32 to vector<16xi32>
      %add3A_350 = arith.addi %mul3A_95, %add3A_349 : vector<16xi32>
      %gather3A_351 = tpu.vector_load_idx %arg16[%add3A_72, %add3A_350] : memref<256x128xf32, #tpu.memory_space<vmem>>[vector<16xi32>, vector<16xi32>], vector<16xf32>,
      %mul3A_352 = arith.mulf %gather3A_347, %gather3A_351 : vector<16xf32>
      %add3A_353 = arith.addf %add3A_343, %mul3A_352 : vector<16xf32>
      %add3A_354 = arith.constant 25 : i32
      %add3A_355 = vector.broadcast %add3A_354 : i32 to vector<16xi32>
      %add3A_356 = arith.addi %mul3A_82, %add3A_355 : vector<16xi32>
      %gather3A_357 = tpu.vector_load_idx %arg15[%add3A_72, %add3A_356] : memref<256x128xf32, #tpu.memory_space<vmem>>[vector<16xi32>, vector<16xi32>], vector<16xf32>,
      %add3A_358 = arith.constant 25 : i32
      %add3A_359 = vector.broadcast %add3A_358 : i32 to vector<16xi32>
      %add3A_360 = arith.addi %mul3A_95, %add3A_359 : vector<16xi32>
      %gather3A_361 = tpu.vector_load_idx %arg16[%add3A_72, %add3A_360] : memref<256x128xf32, #tpu.memory_space<vmem>>[vector<16xi32>, vector<16xi32>], vector<16xf32>,
      %mul3A_362 = arith.mulf %gather3A_357, %gather3A_361 : vector<16xf32>
      %add3A_363 = arith.addf %add3A_353, %mul3A_362 : vector<16xf32>
      %add3A_364 = arith.constant 26 : i32
      %add3A_365 = vector.broadcast %add3A_364 : i32 to vector<16xi32>
      %add3A_366 = arith.addi %mul3A_82, %add3A_365 : vector<16xi32>
      %gather3A_367 = tpu.vector_load_idx %arg15[%add3A_72, %add3A_366] : memref<256x128xf32, #tpu.memory_space<vmem>>[vector<16xi32>, vector<16xi32>], vector<16xf32>,
      %add3A_368 = arith.constant 26 : i32
      %add3A_369 = vector.broadcast %add3A_368 : i32 to vector<16xi32>
      %add3A_370 = arith.addi %mul3A_95, %add3A_369 : vector<16xi32>
      %gather3A_371 = tpu.vector_load_idx %arg16[%add3A_72, %add3A_370] : memref<256x128xf32, #tpu.memory_space<vmem>>[vector<16xi32>, vector<16xi32>], vector<16xf32>,
      %mul3A_372 = arith.mulf %gather3A_367, %gather3A_371 : vector<16xf32>
      %add3A_373 = arith.addf %add3A_363, %mul3A_372 : vector<16xf32>
      %add3A_374 = arith.constant 27 : i32
      %add3A_375 = vector.broadcast %add3A_374 : i32 to vector<16xi32>
      %add3A_376 = arith.addi %mul3A_82, %add3A_375 : vector<16xi32>
      %gather3A_377 = tpu.vector_load_idx %arg15[%add3A_72, %add3A_376] : memref<256x128xf32, #tpu.memory_space<vmem>>[vector<16xi32>, vector<16xi32>], vector<16xf32>,
      %add3A_378 = arith.constant 27 : i32
      %add3A_379 = vector.broadcast %add3A_378 : i32 to vector<16xi32>
      %add3A_380 = arith.addi %mul3A_95, %add3A_379 : vector<16xi32>
      %gather3A_381 = tpu.vector_load_idx %arg16[%add3A_72, %add3A_380] : memref<256x128xf32, #tpu.memory_space<vmem>>[vector<16xi32>, vector<16xi32>], vector<16xf32>,
      %mul3A_382 = arith.mulf %gather3A_377, %gather3A_381 : vector<16xf32>
      %add3A_383 = arith.addf %add3A_373, %mul3A_382 : vector<16xf32>
      %add3A_384 = arith.constant 28 : i32
      %add3A_385 = vector.broadcast %add3A_384 : i32 to vector<16xi32>
      %add3A_386 = arith.addi %mul3A_82, %add3A_385 : vector<16xi32>
      %gather3A_387 = tpu.vector_load_idx %arg15[%add3A_72, %add3A_386] : memref<256x128xf32, #tpu.memory_space<vmem>>[vector<16xi32>, vector<16xi32>], vector<16xf32>,
      %add3A_388 = arith.constant 28 : i32
      %add3A_389 = vector.broadcast %add3A_388 : i32 to vector<16xi32>
      %add3A_390 = arith.addi %mul3A_95, %add3A_389 : vector<16xi32>
      %gather3A_391 = tpu.vector_load_idx %arg16[%add3A_72, %add3A_390] : memref<256x128xf32, #tpu.memory_space<vmem>>[vector<16xi32>, vector<16xi32>], vector<16xf32>,
      %mul3A_392 = arith.mulf %gather3A_387, %gather3A_391 : vector<16xf32>
      %add3A_393 = arith.addf %add3A_383, %mul3A_392 : vector<16xf32>
      %add3A_394 = arith.constant 29 : i32
      %add3A_395 = vector.broadcast %add3A_394 : i32 to vector<16xi32>
      %add3A_396 = arith.addi %mul3A_82, %add3A_395 : vector<16xi32>
      %gather3A_397 = tpu.vector_load_idx %arg15[%add3A_72, %add3A_396] : memref<256x128xf32, #tpu.memory_space<vmem>>[vector<16xi32>, vector<16xi32>], vector<16xf32>,
      %add3A_398 = arith.constant 29 : i32
      %add3A_399 = vector.broadcast %add3A_398 : i32 to vector<16xi32>
      %add3A_400 = arith.addi %mul3A_95, %add3A_399 : vector<16xi32>
      %gather3A_401 = tpu.vector_load_idx %arg16[%add3A_72, %add3A_400] : memref<256x128xf32, #tpu.memory_space<vmem>>[vector<16xi32>, vector<16xi32>], vector<16xf32>,
      %mul3A_402 = arith.mulf %gather3A_397, %gather3A_401 : vector<16xf32>
      %add3A_403 = arith.addf %add3A_393, %mul3A_402 : vector<16xf32>
      %add3A_404 = arith.constant 30 : i32
      %add3A_405 = vector.broadcast %add3A_404 : i32 to vector<16xi32>
      %add3A_406 = arith.addi %mul3A_82, %add3A_405 : vector<16xi32>
      %gather3A_407 = tpu.vector_load_idx %arg15[%add3A_72, %add3A_406] : memref<256x128xf32, #tpu.memory_space<vmem>>[vector<16xi32>, vector<16xi32>], vector<16xf32>,
      %add3A_408 = arith.constant 30 : i32
      %add3A_409 = vector.broadcast %add3A_408 : i32 to vector<16xi32>
      %add3A_410 = arith.addi %mul3A_95, %add3A_409 : vector<16xi32>
      %gather3A_411 = tpu.vector_load_idx %arg16[%add3A_72, %add3A_410] : memref<256x128xf32, #tpu.memory_space<vmem>>[vector<16xi32>, vector<16xi32>], vector<16xf32>,
      %mul3A_412 = arith.mulf %gather3A_407, %gather3A_411 : vector<16xf32>
      %add3A_413 = arith.addf %add3A_403, %mul3A_412 : vector<16xf32>
      %add3A_414 = arith.constant 31 : i32
      %add3A_415 = vector.broadcast %add3A_414 : i32 to vector<16xi32>
      %add3A_416 = arith.addi %mul3A_82, %add3A_415 : vector<16xi32>
      %gather3A_417 = tpu.vector_load_idx %arg15[%add3A_72, %add3A_416] : memref<256x128xf32, #tpu.memory_space<vmem>>[vector<16xi32>, vector<16xi32>], vector<16xf32>,
      %add3A_418 = arith.constant 31 : i32
      %add3A_419 = vector.broadcast %add3A_418 : i32 to vector<16xi32>
      %add3A_420 = arith.addi %mul3A_95, %add3A_419 : vector<16xi32>
      %gather3A_421 = tpu.vector_load_idx %arg16[%add3A_72, %add3A_420] : memref<256x128xf32, #tpu.memory_space<vmem>>[vector<16xi32>, vector<16xi32>], vector<16xf32>,
      %mul3A_422 = arith.mulf %gather3A_417, %gather3A_421 : vector<16xf32>
      %add3A_423 = arith.addf %add3A_413, %mul3A_422 : vector<16xf32>
      %add3A_424 = arith.constant 32 : i32
      %add3A_425 = vector.broadcast %add3A_424 : i32 to vector<16xi32>
      %add3A_426 = arith.addi %mul3A_82, %add3A_425 : vector<16xi32>
      %gather3A_427 = tpu.vector_load_idx %arg15[%add3A_72, %add3A_426] : memref<256x128xf32, #tpu.memory_space<vmem>>[vector<16xi32>, vector<16xi32>], vector<16xf32>,
      %add3A_428 = arith.constant 32 : i32
      %add3A_429 = vector.broadcast %add3A_428 : i32 to vector<16xi32>
      %add3A_430 = arith.addi %mul3A_95, %add3A_429 : vector<16xi32>
      %gather3A_431 = tpu.vector_load_idx %arg16[%add3A_72, %add3A_430] : memref<256x128xf32, #tpu.memory_space<vmem>>[vector<16xi32>, vector<16xi32>], vector<16xf32>,
      %mul3A_432 = arith.mulf %gather3A_427, %gather3A_431 : vector<16xf32>
      %add3A_433 = arith.addf %add3A_423, %mul3A_432 : vector<16xf32>
      %add3A_434 = arith.constant 33 : i32
      %add3A_435 = vector.broadcast %add3A_434 : i32 to vector<16xi32>
      %add3A_436 = arith.addi %mul3A_82, %add3A_435 : vector<16xi32>
      %gather3A_437 = tpu.vector_load_idx %arg15[%add3A_72, %add3A_436] : memref<256x128xf32, #tpu.memory_space<vmem>>[vector<16xi32>, vector<16xi32>], vector<16xf32>,
      %add3A_438 = arith.constant 33 : i32
      %add3A_439 = vector.broadcast %add3A_438 : i32 to vector<16xi32>
      %add3A_440 = arith.addi %mul3A_95, %add3A_439 : vector<16xi32>
      %gather3A_441 = tpu.vector_load_idx %arg16[%add3A_72, %add3A_440] : memref<256x128xf32, #tpu.memory_space<vmem>>[vector<16xi32>, vector<16xi32>], vector<16xf32>,
      %mul3A_442 = arith.mulf %gather3A_437, %gather3A_441 : vector<16xf32>
      %add3A_443 = arith.addf %add3A_433, %mul3A_442 : vector<16xf32>
      %add3A_444 = arith.constant 34 : i32
      %add3A_445 = vector.broadcast %add3A_444 : i32 to vector<16xi32>
      %add3A_446 = arith.addi %mul3A_82, %add3A_445 : vector<16xi32>
      %gather3A_447 = tpu.vector_load_idx %arg15[%add3A_72, %add3A_446] : memref<256x128xf32, #tpu.memory_space<vmem>>[vector<16xi32>, vector<16xi32>], vector<16xf32>,
      %add3A_448 = arith.constant 34 : i32
      %add3A_449 = vector.broadcast %add3A_448 : i32 to vector<16xi32>
      %add3A_450 = arith.addi %mul3A_95, %add3A_449 : vector<16xi32>
      %gather3A_451 = tpu.vector_load_idx %arg16[%add3A_72, %add3A_450] : memref<256x128xf32, #tpu.memory_space<vmem>>[vector<16xi32>, vector<16xi32>], vector<16xf32>,
      %mul3A_452 = arith.mulf %gather3A_447, %gather3A_451 : vector<16xf32>
      %add3A_453 = arith.addf %add3A_443, %mul3A_452 : vector<16xf32>
      %add3A_454 = arith.constant 35 : i32
      %add3A_455 = vector.broadcast %add3A_454 : i32 to vector<16xi32>
      %add3A_456 = arith.addi %mul3A_82, %add3A_455 : vector<16xi32>
      %gather3A_457 = tpu.vector_load_idx %arg15[%add3A_72, %add3A_456] : memref<256x128xf32, #tpu.memory_space<vmem>>[vector<16xi32>, vector<16xi32>], vector<16xf32>,
      %add3A_458 = arith.constant 35 : i32
      %add3A_459 = vector.broadcast %add3A_458 : i32 to vector<16xi32>
      %add3A_460 = arith.addi %mul3A_95, %add3A_459 : vector<16xi32>
      %gather3A_461 = tpu.vector_load_idx %arg16[%add3A_72, %add3A_460] : memref<256x128xf32, #tpu.memory_space<vmem>>[vector<16xi32>, vector<16xi32>], vector<16xf32>,
      %mul3A_462 = arith.mulf %gather3A_457, %gather3A_461 : vector<16xf32>
      %add3A_463 = arith.addf %add3A_453, %mul3A_462 : vector<16xf32>
      %add3A_464 = arith.constant 36 : i32
      %add3A_465 = vector.broadcast %add3A_464 : i32 to vector<16xi32>
      %add3A_466 = arith.addi %mul3A_82, %add3A_465 : vector<16xi32>
      %gather3A_467 = tpu.vector_load_idx %arg15[%add3A_72, %add3A_466] : memref<256x128xf32, #tpu.memory_space<vmem>>[vector<16xi32>, vector<16xi32>], vector<16xf32>,
      %add3A_468 = arith.constant 36 : i32
      %add3A_469 = vector.broadcast %add3A_468 : i32 to vector<16xi32>
      %add3A_470 = arith.addi %mul3A_95, %add3A_469 : vector<16xi32>
      %gather3A_471 = tpu.vector_load_idx %arg16[%add3A_72, %add3A_470] : memref<256x128xf32, #tpu.memory_space<vmem>>[vector<16xi32>, vector<16xi32>], vector<16xf32>,
      %mul3A_472 = arith.mulf %gather3A_467, %gather3A_471 : vector<16xf32>
      %add3A_473 = arith.addf %add3A_463, %mul3A_472 : vector<16xf32>
      %add3A_474 = arith.constant 37 : i32
      %add3A_475 = vector.broadcast %add3A_474 : i32 to vector<16xi32>
      %add3A_476 = arith.addi %mul3A_82, %add3A_475 : vector<16xi32>
      %gather3A_477 = tpu.vector_load_idx %arg15[%add3A_72, %add3A_476] : memref<256x128xf32, #tpu.memory_space<vmem>>[vector<16xi32>, vector<16xi32>], vector<16xf32>,
      %add3A_478 = arith.constant 37 : i32
      %add3A_479 = vector.broadcast %add3A_478 : i32 to vector<16xi32>
      %add3A_480 = arith.addi %mul3A_95, %add3A_479 : vector<16xi32>
      %gather3A_481 = tpu.vector_load_idx %arg16[%add3A_72, %add3A_480] : memref<256x128xf32, #tpu.memory_space<vmem>>[vector<16xi32>, vector<16xi32>], vector<16xf32>,
      %mul3A_482 = arith.mulf %gather3A_477, %gather3A_481 : vector<16xf32>
      %add3A_483 = arith.addf %add3A_473, %mul3A_482 : vector<16xf32>
      %add3A_484 = arith.constant 38 : i32
      %add3A_485 = vector.broadcast %add3A_484 : i32 to vector<16xi32>
      %add3A_486 = arith.addi %mul3A_82, %add3A_485 : vector<16xi32>
      %gather3A_487 = tpu.vector_load_idx %arg15[%add3A_72, %add3A_486] : memref<256x128xf32, #tpu.memory_space<vmem>>[vector<16xi32>, vector<16xi32>], vector<16xf32>,
      %add3A_488 = arith.constant 38 : i32
      %add3A_489 = vector.broadcast %add3A_488 : i32 to vector<16xi32>
      %add3A_490 = arith.addi %mul3A_95, %add3A_489 : vector<16xi32>
      %gather3A_491 = tpu.vector_load_idx %arg16[%add3A_72, %add3A_490] : memref<256x128xf32, #tpu.memory_space<vmem>>[vector<16xi32>, vector<16xi32>], vector<16xf32>,
      %mul3A_492 = arith.mulf %gather3A_487, %gather3A_491 : vector<16xf32>
      %add3A_493 = arith.addf %add3A_483, %mul3A_492 : vector<16xf32>
      %add3A_494 = arith.constant 39 : i32
      %add3A_495 = vector.broadcast %add3A_494 : i32 to vector<16xi32>
      %add3A_496 = arith.addi %mul3A_82, %add3A_495 : vector<16xi32>
      %gather3A_497 = tpu.vector_load_idx %arg15[%add3A_72, %add3A_496] : memref<256x128xf32, #tpu.memory_space<vmem>>[vector<16xi32>, vector<16xi32>], vector<16xf32>,
      %add3A_498 = arith.constant 39 : i32
      %add3A_499 = vector.broadcast %add3A_498 : i32 to vector<16xi32>
      %add3A_500 = arith.addi %mul3A_95, %add3A_499 : vector<16xi32>
      %gather3A_501 = tpu.vector_load_idx %arg16[%add3A_72, %add3A_500] : memref<256x128xf32, #tpu.memory_space<vmem>>[vector<16xi32>, vector<16xi32>], vector<16xf32>,
      %mul3A_502 = arith.mulf %gather3A_497, %gather3A_501 : vector<16xf32>
      %add3A_503 = arith.addf %add3A_493, %mul3A_502 : vector<16xf32>
      %add3A_504 = arith.constant 40 : i32
      %add3A_505 = vector.broadcast %add3A_504 : i32 to vector<16xi32>
      %add3A_506 = arith.addi %mul3A_82, %add3A_505 : vector<16xi32>
      %gather3A_507 = tpu.vector_load_idx %arg15[%add3A_72, %add3A_506] : memref<256x128xf32, #tpu.memory_space<vmem>>[vector<16xi32>, vector<16xi32>], vector<16xf32>,
      %add3A_508 = arith.constant 40 : i32
      %add3A_509 = vector.broadcast %add3A_508 : i32 to vector<16xi32>
      %add3A_510 = arith.addi %mul3A_95, %add3A_509 : vector<16xi32>
      %gather3A_511 = tpu.vector_load_idx %arg16[%add3A_72, %add3A_510] : memref<256x128xf32, #tpu.memory_space<vmem>>[vector<16xi32>, vector<16xi32>], vector<16xf32>,
      %mul3A_512 = arith.mulf %gather3A_507, %gather3A_511 : vector<16xf32>
      %add3A_513 = arith.addf %add3A_503, %mul3A_512 : vector<16xf32>
      %add3A_514 = arith.constant 41 : i32
      %add3A_515 = vector.broadcast %add3A_514 : i32 to vector<16xi32>
      %add3A_516 = arith.addi %mul3A_82, %add3A_515 : vector<16xi32>
      %gather3A_517 = tpu.vector_load_idx %arg15[%add3A_72, %add3A_516] : memref<256x128xf32, #tpu.memory_space<vmem>>[vector<16xi32>, vector<16xi32>], vector<16xf32>,
      %add3A_518 = arith.constant 41 : i32
      %add3A_519 = vector.broadcast %add3A_518 : i32 to vector<16xi32>
      %add3A_520 = arith.addi %mul3A_95, %add3A_519 : vector<16xi32>
      %gather3A_521 = tpu.vector_load_idx %arg16[%add3A_72, %add3A_520] : memref<256x128xf32, #tpu.memory_space<vmem>>[vector<16xi32>, vector<16xi32>], vector<16xf32>,
      %mul3A_522 = arith.mulf %gather3A_517, %gather3A_521 : vector<16xf32>
      %add3A_523 = arith.addf %add3A_513, %mul3A_522 : vector<16xf32>
      %add3A_524 = arith.constant 42 : i32
      %add3A_525 = vector.broadcast %add3A_524 : i32 to vector<16xi32>
      %add3A_526 = arith.addi %mul3A_82, %add3A_525 : vector<16xi32>
      %gather3A_527 = tpu.vector_load_idx %arg15[%add3A_72, %add3A_526] : memref<256x128xf32, #tpu.memory_space<vmem>>[vector<16xi32>, vector<16xi32>], vector<16xf32>,
      %add3A_528 = arith.constant 42 : i32
      %add3A_529 = vector.broadcast %add3A_528 : i32 to vector<16xi32>
      %add3A_530 = arith.addi %mul3A_95, %add3A_529 : vector<16xi32>
      %gather3A_531 = tpu.vector_load_idx %arg16[%add3A_72, %add3A_530] : memref<256x128xf32, #tpu.memory_space<vmem>>[vector<16xi32>, vector<16xi32>], vector<16xf32>,
      %mul3A_532 = arith.mulf %gather3A_527, %gather3A_531 : vector<16xf32>
      %add3A_533 = arith.addf %add3A_523, %mul3A_532 : vector<16xf32>
      %add3A_534 = arith.constant 43 : i32
      %add3A_535 = vector.broadcast %add3A_534 : i32 to vector<16xi32>
      %add3A_536 = arith.addi %mul3A_82, %add3A_535 : vector<16xi32>
      %gather3A_537 = tpu.vector_load_idx %arg15[%add3A_72, %add3A_536] : memref<256x128xf32, #tpu.memory_space<vmem>>[vector<16xi32>, vector<16xi32>], vector<16xf32>,
      %add3A_538 = arith.constant 43 : i32
      %add3A_539 = vector.broadcast %add3A_538 : i32 to vector<16xi32>
      %add3A_540 = arith.addi %mul3A_95, %add3A_539 : vector<16xi32>
      %gather3A_541 = tpu.vector_load_idx %arg16[%add3A_72, %add3A_540] : memref<256x128xf32, #tpu.memory_space<vmem>>[vector<16xi32>, vector<16xi32>], vector<16xf32>,
      %mul3A_542 = arith.mulf %gather3A_537, %gather3A_541 : vector<16xf32>
      %add3A_543 = arith.addf %add3A_533, %mul3A_542 : vector<16xf32>
      %add3A_544 = arith.constant 44 : i32
      %add3A_545 = vector.broadcast %add3A_544 : i32 to vector<16xi32>
      %add3A_546 = arith.addi %mul3A_82, %add3A_545 : vector<16xi32>
      %gather3A_547 = tpu.vector_load_idx %arg15[%add3A_72, %add3A_546] : memref<256x128xf32, #tpu.memory_space<vmem>>[vector<16xi32>, vector<16xi32>], vector<16xf32>,
      %add3A_548 = arith.constant 44 : i32
      %add3A_549 = vector.broadcast %add3A_548 : i32 to vector<16xi32>
      %add3A_550 = arith.addi %mul3A_95, %add3A_549 : vector<16xi32>
      %gather3A_551 = tpu.vector_load_idx %arg16[%add3A_72, %add3A_550] : memref<256x128xf32, #tpu.memory_space<vmem>>[vector<16xi32>, vector<16xi32>], vector<16xf32>,
      %mul3A_552 = arith.mulf %gather3A_547, %gather3A_551 : vector<16xf32>
      %add3A_553 = arith.addf %add3A_543, %mul3A_552 : vector<16xf32>
      %add3A_554 = arith.constant 45 : i32
      %add3A_555 = vector.broadcast %add3A_554 : i32 to vector<16xi32>
      %add3A_556 = arith.addi %mul3A_82, %add3A_555 : vector<16xi32>
      %gather3A_557 = tpu.vector_load_idx %arg15[%add3A_72, %add3A_556] : memref<256x128xf32, #tpu.memory_space<vmem>>[vector<16xi32>, vector<16xi32>], vector<16xf32>,
      %add3A_558 = arith.constant 45 : i32
      %add3A_559 = vector.broadcast %add3A_558 : i32 to vector<16xi32>
      %add3A_560 = arith.addi %mul3A_95, %add3A_559 : vector<16xi32>
      %gather3A_561 = tpu.vector_load_idx %arg16[%add3A_72, %add3A_560] : memref<256x128xf32, #tpu.memory_space<vmem>>[vector<16xi32>, vector<16xi32>], vector<16xf32>,
      %mul3A_562 = arith.mulf %gather3A_557, %gather3A_561 : vector<16xf32>
      %add3A_563 = arith.addf %add3A_553, %mul3A_562 : vector<16xf32>
      %add3A_564 = arith.constant 46 : i32
      %add3A_565 = vector.broadcast %add3A_564 : i32 to vector<16xi32>
      %add3A_566 = arith.addi %mul3A_82, %add3A_565 : vector<16xi32>
      %gather3A_567 = tpu.vector_load_idx %arg15[%add3A_72, %add3A_566] : memref<256x128xf32, #tpu.memory_space<vmem>>[vector<16xi32>, vector<16xi32>], vector<16xf32>,
      %add3A_568 = arith.constant 46 : i32
      %add3A_569 = vector.broadcast %add3A_568 : i32 to vector<16xi32>
      %add3A_570 = arith.addi %mul3A_95, %add3A_569 : vector<16xi32>
      %gather3A_571 = tpu.vector_load_idx %arg16[%add3A_72, %add3A_570] : memref<256x128xf32, #tpu.memory_space<vmem>>[vector<16xi32>, vector<16xi32>], vector<16xf32>,
      %mul3A_572 = arith.mulf %gather3A_567, %gather3A_571 : vector<16xf32>
      %add3A_573 = arith.addf %add3A_563, %mul3A_572 : vector<16xf32>
      %add3A_574 = arith.constant 47 : i32
      %add3A_575 = vector.broadcast %add3A_574 : i32 to vector<16xi32>
      %add3A_576 = arith.addi %mul3A_82, %add3A_575 : vector<16xi32>
      %gather3A_577 = tpu.vector_load_idx %arg15[%add3A_72, %add3A_576] : memref<256x128xf32, #tpu.memory_space<vmem>>[vector<16xi32>, vector<16xi32>], vector<16xf32>,
      %add3A_578 = arith.constant 47 : i32
      %add3A_579 = vector.broadcast %add3A_578 : i32 to vector<16xi32>
      %add3A_580 = arith.addi %mul3A_95, %add3A_579 : vector<16xi32>
      %gather3A_581 = tpu.vector_load_idx %arg16[%add3A_72, %add3A_580] : memref<256x128xf32, #tpu.memory_space<vmem>>[vector<16xi32>, vector<16xi32>], vector<16xf32>,
      %mul3A_582 = arith.mulf %gather3A_577, %gather3A_581 : vector<16xf32>
      %add3A_583 = arith.addf %add3A_573, %mul3A_582 : vector<16xf32>
      %add3A_584 = arith.constant 48 : i32
      %add3A_585 = vector.broadcast %add3A_584 : i32 to vector<16xi32>
      %add3A_586 = arith.addi %mul3A_82, %add3A_585 : vector<16xi32>
      %gather3A_587 = tpu.vector_load_idx %arg15[%add3A_72, %add3A_586] : memref<256x128xf32, #tpu.memory_space<vmem>>[vector<16xi32>, vector<16xi32>], vector<16xf32>,
      %add3A_588 = arith.constant 48 : i32
      %add3A_589 = vector.broadcast %add3A_588 : i32 to vector<16xi32>
      %add3A_590 = arith.addi %mul3A_95, %add3A_589 : vector<16xi32>
      %gather3A_591 = tpu.vector_load_idx %arg16[%add3A_72, %add3A_590] : memref<256x128xf32, #tpu.memory_space<vmem>>[vector<16xi32>, vector<16xi32>], vector<16xf32>,
      %mul3A_592 = arith.mulf %gather3A_587, %gather3A_591 : vector<16xf32>
      %add3A_593 = arith.addf %add3A_583, %mul3A_592 : vector<16xf32>
      %add3A_594 = arith.constant 49 : i32
      %add3A_595 = vector.broadcast %add3A_594 : i32 to vector<16xi32>
      %add3A_596 = arith.addi %mul3A_82, %add3A_595 : vector<16xi32>
      %gather3A_597 = tpu.vector_load_idx %arg15[%add3A_72, %add3A_596] : memref<256x128xf32, #tpu.memory_space<vmem>>[vector<16xi32>, vector<16xi32>], vector<16xf32>,
      %add3A_598 = arith.constant 49 : i32
      %add3A_599 = vector.broadcast %add3A_598 : i32 to vector<16xi32>
      %add3A_600 = arith.addi %mul3A_95, %add3A_599 : vector<16xi32>
      %gather3A_601 = tpu.vector_load_idx %arg16[%add3A_72, %add3A_600] : memref<256x128xf32, #tpu.memory_space<vmem>>[vector<16xi32>, vector<16xi32>], vector<16xf32>,
      %mul3A_602 = arith.mulf %gather3A_597, %gather3A_601 : vector<16xf32>
      %add3A_603 = arith.addf %add3A_593, %mul3A_602 : vector<16xf32>
      %add3A_604 = arith.constant 50 : i32
      %add3A_605 = vector.broadcast %add3A_604 : i32 to vector<16xi32>
      %add3A_606 = arith.addi %mul3A_82, %add3A_605 : vector<16xi32>
      %gather3A_607 = tpu.vector_load_idx %arg15[%add3A_72, %add3A_606] : memref<256x128xf32, #tpu.memory_space<vmem>>[vector<16xi32>, vector<16xi32>], vector<16xf32>,
      %add3A_608 = arith.constant 50 : i32
      %add3A_609 = vector.broadcast %add3A_608 : i32 to vector<16xi32>
      %add3A_610 = arith.addi %mul3A_95, %add3A_609 : vector<16xi32>
      %gather3A_611 = tpu.vector_load_idx %arg16[%add3A_72, %add3A_610] : memref<256x128xf32, #tpu.memory_space<vmem>>[vector<16xi32>, vector<16xi32>], vector<16xf32>,
      %mul3A_612 = arith.mulf %gather3A_607, %gather3A_611 : vector<16xf32>
      %add3A_613 = arith.addf %add3A_603, %mul3A_612 : vector<16xf32>
      %add3A_614 = arith.constant 51 : i32
      %add3A_615 = vector.broadcast %add3A_614 : i32 to vector<16xi32>
      %add3A_616 = arith.addi %mul3A_82, %add3A_615 : vector<16xi32>
      %gather3A_617 = tpu.vector_load_idx %arg15[%add3A_72, %add3A_616] : memref<256x128xf32, #tpu.memory_space<vmem>>[vector<16xi32>, vector<16xi32>], vector<16xf32>,
      %add3A_618 = arith.constant 51 : i32
      %add3A_619 = vector.broadcast %add3A_618 : i32 to vector<16xi32>
      %add3A_620 = arith.addi %mul3A_95, %add3A_619 : vector<16xi32>
      %gather3A_621 = tpu.vector_load_idx %arg16[%add3A_72, %add3A_620] : memref<256x128xf32, #tpu.memory_space<vmem>>[vector<16xi32>, vector<16xi32>], vector<16xf32>,
      %mul3A_622 = arith.mulf %gather3A_617, %gather3A_621 : vector<16xf32>
      %add3A_623 = arith.addf %add3A_613, %mul3A_622 : vector<16xf32>
      %add3A_624 = arith.constant 52 : i32
      %add3A_625 = vector.broadcast %add3A_624 : i32 to vector<16xi32>
      %add3A_626 = arith.addi %mul3A_82, %add3A_625 : vector<16xi32>
      %gather3A_627 = tpu.vector_load_idx %arg15[%add3A_72, %add3A_626] : memref<256x128xf32, #tpu.memory_space<vmem>>[vector<16xi32>, vector<16xi32>], vector<16xf32>,
      %add3A_628 = arith.constant 52 : i32
      %add3A_629 = vector.broadcast %add3A_628 : i32 to vector<16xi32>
      %add3A_630 = arith.addi %mul3A_95, %add3A_629 : vector<16xi32>
      %gather3A_631 = tpu.vector_load_idx %arg16[%add3A_72, %add3A_630] : memref<256x128xf32, #tpu.memory_space<vmem>>[vector<16xi32>, vector<16xi32>], vector<16xf32>,
      %mul3A_632 = arith.mulf %gather3A_627, %gather3A_631 : vector<16xf32>
      %add3A_633 = arith.addf %add3A_623, %mul3A_632 : vector<16xf32>
      %add3A_634 = arith.constant 53 : i32
      %add3A_635 = vector.broadcast %add3A_634 : i32 to vector<16xi32>
      %add3A_636 = arith.addi %mul3A_82, %add3A_635 : vector<16xi32>
      %gather3A_637 = tpu.vector_load_idx %arg15[%add3A_72, %add3A_636] : memref<256x128xf32, #tpu.memory_space<vmem>>[vector<16xi32>, vector<16xi32>], vector<16xf32>,
      %add3A_638 = arith.constant 53 : i32
      %add3A_639 = vector.broadcast %add3A_638 : i32 to vector<16xi32>
      %add3A_640 = arith.addi %mul3A_95, %add3A_639 : vector<16xi32>
      %gather3A_641 = tpu.vector_load_idx %arg16[%add3A_72, %add3A_640] : memref<256x128xf32, #tpu.memory_space<vmem>>[vector<16xi32>, vector<16xi32>], vector<16xf32>,
      %mul3A_642 = arith.mulf %gather3A_637, %gather3A_641 : vector<16xf32>
      %add3A_643 = arith.addf %add3A_633, %mul3A_642 : vector<16xf32>
      %add3A_644 = arith.constant 54 : i32
      %add3A_645 = vector.broadcast %add3A_644 : i32 to vector<16xi32>
      %add3A_646 = arith.addi %mul3A_82, %add3A_645 : vector<16xi32>
      %gather3A_647 = tpu.vector_load_idx %arg15[%add3A_72, %add3A_646] : memref<256x128xf32, #tpu.memory_space<vmem>>[vector<16xi32>, vector<16xi32>], vector<16xf32>,
      %add3A_648 = arith.constant 54 : i32
      %add3A_649 = vector.broadcast %add3A_648 : i32 to vector<16xi32>
      %add3A_650 = arith.addi %mul3A_95, %add3A_649 : vector<16xi32>
      %gather3A_651 = tpu.vector_load_idx %arg16[%add3A_72, %add3A_650] : memref<256x128xf32, #tpu.memory_space<vmem>>[vector<16xi32>, vector<16xi32>], vector<16xf32>,
      %mul3A_652 = arith.mulf %gather3A_647, %gather3A_651 : vector<16xf32>
      %add3A_653 = arith.addf %add3A_643, %mul3A_652 : vector<16xf32>
      %add3A_654 = arith.constant 55 : i32
      %add3A_655 = vector.broadcast %add3A_654 : i32 to vector<16xi32>
      %add3A_656 = arith.addi %mul3A_82, %add3A_655 : vector<16xi32>
      %gather3A_657 = tpu.vector_load_idx %arg15[%add3A_72, %add3A_656] : memref<256x128xf32, #tpu.memory_space<vmem>>[vector<16xi32>, vector<16xi32>], vector<16xf32>,
      %add3A_658 = arith.constant 55 : i32
      %add3A_659 = vector.broadcast %add3A_658 : i32 to vector<16xi32>
      %add3A_660 = arith.addi %mul3A_95, %add3A_659 : vector<16xi32>
      %gather3A_661 = tpu.vector_load_idx %arg16[%add3A_72, %add3A_660] : memref<256x128xf32, #tpu.memory_space<vmem>>[vector<16xi32>, vector<16xi32>], vector<16xf32>,
      %mul3A_662 = arith.mulf %gather3A_657, %gather3A_661 : vector<16xf32>
      %add3A_663 = arith.addf %add3A_653, %mul3A_662 : vector<16xf32>
      %add3A_664 = arith.constant 56 : i32
      %add3A_665 = vector.broadcast %add3A_664 : i32 to vector<16xi32>
      %add3A_666 = arith.addi %mul3A_82, %add3A_665 : vector<16xi32>
      %gather3A_667 = tpu.vector_load_idx %arg15[%add3A_72, %add3A_666] : memref<256x128xf32, #tpu.memory_space<vmem>>[vector<16xi32>, vector<16xi32>], vector<16xf32>,
      %add3A_668 = arith.constant 56 : i32
      %add3A_669 = vector.broadcast %add3A_668 : i32 to vector<16xi32>
      %add3A_670 = arith.addi %mul3A_95, %add3A_669 : vector<16xi32>
      %gather3A_671 = tpu.vector_load_idx %arg16[%add3A_72, %add3A_670] : memref<256x128xf32, #tpu.memory_space<vmem>>[vector<16xi32>, vector<16xi32>], vector<16xf32>,
      %mul3A_672 = arith.mulf %gather3A_667, %gather3A_671 : vector<16xf32>
      %add3A_673 = arith.addf %add3A_663, %mul3A_672 : vector<16xf32>
      %add3A_674 = arith.constant 57 : i32
      %add3A_675 = vector.broadcast %add3A_674 : i32 to vector<16xi32>
      %add3A_676 = arith.addi %mul3A_82, %add3A_675 : vector<16xi32>
      %gather3A_677 = tpu.vector_load_idx %arg15[%add3A_72, %add3A_676] : memref<256x128xf32, #tpu.memory_space<vmem>>[vector<16xi32>, vector<16xi32>], vector<16xf32>,
      %add3A_678 = arith.constant 57 : i32
      %add3A_679 = vector.broadcast %add3A_678 : i32 to vector<16xi32>
      %add3A_680 = arith.addi %mul3A_95, %add3A_679 : vector<16xi32>
      %gather3A_681 = tpu.vector_load_idx %arg16[%add3A_72, %add3A_680] : memref<256x128xf32, #tpu.memory_space<vmem>>[vector<16xi32>, vector<16xi32>], vector<16xf32>,
      %mul3A_682 = arith.mulf %gather3A_677, %gather3A_681 : vector<16xf32>
      %add3A_683 = arith.addf %add3A_673, %mul3A_682 : vector<16xf32>
      %add3A_684 = arith.constant 58 : i32
      %add3A_685 = vector.broadcast %add3A_684 : i32 to vector<16xi32>
      %add3A_686 = arith.addi %mul3A_82, %add3A_685 : vector<16xi32>
      %gather3A_687 = tpu.vector_load_idx %arg15[%add3A_72, %add3A_686] : memref<256x128xf32, #tpu.memory_space<vmem>>[vector<16xi32>, vector<16xi32>], vector<16xf32>,
      %add3A_688 = arith.constant 58 : i32
      %add3A_689 = vector.broadcast %add3A_688 : i32 to vector<16xi32>
      %add3A_690 = arith.addi %mul3A_95, %add3A_689 : vector<16xi32>
      %gather3A_691 = tpu.vector_load_idx %arg16[%add3A_72, %add3A_690] : memref<256x128xf32, #tpu.memory_space<vmem>>[vector<16xi32>, vector<16xi32>], vector<16xf32>,
      %mul3A_692 = arith.mulf %gather3A_687, %gather3A_691 : vector<16xf32>
      %add3A_693 = arith.addf %add3A_683, %mul3A_692 : vector<16xf32>
      %add3A_694 = arith.constant 59 : i32
      %add3A_695 = vector.broadcast %add3A_694 : i32 to vector<16xi32>
      %add3A_696 = arith.addi %mul3A_82, %add3A_695 : vector<16xi32>
      %gather3A_697 = tpu.vector_load_idx %arg15[%add3A_72, %add3A_696] : memref<256x128xf32, #tpu.memory_space<vmem>>[vector<16xi32>, vector<16xi32>], vector<16xf32>,
      %add3A_698 = arith.constant 59 : i32
      %add3A_699 = vector.broadcast %add3A_698 : i32 to vector<16xi32>
      %add3A_700 = arith.addi %mul3A_95, %add3A_699 : vector<16xi32>
      %gather3A_701 = tpu.vector_load_idx %arg16[%add3A_72, %add3A_700] : memref<256x128xf32, #tpu.memory_space<vmem>>[vector<16xi32>, vector<16xi32>], vector<16xf32>,
      %mul3A_702 = arith.mulf %gather3A_697, %gather3A_701 : vector<16xf32>
      %add3A_703 = arith.addf %add3A_693, %mul3A_702 : vector<16xf32>
      %add3A_704 = arith.constant 60 : i32
      %add3A_705 = vector.broadcast %add3A_704 : i32 to vector<16xi32>
      %add3A_706 = arith.addi %mul3A_82, %add3A_705 : vector<16xi32>
      %gather3A_707 = tpu.vector_load_idx %arg15[%add3A_72, %add3A_706] : memref<256x128xf32, #tpu.memory_space<vmem>>[vector<16xi32>, vector<16xi32>], vector<16xf32>,
      %add3A_708 = arith.constant 60 : i32
      %add3A_709 = vector.broadcast %add3A_708 : i32 to vector<16xi32>
      %add3A_710 = arith.addi %mul3A_95, %add3A_709 : vector<16xi32>
      %gather3A_711 = tpu.vector_load_idx %arg16[%add3A_72, %add3A_710] : memref<256x128xf32, #tpu.memory_space<vmem>>[vector<16xi32>, vector<16xi32>], vector<16xf32>,
      %mul3A_712 = arith.mulf %gather3A_707, %gather3A_711 : vector<16xf32>
      %add3A_713 = arith.addf %add3A_703, %mul3A_712 : vector<16xf32>
      %add3A_714 = arith.constant 61 : i32
      %add3A_715 = vector.broadcast %add3A_714 : i32 to vector<16xi32>
      %add3A_716 = arith.addi %mul3A_82, %add3A_715 : vector<16xi32>
      %gather3A_717 = tpu.vector_load_idx %arg15[%add3A_72, %add3A_716] : memref<256x128xf32, #tpu.memory_space<vmem>>[vector<16xi32>, vector<16xi32>], vector<16xf32>,
      %add3A_718 = arith.constant 61 : i32
      %add3A_719 = vector.broadcast %add3A_718 : i32 to vector<16xi32>
      %add3A_720 = arith.addi %mul3A_95, %add3A_719 : vector<16xi32>
      %gather3A_721 = tpu.vector_load_idx %arg16[%add3A_72, %add3A_720] : memref<256x128xf32, #tpu.memory_space<vmem>>[vector<16xi32>, vector<16xi32>], vector<16xf32>,
      %mul3A_722 = arith.mulf %gather3A_717, %gather3A_721 : vector<16xf32>
      %add3A_723 = arith.addf %add3A_713, %mul3A_722 : vector<16xf32>
      %add3A_724 = arith.constant 62 : i32
      %add3A_725 = vector.broadcast %add3A_724 : i32 to vector<16xi32>
      %add3A_726 = arith.addi %mul3A_82, %add3A_725 : vector<16xi32>
      %gather3A_727 = tpu.vector_load_idx %arg15[%add3A_72, %add3A_726] : memref<256x128xf32, #tpu.memory_space<vmem>>[vector<16xi32>, vector<16xi32>], vector<16xf32>,
      %add3A_728 = arith.constant 62 : i32
      %add3A_729 = vector.broadcast %add3A_728 : i32 to vector<16xi32>
      %add3A_730 = arith.addi %mul3A_95, %add3A_729 : vector<16xi32>
      %gather3A_731 = tpu.vector_load_idx %arg16[%add3A_72, %add3A_730] : memref<256x128xf32, #tpu.memory_space<vmem>>[vector<16xi32>, vector<16xi32>], vector<16xf32>,
      %mul3A_732 = arith.mulf %gather3A_727, %gather3A_731 : vector<16xf32>
      %add3A_733 = arith.addf %add3A_723, %mul3A_732 : vector<16xf32>
      %add3A_734 = arith.constant 63 : i32
      %add3A_735 = vector.broadcast %add3A_734 : i32 to vector<16xi32>
      %add3A_736 = arith.addi %mul3A_82, %add3A_735 : vector<16xi32>
      %gather3A_737 = tpu.vector_load_idx %arg15[%add3A_72, %add3A_736] : memref<256x128xf32, #tpu.memory_space<vmem>>[vector<16xi32>, vector<16xi32>], vector<16xf32>,
      %add3A_738 = arith.constant 63 : i32
      %add3A_739 = vector.broadcast %add3A_738 : i32 to vector<16xi32>
      %add3A_740 = arith.addi %mul3A_95, %add3A_739 : vector<16xi32>
      %gather3A_741 = tpu.vector_load_idx %arg16[%add3A_72, %add3A_740] : memref<256x128xf32, #tpu.memory_space<vmem>>[vector<16xi32>, vector<16xi32>], vector<16xf32>,
      %mul3A_742 = arith.mulf %gather3A_737, %gather3A_741 : vector<16xf32>
      %add3A_743 = arith.addf %add3A_733, %mul3A_742 : vector<16xf32>
      %add3A_744 = arith.constant 256 : i32
      %add3A_745 = arith.addi %add3A_744, %mul3A_70 : i32
      %swap3A = arith.index_cast %add3A_745 : i32 to index
      %swap3A_746 = tpu.vector_load %arg19[%swap3A] {strides = array<i32>} : memref<512xf32, #tpu.memory_space<vmem>>, vector<16xf32>,
      tpu.vector_store %arg19[%swap3A], %add3A_743 {strides = array<i32>} : memref<512xf32, #tpu.memory_space<vmem>>, vector<16xf32>,
    }
    %scan3A_67 = arith.constant 16 : i32
    "tpu.region"() ({
      %run_scoped3A = tpu.sem_alloc : memref<!tpu.dma_semaphore, #tpu.memory_space<semaphore_mem>>
      %dma_start3A_68 = tpu.memref_slice %arg8[%mul3A_2] : memref<16384xf32, #tpu.memory_space<hbm>> -> memref<512xf32, #tpu.memory_space<hbm>>
      %dma_start3A_69 = tpu.memref_slice %arg8[%mul3A_2] : memref<16384xf32, #tpu.memory_space<hbm>> -> memref<512xf32, #tpu.memory_space<hbm>>
      tpu.enqueue_dma source(%arg19 : memref<512xf32, #tpu.memory_space<vmem>>) target(%dma_start3A_69 : memref<512xf32, #tpu.memory_space<hbm>>) target_semaphore(%run_scoped3A : memref<!tpu.dma_semaphore, #tpu.memory_space<semaphore_mem>>)
      %dma_wait3A_70 = tpu.memref_slice %arg8[%mul3A_2] : memref<16384xf32, #tpu.memory_space<hbm>> -> memref<512xf32, #tpu.memory_space<hbm>>
      %dma_wait3A_71 = tpu.memref_slice %arg8[%mul3A_2] : memref<16384xf32, #tpu.memory_space<hbm>> -> memref<512xf32, #tpu.memory_space<hbm>>
      tpu.wait_dma2 semaphore(%run_scoped3A : memref<!tpu.dma_semaphore, #tpu.memory_space<semaphore_mem>>) src(%arg19 : memref<512xf32, #tpu.memory_space<vmem>>) dst(%dma_wait3A_71 : memref<512xf32, #tpu.memory_space<hbm>>)
      tpu.yield
    }) : () -> ()
    return
  }
}

module attributes {stable_mosaic.version = 14 : i64} {
  func.func @_retile_body(%arg0: i32, %arg1: memref<64x16384xf32, #tpu.memory_space<vmem>>, %arg2: memref<64x16384xf32, #tpu.memory_space<vmem>>, %arg3: memref<8192x128xf32, #tpu.memory_space<vmem>>, %arg4: memref<8192x128xf32, #tpu.memory_space<vmem>>) attributes {dimension_semantics = [#tpu.dimension_semantics<arbitrary>], iteration_bounds = array<i64: 62>, scalar_prefetch = 0 : i64, scratch_operands = 0 : i64, tpu.core_type = #tpu.core_type<tc>, window_params = [{transform_indices = @transform_0, window_bounds = array<i64: 64, 16384>}, {transform_indices = @transform_1, window_bounds = array<i64: 64, 16384>}, {transform_indices = @transform_2, window_bounds = array<i64: 8192, 128>}, {transform_indices = @transform_3, window_bounds = array<i64: 8192, 128>}]} {
    %get3A = arith.constant 0 : index
    %get3A_0 = arith.constant 0 : index
    %get3A_1 = vector.load %arg1[%get3A, %get3A_0] : memref<64x16384xf32, #tpu.memory_space<vmem>>, vector<64x16384xf32>
    %transpose3A = tpu.transpose %get3A_1, [1, 0] : vector<64x16384xf32> -> vector<16384x64xf32>
    %slice3A = vector.extract_strided_slice %transpose3A {offsets = [0, 0], sizes = [8192, 64], strides = [1, 1]} : vector<16384x64xf32> to vector<8192x64xf32>
    %slice3A_2 = vector.extract_strided_slice %transpose3A {offsets = [8192, 0], sizes = [8192, 64], strides = [1, 1]} : vector<16384x64xf32> to vector<8192x64xf32>
    %concatenate3A = tpu.concatenate %slice3A, %slice3A_2 in 1 : vector<8192x64xf32>, vector<8192x64xf32> -> vector<8192x128xf32>
    %swap3A = arith.constant 0 : index
    %swap3A_3 = arith.constant 0 : index
    %swap3A_4 = vector.load %arg3[%swap3A, %swap3A_3] : memref<8192x128xf32, #tpu.memory_space<vmem>>, vector<8192x128xf32>
    tpu.vector_store %arg3[%swap3A, %swap3A_3], %concatenate3A {strides = array<i32>} : memref<8192x128xf32, #tpu.memory_space<vmem>>, vector<8192x128xf32>,
    %get3A_5 = arith.constant 0 : index
    %get3A_6 = arith.constant 0 : index
    %get3A_7 = vector.load %arg2[%get3A_5, %get3A_6] : memref<64x16384xf32, #tpu.memory_space<vmem>>, vector<64x16384xf32>
    %transpose3A_8 = tpu.transpose %get3A_7, [1, 0] : vector<64x16384xf32> -> vector<16384x64xf32>
    %slice3A_9 = vector.extract_strided_slice %transpose3A_8 {offsets = [0, 0], sizes = [8192, 64], strides = [1, 1]} : vector<16384x64xf32> to vector<8192x64xf32>
    %slice3A_10 = vector.extract_strided_slice %transpose3A_8 {offsets = [8192, 0], sizes = [8192, 64], strides = [1, 1]} : vector<16384x64xf32> to vector<8192x64xf32>
    %concatenate3A_11 = tpu.concatenate %slice3A_9, %slice3A_10 in 1 : vector<8192x64xf32>, vector<8192x64xf32> -> vector<8192x128xf32>
    %swap3A_12 = arith.constant 0 : index
    %swap3A_13 = arith.constant 0 : index
    %swap3A_14 = vector.load %arg4[%swap3A_12, %swap3A_13] : memref<8192x128xf32, #tpu.memory_space<vmem>>, vector<8192x128xf32>
    tpu.vector_store %arg4[%swap3A_12, %swap3A_13], %concatenate3A_11 {strides = array<i32>} : memref<8192x128xf32, #tpu.memory_space<vmem>>, vector<8192x128xf32>,
    return
  }
  func.func @transform_0(%arg0: i32) -> (i32, i32) {
    %c0_i32 = arith.constant 0 : i32
    %c0_i32_0 = arith.constant 0 : i32
    return %c0_i32, %arg0 : i32, i32
  }
  func.func @transform_1(%arg0: i32) -> (i32, i32) {
    %c0_i32 = arith.constant 0 : i32
    %c0_i32_0 = arith.constant 0 : i32
    return %c0_i32, %arg0 : i32, i32
  }
  func.func @transform_2(%arg0: i32) -> (i32, i32) {
    %c0_i32 = arith.constant 0 : i32
    %c0_i32_0 = arith.constant 0 : i32
    return %arg0, %c0_i32 : i32, i32
  }
  func.func @transform_3(%arg0: i32) -> (i32, i32) {
    %c0_i32 = arith.constant 0 : i32
    %c0_i32_0 = arith.constant 0 : i32
    return %arg0, %c0_i32 : i32, i32
  }
}

</mosaic_0001>

<sc_bundles>
// kernel: kernel.4.cloned.1.call-start
scs
__scs_entry_jumppad:
0x0: {  	(pc) =	sbr.rel $0x88, $3  }
0x1: {  	(tag) =	ssettag $0x0;
	lr =	simm.s32 $0x1  }
0x2: {  	[smem:$0x3F9B] =	sst lr;
	_ =	strace $0xD0000000  }
0x3: {  	_ = 	snop  }
0x4: {  	_ = 	snop  }
0x5: {  	_ = 	snop  }
0x6: {  	_ = 	snop  }
0x7: {  	_ = 	snop  }
__scs_overlays_trampoline_lowered:
0x8: {  	[smem:$0x3FAA] =	sst s0  }
0x9: {  	[smem:$0x3FAB] =	sst s1  }
0xa: {  	[smem:$0x3FAC] =	sst s2  }
0xb: {  	[smem:$0x3FAD] =	sst s3  }
0xc: {  	[smem:$0x3FAE] =	sst s4  }
0xd: {  	[smem:$0x3FAF] =	sst s5  }
0xe: {  	[smem:$0x3FB0] =	sst s6  }
0xf: {  	[smem:$0x3FB1] =	sst s7  }
0x10: {  	[smem:$0x3FB2] =	sst s8  }
0x11: {  	[smem:$0x3FB3] =	sst s9;
	s0 =	simm.s32 @!p0 $0x0  }
0x12: {  	s1 =	sld [smem:$0x3F99];
	s0 =	simm.s32 @p0 $0x1  }
0x13: {  	[smem:$0x3FB4] =	sst s0;
	s0 =	simm.s32 @!p1 $0x0  }
0x14: {  	s2 =	sld [smem:$0x3F98];
	s0 =	simm.s32 @p1 $0x1  }
0x15: {  	[smem:$0x3FB5] =	sst s0;
	s0 =	simm.s32 @!p2 $0x0  }
0x16: {  	s3 =	sld [smem:$0x3FDB];
	s0 =	simm.s32 @p2 $0x1  }
0x17: {  	s4 =	simm.s32 $0x1BF5;
	[smem:$0x3FB7] =	sst s0  }
0x18: {  	s0 =	sld [smem:$0x3F9A];
	_ =	swait.ge [sflag:s4], $0x0  }
0x19: {  	s7 =	sld [smem:$0x3F9B]  }
0x1a: {  	s8 =	sadd.s32 $0xFFFFE003, lr  }
0x1b: {  	s9 =	sadd.s32 $0xFFFFFEF7, lr;
	s5 =	simm.s32 $0xFFFFFFFF;
	p2 =	slt.u32 s8, $0xFFFFF086  }
0x1c: {  	p1 =	slt.u32 s9, $0xF7A;
	s5 =	simm.s32 @!p2 $0x0  }
0x1d: {  	s5 =	simm.s32 @p1 $0x1;
	p0 =	seq.s32 s7, s2  }
0x1e: {  	s7 =	smul.u32 @!p0 $0xF7A, s2;
	p2 =	seq.s32 @!p0 s5, $0x0  }
0x1f: {  	s9 =	smul.u32 $0xF7A, s1;
	s8 =	simm.s32 @!p0 $0x1BF5;
	p2 =	por !p2, p0  }
0x20: {  	[sflag:s8] =	ssyncset.s32 @!p0 $0xFFFFF086;
	s6 =	sadd.s32 @!p0 s3, s7;
	s7 =	simm.s32 @!p0 $0x108  }
0x21: {  	s3 =	sadd.s32 s3, s9;
	s6 =	sadd.s32 @!p0 $0x88, s6;
	s7 =	simm.s32 @p2 $0x1082  }
0x22: {  	[simem:s7], [sflag:s8] =	dma.local @!p0 [hbm:s6], $0xF7A  }
0x23: {  	s9 =	sor.u32 $0xD0000000, s2;
	s6 =	simm.s32 $0x108;
	_ =	swait.ge @!p0 [sflag:s8], $0x0  }
0x24: {  	s3 =	sadd.s32 $0x88, s3;
	s6 =	simm.s32 @!p1 $0x1082;
	[sflag:s4] =	ssyncset.s32 $0xFFFFF086  }
0x25: {  	[simem:s6], [sflag:s4] =	dma.local [hbm:s3], $0xF7A  }
0x26: {  	[smem:$0x3F9B] =	sst s1;
	(tag) =	ssettag s2;
	_ =	strace s9  }
0x27: {  	s1 =	sld [smem:$0x3FAB]  }
0x28: {  	s2 =	sld [smem:$0x3FAC]  }
0x29: {  	s4 =	sld [smem:$0x3FAE]  }
0x2a: {  	p0 =	seq.s32 s5, $0x0;
	s5 =	sld [smem:$0x3FAF]  }
0x2b: {  	s6 =	sld [smem:$0x3FB0]  }
0x2c: {  	s7 =	sld [smem:$0x3FB1]  }
0x2d: {  	s3 =	simm.s32 $0x108;
	s8 =	sld [smem:$0x3FB2]  }
0x2e: {  	s3 =	simm.s32 @!p0 $0x1082;
	s9 =	sld [smem:$0x3FB3]  }
0x2f: {  	lr =	sadd.s32 s0, s3;
	s0 =	sld [smem:$0x3FAA]  }
0x30: {  	s3 =	sld [smem:$0x3FAD]  }
0x31: {  	[smem:$0x3FB6] =	sst s10  }
0x32: {  	s10 =	sld [smem:$0x3FB4];
	_ =	sdelay $0x3  }
0x33: {  	p0 =	seq.s32 s10, $0x1;
	s10 =	sld [smem:$0x3FB6];
	_ =	sdelay $0x3  }
0x34: {  	[smem:$0x3FB6] =	sst s10  }
0x35: {  	s10 =	sld [smem:$0x3FB5];
	_ =	sdelay $0x3  }
0x36: {  	p1 =	seq.s32 s10, $0x1;
	s10 =	sld [smem:$0x3FB6];
	_ =	sdelay $0x3  }
0x37: {  	[smem:$0x3FB6] =	sst s10  }
0x38: {  	s10 =	sld [smem:$0x3FB7]  }
0x39: {  	_ = 	snop;
	(pc) =	sbr.ind lr, $3  }
0x3a: {  	_ = 	snop  }
0x3b: {  	_ = 	snop  }
0x3c: {  	p2 =	seq.s32 s10, $0x1;
	s10 =	sld [smem:$0x3FB6]  }
0x3d: {  	_ =	shalt  }
0x3e: {  	_ =	shalt  }
0x3f: {  	_ =	shalt  }
0x40: {  	_ =	shalt  }
0x41: {  	_ =	shalt  }
0x42: {  	_ =	shalt  }
0x43: {  	_ =	shalt  }
0x44: {  	_ =	shalt  }
0x45: {  	_ =	shalt  }
0x46: {  	_ =	shalt  }
0x47: {  	_ =	shalt  }
0x48: {  	_ =	shalt  }
0x49: {  	_ =	shalt  }
0x4a: {  	_ =	shalt  }
0x4b: {  	_ =	shalt  }
0x4c: {  	_ =	shalt  }
0x4d: {  	_ =	shalt  }
0x4e: {  	_ =	shalt  }
0x4f: {  	_ =	shalt  }
0x50: {  	_ =	shalt  }
0x51: {  	_ =	shalt  }
0x52: {  	_ =	shalt  }
0x53: {  	_ =	shalt  }
0x54: {  	_ =	shalt  }
0x55: {  	_ =	shalt  }
0x56: {  	_ =	shalt  }
0x57: {  	_ =	shalt  }
0x58: {  	_ =	shalt  }
0x59: {  	_ =	shalt  }
0x5a: {  	_ =	shalt  }
0x5b: {  	_ =	shalt  }
0x5c: {  	_ =	shalt  }
0x5d: {  	_ =	shalt  }
0x5e: {  	_ =	shalt  }
0x5f: {  	_ =	shalt  }
0x60: {  	_ =	shalt  }
0x61: {  	_ =	shalt  }
0x62: {  	_ =	shalt  }
0x63: {  	_ =	shalt  }
0x64: {  	_ =	shalt  }
0x65: {  	_ =	shalt  }
0x66: {  	_ =	shalt  }
0x67: {  	_ =	shalt  }
0x68: {  	_ =	shalt  }
0x69: {  	_ =	shalt  }
0x6a: {  	_ =	shalt  }
0x6b: {  	_ =	shalt  }
0x6c: {  	_ =	shalt  }
0x6d: {  	_ =	shalt  }
0x6e: {  	_ =	shalt  }
0x6f: {  	_ =	shalt  }
0x70: {  	_ =	shalt  }
0x71: {  	_ =	shalt  }
0x72: {  	_ =	shalt  }
0x73: {  	_ =	shalt  }
0x74: {  	_ =	shalt  }
0x75: {  	_ =	shalt  }
0x76: {  	_ =	shalt  }
0x77: {  	_ =	shalt  }
0x78: {  	_ =	shalt  }
0x79: {  	_ =	shalt  }
0x7a: {  	_ =	shalt  }
0x7b: {  	_ =	shalt  }
0x7c: {  	_ =	shalt  }
0x7d: {  	_ =	shalt  }
0x7e: {  	_ =	shalt  }
0x7f: {  	_ =	shalt  }
0x80: {  	_ =	shalt  }
0x81: {  	_ =	shalt  }
0x82: {  	_ =	shalt  }
0x83: {  	_ =	shalt  }
0x84: {  	_ =	shalt  }
0x85: {  	_ =	shalt  }
0x86: {  	_ =	shalt  }
0x87: {  	_ =	shalt  }
.Lfunc_end0:
.L_simem_size_0:
called_computation_lowered:
.L_overlay_start_0:
0x88: {  	s2 =	sld [smem:$0x3FD9]  }
0x89: {  	s3 =	sld [smem:$0x3FFE];
	_ =	sdelay $0x1  }
0x8a: {  	s1 =	srdreg.scid  }
0x8b: {  	s0 =	sand.u32 $0x1, s1  }
0x8c: {  	s17 =	sshll.u32 s0, $0xA;
	s2 =	sadd.s32 s3, s2  }
0x8d: {  	s2 =	sadd.s32 s2, s17  }
0x8e: {  	[smem:$0x3FC2] =	sst s2  }
0x8f: {  	_ = 	snop  }
0x90: {  	s2 =	sld [smem:$0x3FC9]  }
0x91: {  	s18 =	sld [smem:$0x3FC8]  }
0x92: {  	s4 =	sld [smem:$0x3FD0];
	(tm) =	ssettm $0x1  }
0x93: {  	s5 =	sld [smem:$0x3FFB];
	_ =	sdelay $0x3  }
0x94: {  	_ =	strace s5  }
0x95: {  	s5 =	sld [smem:$0x3FFC];
	_ =	sdelay $0x3  }
0x96: {  	_ =	strace s5  }
0x97: {  	s5 =	sld [smem:$0x3FFD];
	_ =	sdelay $0x3  }
0x98: {  	_ =	strace s5  }
0x99: {  	_ =	strace $0x8FFFFFFF  }
0x9a: {  	s19 =	sld [smem:$0x3FDB];
	_ =	sdelay $0x1  }
0x9b: {  	s6 =	simm.s32 $_scs_section_size  }
0x9c: {  	s7 =	simm.s32 $_size__tile_overlayer_lowered;
	s8 =	simm.s32 $_tile_overlayer_lowered  }
0x9d: {  	s22 =	simm.s32 $0x1BFF;
	s21 =	sshll.u32 s8, $0x1;
	s5 =	sadd.s32 s6, s19  }
0x9e: {  	s9 =	simm.s32 $0x0;
	s20 =	sshll.u32 s7, $0x1;
	s7 =	sadd.s32 s21, s5  }
0x9f: {  	[timem:s9], [sflag:s22] =	dma.local [hbm:s7], s20  }
0xa0: {  	_ =	swait.ge [sflag:s22], s20  }
0xa1: {  	s6 =	ssub.s32 $0x0, s20;
	[sflag:s22] =	ssyncset.done $0x0  }
0xa2: {  	[sflag:s22] =	ssyncadd.s32 s6;
	_ =	sdelay $0x1  }
0xa3: {  	s23 =	simm.s32 $0x1B8B  }
0xa4: {  	_ =	swait.ge [sflag:s23], $0x1  }
0xa5: {  	[sflag:s23] =	ssyncset.done $0x0  }
0xa6: {  	s25 =	simm.s32 $0x1B8E;
	s24 =	sld [smem:$0x3FFE];
	[sflag:s23] =	ssyncadd.s32 $0xFFFFFFFF  }
0xa7: {  	s26 =	simm.s32 $execute0_lowered;
	[smem:$0x3FD2] =	sst s25  }
0xa8: {  	s7 =	sshll.u32 s26, $0x1;
	_ =	strace $0x80000046;
	[dreg:$0x1] =	wrdreg $0xFFFFFFFF  }
0xa9: {  	s28 =	simm.s32 $_size_execute0_lowered;
	s5 =	sadd.s32 s5, s7;
	[dreg:$0x0] =	wrdreg $0x0  }
0xaa: {  	s7 =	sshll.u32 s28, $0x1;
	[dreg:$0x2] =	wrdreg s5  }
0xab: {  	[dreg:$0x3] =	wrdreg s7  }
0xac: {  	[dreg:$0x4] =	wrdreg $0xC0  }
0xad: {  	_ =	task [dreg:s9], $0x5FFFF  }
0xae: {  	[dreg:$0x1] =	wrdreg $0xFFFFFFFF  }
0xaf: {  	[dreg:$0x0] =	wrdreg $0x60  }
0xb0: {  	[dreg:$0x2] =	wrdreg s2  }
0xb1: {  	[dreg:$0x3] =	wrdreg s18  }
0xb2: {  	[dreg:$0x4] =	wrdreg s24  }
0xb3: {  	[dreg:$0x5] =	wrdreg s4  }
0xb4: {  	[dreg:$0x6] =	wrdreg $0x9  }
0xb5: {  	_ =	task.clear_ibuf [dreg:s9], $0x7FFFF;
	_ =	strace $0x90000046  }
0xb6: {  	s29 =	simm.s32 $0x9;
	_ =	strace $0x80000048  }
0xb7: {  	_ =	swait.ge [sflag:s29], $0x1  }
0xb8: {  	[sflag:s29] =	ssyncadd.s32 $0xFFFFFFFF  }
0xb9: {  	_ =	strace $0x90000048  }
0xba: {  	_ =	sfence  }
0xbb: {  	s30 =	sld [smem:$0x0];
	_ =	sdelay $0x2  }
0xbc: {  	s31 =	sshll.u32 s1, $0xD;
	s1 =	sshrl.u32 s1, $0x2  }
0xbd: {  	s3 =	sand.u32 $0x4000, s31;
	s1 =	sadd.s32 s1, s30  }
0xbe: {  	s0 =	sor.u32 s3, s0;
	s1 =	sshll.u32 s1, $0x11  }
0xbf: {  	s0 =	sor.u32 s1, s0  }
0xc0: {  	s0 =	sadd.s32 $0x8F2B, s0  }
0xc1: {  	[sflag:s0] =	ssyncadd.remote.s32 $0x1  }
0xc2: {  	_ =	sfence.sel $0xFFFF  }
0xc3: {  	[dreg:$0x0] =	wrdreg $0xFFFFFFFF;
	(pc) =	sbr.abs _section_cstart, $3  }
0xc4: {  	[dreg:$0x1] =	wrdreg $0xFFFFFFFF  }
0xc5: {  	_ =	task.clear_ibuf [dreg:s9], $0x2FFFF;
	_ =	strace $0x9FFFFFFF  }
0xc6: {  	(tm) =	ssettm $0x7FFFFFFF  }
0xc7: {  	_ =	shalt  }
tec
execute0_lowered:
.L_overlay_start_1:
0x0: {  	(tag) =	ssettag $0x1  }
0x1: {  	s0 =	rddreg [dreg:$0x0]  }
0x2: {  	s3 =	rddreg [dreg:$0x1]  }
0x3: {  	s1 =	rddreg [dreg:$0x2]  }
0x4: {  	s9 =	rddreg [dreg:$0x3];
	s2 =	simm.s32 $0x0  }
0x5: {  	s5 =	srdreg.scid;
	s6 =	stileid.u32;
	s12 =	simm.s32 $0x200  }
0x6: {  	s13 =	simm.s32 $0x10800;
	s14 =	simm.s32 $0x10A00;
	s15 =	simm.s32 $0x2  }
0x7: {  	s16 =	simm.s32 $0x100;
	s17 =	simm.s32 $0x400;
	s18 =	simm.s32 $0x800  }
0x8: {  	s19 =	simm.s32 $0x600;
	s20 =	simm.s32 $0x8800;
	s21 =	simm.s32 $0x1  }
0x9: {  	s22 =	simm.s32 $0x500;
	s23 =	simm.s32 $0x700;
	s24 =	simm.s32 $0x10C00  }
0xa: {  	s25 =	simm.s32 $0x0;
	[smem:$0x7FF] =	sst s2;
	s4 =	sadd.s32 $0x3D400, s1  }
0xb: {  	s5 =	sand.u32 $0x1, s5;
	s6 =	sshll.u32 s6, $0x7;
	_ =	strace $0x80000047  }
0xc: {  	s7 =	ssub.s32 $0x2, s5;
	s8 =	sshll.u32 s5, $0x6;
	s5 =	sadd.s32 $0x7FD400, s1  }
0xd: {  	s10 =	sshrl.u32 s7, $0x1;
	s11 =	sor.u32 s8, s6;
	s6 =	sadd.s32 $0x1EA00, s1  }
0xe: {  	v0 =	vlaneseq.u32;
	s10 =	ssub.s32 s7, s10;
	s7 =	sadd.s32 s0, s11;
	s8 =	sadd.s32 s3, s11  }
0xf: {  	v0 =	vmul.u32 $0x80, v0;
	s9 =	sadd.s32 s9, s11;
	s11 =	simm.s32 $0x3;
	s10 =	smax.u32 s10, $0x1  }
.LBB2_1:
0x10: {  	[tilespmem:s2], [sflag:$0x3] =	stream.linear.gather [hbm4b:s7+s2], $0x200, $0x38;
	[tilespmem:$0x10E00] =	vst v63  }
0x11: {  	_ =	swait.ge [sflag:s11], $0x200  }
0x12: {  	[sflag:s11] =	ssyncset.done $0x0  }
0x13: {  	[sflag:s11] =	ssyncadd.s32 $0xFFFFFE00  }
0x14: {  	[tilespmem:s12], [sflag:$0x3] =	stream.linear.gather [hbm4b:s8+s2], $0x200, $0x38;
	[tilespmem:$0x10E00] =	vst v63  }
0x15: {  	_ =	swait.ge [sflag:s11], $0x200  }
0x16: {  	[sflag:s11] =	ssyncset.done $0x0  }
0x17: {  	[sflag:s11] =	ssyncadd.s32 $0xFFFFFE00  }
0x18: {  	[tilespmem:s13], [sflag:$0x2] =	stream.indirect.gather [hbm4b:s1+s12], $0x1, s2, s12, $0xb8;
	[tilespmem:$0x10E00] =	vst v63  }
0x19: {  	s0 =	simm.s32 $0x0  }
0x1a: {  	[tilespmem:s14], [sflag:$0x2] =	stream.indirect.gather [hbm4b:s6+s12], $0x1, s12, s12, $0xb8;
	[tilespmem:$0x10E00] =	vst v63  }
0x1b: {  	s3 =	simm.s32 $0x40;
	v1 =	vld [tilespmem:s0+$0x0]  }
.LBB2_2:
0x1c: {  	_ =	sdelay $0x1  }
0x1d: {  	p0 =	sne.s32 s3, $0x3C0  }
.Ltmp0:
0x1e: {  	_ = 	snop;
	(pc) =	sbr.rel @p0 .LBB2_2-.Ltmp0, $4  }
0x1f: {  	v2 =	vshra.s32 v1, $0x1  }
0x20: {  	v3 =	vand.u32 $0x1FFF, v1;
	v2 =	vand.u32 $0xFFFFE000, v2  }
0x21: {  	s26 =	sshra.s32 s3, $0x2;
	v2 =	vor.u32 v3, v2  }
0x22: {  	s3 =	sadd.s32 $0x40, s3;
	v1 =	vld [tilespmem:s26+$0x0];
	[tilespmem:s0+$0x400] =	vst v2;
	s0 =	smov.u32 s26  }
0x23: {  	_ =	sdelay $0x3  }
0x24: {  	v2 =	vshra.s32 v1, $0x1  }
0x25: {  	v1 =	vand.u32 $0x1FFF, v1;
	v2 =	vand.u32 $0xFFFFE000, v2  }
0x26: {  	v1 =	vor.u32 v1, v2  }
0x27: {  	[tilespmem:s0+$0x400] =	vst v1;
	s0 =	simm.s32 $0x0  }
0x28: {  	s26 =	simm.s32 $0x40;
	s3 =	simm.s32 $0x0;
	v1 =	vld [tilespmem:s0+$0x100]  }
.LBB2_4:
0x29: {  	_ =	sdelay $0x1  }
0x2a: {  	p0 =	sne.s32 s26, $0x3C0  }
.Ltmp1:
0x2b: {  	_ = 	snop;
	(pc) =	sbr.rel @p0 .LBB2_4-.Ltmp1, $4  }
0x2c: {  	v2 =	vshra.s32 v1, $0x1  }
0x2d: {  	v3 =	vand.u32 $0x1FFF, v1;
	v2 =	vand.u32 $0xFFFFE000, v2  }
0x2e: {  	s28 =	sshra.s32 s26, $0x2;
	v2 =	vor.u32 v3, v2  }
0x2f: {  	s26 =	sadd.s32 $0x40, s26;
	v1 =	vld [tilespmem:s28+$0x100];
	[tilespmem:s3+$0x500] =	vst v2;
	s3 =	smov.u32 s28  }
0x30: {  	_ =	sdelay $0x3  }
0x31: {  	v2 =	vshra.s32 v1, $0x1  }
0x32: {  	v1 =	vand.u32 $0x1FFF, v1;
	v2 =	vand.u32 $0xFFFFE000, v2  }
0x33: {  	v1 =	vor.u32 v1, v2  }
0x34: {  	[tilespmem:s3+$0x500] =	vst v1  }
0x35: {  	s3 =	simm.s32 $0x40;
	v1 =	vld [tilespmem:s0+$0x200]  }
.LBB2_6:
0x36: {  	_ =	sdelay $0x1  }
0x37: {  	p0 =	sne.s32 s3, $0x3C0  }
.Ltmp2:
0x38: {  	_ = 	snop;
	(pc) =	sbr.rel @p0 .LBB2_6-.Ltmp2, $4  }
0x39: {  	v2 =	vshra.s32 v1, $0x1  }
0x3a: {  	v3 =	vand.u32 $0x1FFF, v1;
	v2 =	vand.u32 $0xFFFFE000, v2  }
0x3b: {  	s26 =	sshra.s32 s3, $0x2;
	v2 =	vor.u32 v3, v2  }
0x3c: {  	s3 =	sadd.s32 $0x40, s3;
	v1 =	vld [tilespmem:s26+$0x200];
	[tilespmem:s0+$0x600] =	vst v2;
	s0 =	smov.u32 s26  }
0x3d: {  	_ =	sdelay $0x3  }
0x3e: {  	v2 =	vshra.s32 v1, $0x1  }
0x3f: {  	v1 =	vand.u32 $0x1FFF, v1;
	v2 =	vand.u32 $0xFFFFE000, v2  }
0x40: {  	v1 =	vor.u32 v1, v2  }
0x41: {  	[tilespmem:s0+$0x600] =	vst v1;
	s0 =	simm.s32 $0x0  }
0x42: {  	s3 =	simm.s32 $0x40;
	v1 =	vld [tilespmem:s0+$0x300]  }
.LBB2_8:
0x43: {  	_ =	sdelay $0x1  }
0x44: {  	p0 =	sne.s32 s3, $0x3C0  }
.Ltmp3:
0x45: {  	_ = 	snop;
	(pc) =	sbr.rel @p0 .LBB2_8-.Ltmp3, $4  }
0x46: {  	v2 =	vshra.s32 v1, $0x1  }
0x47: {  	v3 =	vand.u32 $0x1FFF, v1;
	v2 =	vand.u32 $0xFFFFE000, v2  }
0x48: {  	s26 =	sshra.s32 s3, $0x2;
	v2 =	vor.u32 v3, v2  }
0x49: {  	s3 =	sadd.s32 $0x40, s3;
	v1 =	vld [tilespmem:s26+$0x300];
	[tilespmem:s0+$0x700] =	vst v2;
	s0 =	smov.u32 s26  }
0x4a: {  	_ =	sdelay $0x3  }
0x4b: {  	v2 =	vshra.s32 v1, $0x1  }
0x4c: {  	v1 =	vand.u32 $0x1FFF, v1;
	v2 =	vand.u32 $0xFFFFE000, v2  }
0x4d: {  	v1 =	vor.u32 v1, v2  }
0x4e: {  	[tilespmem:s0+$0x700] =	vst v1  }
0x4f: {  	_ =	swait.ge [sflag:s15], $0x200  }
0x50: {  	[sflag:s15] =	ssyncset.done $0x0  }
0x51: {  	[sflag:s15] =	ssyncadd.s32 $0xFFFFFE00  }
0x52: {  	_ =	swait.ge [sflag:s15], $0x200  }
0x53: {  	[sflag:s15] =	ssyncset.done $0x0  }
0x54: {  	[sflag:s15] =	ssyncadd.s32 $0xFFFFFE00  }
0x55: {  	[tilespmem:s18], [sflag:$0x1] =	stream.indirect.gather [hbm4b:s4+s16], $0x80, s17, s16, $0xb8;
	[tilespmem:$0x10E00] =	vst v63  }
0x56: {  	_ = 	snop  }
0x57: {  	[tilespmem:s20], [sflag:$0x1] =	stream.indirect.gather [hbm4b:s5+s16], $0x80, s19, s16, $0xb8;
	[tilespmem:$0x10E00] =	vst v63  }
0x58: {  	_ =	swait.ge [sflag:s21], $0x8000  }
0x59: {  	[sflag:s21] =	ssyncset.done $0x0  }
0x5a: {  	[sflag:s21] =	ssyncadd.s32 $0xFFFF8000  }
0x5b: {  	_ =	swait.ge [sflag:s21], $0x8000  }
0x5c: {  	[sflag:s21] =	ssyncset.done $0x0  }
0x5d: {  	s26 =	simm.s32 $0x0;
	[sflag:s21] =	ssyncadd.s32 $0xFFFF8000  }
0x5e: {  	s3 =	simm.s32 $0x200;
	v1 =	vld [tilespmem:s26+$0x0]  }
0x5f: {  	v2 =	vld [tilespmem:s3+$0x0];
	_ =	sdelay $0x2  }
0x60: {  	v3 =	vmov s26  }
0x61: {  	v3 =	vshll.u32 v3, $0x7;
	v1 =	vshrl.u32 v1, $0x7  }
0x62: {  	v3 =	vor.u32 v0, v3;
	v2 =	vshrl.u32 v2, $0x7;
	v1 =	vand.u32 $0x40, v1  }
0x63: {  	v4 =	vand.u32 $0x40, v2;
	v2 =	vor.u32 v3, v1  }
0x64: {  	v1 =	vor.u32 v3, v4  }
0x65: {  	s28 =	simm.s32 $0x10800;
	v3 =	vor.u32 $0x1, v2  }
0x66: {  	s26 =	simm.s32 $0x10A00;
	v46 =	vld [tilespmem:s28+$0x0];
	v5 =	vor.u32 $0x1, v1  }
0x67: {  	v6 =	vld [tilespmem:s26+$0x0];
	v7 =	vor.u32 $0x2, v2  }
0x68: {  	v9 =	vor.u32 $0x2, v1;
	v8 =	vld.idx.msk [tilespmem:v2+s18+$0x0], $0xffff  }
0x69: {  	v11 =	vor.u32 $0x3, v2;
	v10 =	vld.idx.msk [tilespmem:v1+s20+$0x0], $0xffff  }
0x6a: {  	v12 =	vor.u32 $0x3, v1;
	v3 =	vld.idx.msk [tilespmem:v3+s18+$0x0], $0xffff  }
0x6b: {  	v13 =	vor.u32 $0x4, v2;
	v5 =	vld.idx.msk [tilespmem:v5+s20+$0x0], $0xffff  }
0x6c: {  	v14 =	vor.u32 $0x4, v1;
	v7 =	vld.idx.msk [tilespmem:v7+s18+$0x0], $0xffff  }
0x6d: {  	v15 =	vor.u32 $0x5, v2;
	v9 =	vld.idx.msk [tilespmem:v9+s20+$0x0], $0xffff  }
0x6e: {  	v4 =	vadd.f32 v6, v46;
	v16 =	vor.u32 $0x5, v1;
	v11 =	vld.idx.msk [tilespmem:v11+s18+$0x0], $0xffff;
	v47 =	vmul.f32 v10, v8  }
0x6f: {  	v51 =	vor.u32 $0x6, v1;
	v48 =	vld.idx.msk [tilespmem:v12+s20+$0x0], $0xffff  }
0x70: {  	v49 =	vor.u32 $0x6, v2;
	v50 =	vld.idx.msk [tilespmem:v13+s18+$0x0], $0xffff;
	v3 =	vmul.f32 v5, v3;
	v4 =	vadd.f32 v47, v4  }
0x71: {  	v53 =	vor.u32 $0x7, v2;
	v52 =	vld.idx.msk [tilespmem:v14+s20+$0x0], $0xffff  }
0x72: {  	v55 =	vor.u32 $0x7, v1;
	v54 =	vld.idx.msk [tilespmem:v15+s18+$0x0], $0xffff;
	v56 =	vmul.f32 v9, v7;
	v3 =	vadd.f32 v3, v4  }
0x73: {  	v59 =	vor.u32 $0x8, v1;
	v57 =	vld.idx.msk [tilespmem:v16+s20+$0x0], $0xffff  }
0x74: {  	v58 =	vor.u32 $0x8, v2;
	v61 =	vld.idx.msk [tilespmem:v51+s20+$0x0], $0xffff;
	v60 =	vmul.f32 v48, v11;
	v3 =	vadd.f32 v56, v3  }
0x75: {  	v63 =	vor.u32 $0x9, v1;
	v10 =	vld.idx.msk [tilespmem:v49+s18+$0x0], $0xffff  }
0x76: {  	v62 =	vor.u32 $0x9, v2;
	v6 =	vld.idx.msk [tilespmem:v53+s18+$0x0], $0xffff;
	v20 =	vmul.f32 v52, v50;
	v3 =	vadd.f32 v60, v3  }
0x77: {  	v22 =	vor.u32 $0xA, v2;
	v21 =	vld.idx.msk [tilespmem:v55+s20+$0x0], $0xffff  }
0x78: {  	v23 =	vor.u32 $0xA, v1;
	v25 =	vld.idx.msk [tilespmem:v59+s20+$0x0], $0xffff;
	v24 =	vmul.f32 v57, v54;
	v3 =	vadd.f32 v20, v3  }
0x79: {  	v26 =	vor.u32 $0xB, v2;
	v9 =	vld.idx.msk [tilespmem:v58+s18+$0x0], $0xffff  }
0x7a: {  	v27 =	vor.u32 $0xB, v1;
	v29 =	vld.idx.msk [tilespmem:v63+s20+$0x0], $0xffff;
	v28 =	vmul.f32 v61, v10;
	v3 =	vadd.f32 v24, v3  }
0x7b: {  	v31 =	vor.u32 $0xC, v1;
	v11 =	vld.idx.msk [tilespmem:v62+s18+$0x0], $0xffff  }
0x7c: {  	v30 =	vor.u32 $0xC, v2;
	v12 =	vld.idx.msk [tilespmem:v22+s18+$0x0], $0xffff;
	v32 =	vmul.f32 v21, v6;
	v3 =	vadd.f32 v28, v3  }
0x7d: {  	v35 =	vor.u32 $0xD, v1;
	v33 =	vld.idx.msk [tilespmem:v23+s20+$0x0], $0xffff  }
0x7e: {  	v34 =	vor.u32 $0xD, v2;
	v14 =	vld.idx.msk [tilespmem:v26+s18+$0x0], $0xffff;
	v36 =	vmul.f32 v25, v9;
	v3 =	vadd.f32 v32, v3  }
0x7f: {  	v39 =	vor.u32 $0xE, v1;
	v37 =	vld.idx.msk [tilespmem:v27+s20+$0x0], $0xffff  }
0x80: {  	v38 =	vor.u32 $0xE, v2;
	v41 =	vld.idx.msk [tilespmem:v31+s20+$0x0], $0xffff;
	v40 =	vmul.f32 v29, v11;
	v3 =	vadd.f32 v36, v3  }
0x81: {  	v43 =	vor.u32 $0xF, v1;
	v10 =	vld.idx.msk [tilespmem:v30+s18+$0x0], $0xffff  }
0x82: {  	v42 =	vor.u32 $0xF, v2;
	v45 =	vld.idx.msk [tilespmem:v35+s20+$0x0], $0xffff;
	v44 =	vmul.f32 v33, v12;
	v3 =	vadd.f32 v40, v3  }
0x83: {  	v46 =	vor.u32 $0x10, v2;
	v6 =	vld.idx.msk [tilespmem:v34+s18+$0x0], $0xffff  }
0x84: {  	v49 =	vld.idx.msk [tilespmem:v39+s20+$0x0], $0xffff;
	v48 =	vmul.f32 v37, v14;
	v47 =	vor.u32 $0x10, v1;
	v3 =	vadd.f32 v44, v3  }
0x85: {  	v51 =	vor.u32 $0x11, v1;
	v9 =	vld.idx.msk [tilespmem:v38+s18+$0x0], $0xffff  }
0x86: {  	v53 =	vld.idx.msk [tilespmem:v43+s20+$0x0], $0xffff;
	v50 =	vor.u32 $0x11, v2;
	v52 =	vmul.f32 v41, v10;
	v3 =	vadd.f32 v48, v3  }
0x87: {  	v55 =	vor.u32 $0x12, v1;
	v11 =	vld.idx.msk [tilespmem:v42+s18+$0x0], $0xffff  }
0x88: {  	v54 =	vor.u32 $0x12, v2;
	v12 =	vld.idx.msk [tilespmem:v46+s18+$0x0], $0xffff;
	v56 =	vmul.f32 v45, v6;
	v3 =	vadd.f32 v52, v3  }
0x89: {  	v58 =	vor.u32 $0x13, v2;
	v57 =	vld.idx.msk [tilespmem:v47+s20+$0x0], $0xffff  }
0x8a: {  	v59 =	vor.u32 $0x13, v1;
	v61 =	vld.idx.msk [tilespmem:v51+s20+$0x0], $0xffff;
	v60 =	vmul.f32 v49, v9;
	v3 =	vadd.f32 v56, v3  }
0x8b: {  	v63 =	vor.u32 $0x14, v1;
	v14 =	vld.idx.msk [tilespmem:v50+s18+$0x0], $0xffff  }
0x8c: {  	v62 =	vor.u32 $0x14, v2;
	v21 =	vld.idx.msk [tilespmem:v55+s20+$0x0], $0xffff;
	v20 =	vmul.f32 v53, v11;
	v3 =	vadd.f32 v60, v3  }
0x8d: {  	v23 =	vor.u32 $0x15, v1;
	v10 =	vld.idx.msk [tilespmem:v54+s18+$0x0], $0xffff  }
0x8e: {  	v22 =	vor.u32 $0x15, v2;
	v6 =	vld.idx.msk [tilespmem:v58+s18+$0x0], $0xffff;
	v24 =	vmul.f32 v57, v12;
	v3 =	vadd.f32 v20, v3  }
0x8f: {  	v27 =	vor.u32 $0x16, v1;
	v25 =	vld.idx.msk [tilespmem:v59+s20+$0x0], $0xffff  }
0x90: {  	v26 =	vor.u32 $0x16, v2;
	v29 =	vld.idx.msk [tilespmem:v63+s20+$0x0], $0xffff;
	v28 =	vmul.f32 v61, v14;
	v3 =	vadd.f32 v24, v3  }
0x91: {  	v31 =	vor.u32 $0x17, v1;
	v9 =	vld.idx.msk [tilespmem:v62+s18+$0x0], $0xffff  }
0x92: {  	v33 =	vld.idx.msk [tilespmem:v23+s20+$0x0], $0xffff;
	v30 =	vor.u32 $0x17, v2;
	v32 =	vmul.f32 v21, v10;
	v3 =	vadd.f32 v28, v3  }
0x93: {  	v35 =	vor.u32 $0x18, v1;
	v11 =	vld.idx.msk [tilespmem:v22+s18+$0x0], $0xffff  }
0x94: {  	v34 =	vor.u32 $0x18, v2;
	v37 =	vld.idx.msk [tilespmem:v27+s20+$0x0], $0xffff;
	v36 =	vmul.f32 v25, v6;
	v3 =	vadd.f32 v32, v3  }
0x95: {  	v39 =	vor.u32 $0x19, v1;
	v12 =	vld.idx.msk [tilespmem:v26+s18+$0x0], $0xffff  }
0x96: {  	v38 =	vor.u32 $0x19, v2;
	v41 =	vld.idx.msk [tilespmem:v31+s20+$0x0], $0xffff;
	v40 =	vmul.f32 v29, v9;
	v3 =	vadd.f32 v36, v3  }
0x97: {  	v43 =	vor.u32 $0x1A, v1;
	v14 =	vld.idx.msk [tilespmem:v30+s18+$0x0], $0xffff  }
0x98: {  	v42 =	vor.u32 $0x1A, v2;
	v45 =	vld.idx.msk [tilespmem:v35+s20+$0x0], $0xffff;
	v44 =	vmul.f32 v33, v11;
	v3 =	vadd.f32 v40, v3  }
0x99: {  	v47 =	vor.u32 $0x1B, v1;
	v10 =	vld.idx.msk [tilespmem:v34+s18+$0x0], $0xffff  }
0x9a: {  	v46 =	vor.u32 $0x1B, v2;
	v49 =	vld.idx.msk [tilespmem:v39+s20+$0x0], $0xffff;
	v48 =	vmul.f32 v37, v12;
	v3 =	vadd.f32 v44, v3  }
0x9b: {  	v51 =	vor.u32 $0x1C, v1;
	v6 =	vld.idx.msk [tilespmem:v38+s18+$0x0], $0xffff  }
0x9c: {  	v50 =	vor.u32 $0x1C, v2;
	v53 =	vld.idx.msk [tilespmem:v43+s20+$0x0], $0xffff;
	v52 =	vmul.f32 v41, v14;
	v3 =	vadd.f32 v48, v3  }
0x9d: {  	v55 =	vor.u32 $0x1D, v1;
	v9 =	vld.idx.msk [tilespmem:v42+s18+$0x0], $0xffff  }
0x9e: {  	v54 =	vor.u32 $0x1D, v2;
	v57 =	vld.idx.msk [tilespmem:v47+s20+$0x0], $0xffff;
	v56 =	vmul.f32 v45, v10;
	v3 =	vadd.f32 v52, v3  }
0x9f: {  	v59 =	vor.u32 $0x1E, v1;
	v11 =	vld.idx.msk [tilespmem:v46+s18+$0x0], $0xffff  }
0xa0: {  	v58 =	vor.u32 $0x1E, v2;
	v61 =	vld.idx.msk [tilespmem:v51+s20+$0x0], $0xffff;
	v60 =	vmul.f32 v49, v6;
	v3 =	vadd.f32 v56, v3  }
0xa1: {  	v63 =	vor.u32 $0x1F, v1;
	v12 =	vld.idx.msk [tilespmem:v50+s18+$0x0], $0xffff  }
0xa2: {  	v62 =	vor.u32 $0x1F, v2;
	v21 =	vld.idx.msk [tilespmem:v55+s20+$0x0], $0xffff;
	v20 =	vmul.f32 v53, v9;
	v3 =	vadd.f32 v60, v3  }
0xa3: {  	v23 =	vor.u32 $0x20, v1;
	v14 =	vld.idx.msk [tilespmem:v54+s18+$0x0], $0xffff  }
0xa4: {  	v22 =	vor.u32 $0x20, v2;
	v25 =	vld.idx.msk [tilespmem:v59+s20+$0x0], $0xffff;
	v24 =	vmul.f32 v57, v11;
	v3 =	vadd.f32 v20, v3  }
0xa5: {  	v27 =	vor.u32 $0x21, v1;
	v10 =	vld.idx.msk [tilespmem:v58+s18+$0x0], $0xffff  }
0xa6: {  	v26 =	vor.u32 $0x21, v2;
	v29 =	vld.idx.msk [tilespmem:v63+s20+$0x0], $0xffff;
	v28 =	vmul.f32 v61, v12;
	v3 =	vadd.f32 v24, v3  }
0xa7: {  	v31 =	vor.u32 $0x22, v1;
	v6 =	vld.idx.msk [tilespmem:v62+s18+$0x0], $0xffff  }
0xa8: {  	v30 =	vor.u32 $0x22, v2;
	v33 =	vld.idx.msk [tilespmem:v23+s20+$0x0], $0xffff;
	v32 =	vmul.f32 v21, v14;
	v3 =	vadd.f32 v28, v3  }
0xa9: {  	v35 =	vor.u32 $0x23, v1;
	v9 =	vld.idx.msk [tilespmem:v22+s18+$0x0], $0xffff  }
0xaa: {  	v34 =	vor.u32 $0x23, v2;
	v37 =	vld.idx.msk [tilespmem:v27+s20+$0x0], $0xffff;
	v36 =	vmul.f32 v25, v10;
	v3 =	vadd.f32 v32, v3  }
0xab: {  	v39 =	vor.u32 $0x24, v1;
	v11 =	vld.idx.msk [tilespmem:v26+s18+$0x0], $0xffff  }
0xac: {  	v38 =	vor.u32 $0x24, v2;
	v41 =	vld.idx.msk [tilespmem:v31+s20+$0x0], $0xffff;
	v40 =	vmul.f32 v29, v6;
	v3 =	vadd.f32 v36, v3  }
0xad: {  	v43 =	vor.u32 $0x25, v1;
	v12 =	vld.idx.msk [tilespmem:v30+s18+$0x0], $0xffff  }
0xae: {  	v42 =	vor.u32 $0x25, v2;
	v45 =	vld.idx.msk [tilespmem:v35+s20+$0x0], $0xffff;
	v44 =	vmul.f32 v33, v9;
	v3 =	vadd.f32 v40, v3  }
0xaf: {  	v47 =	vor.u32 $0x26, v1;
	v14 =	vld.idx.msk [tilespmem:v34+s18+$0x0], $0xffff  }
0xb0: {  	v46 =	vor.u32 $0x26, v2;
	v49 =	vld.idx.msk [tilespmem:v39+s20+$0x0], $0xffff;
	v48 =	vmul.f32 v37, v11;
	v3 =	vadd.f32 v44, v3  }
0xb1: {  	v51 =	vor.u32 $0x27, v1;
	v10 =	vld.idx.msk [tilespmem:v38+s18+$0x0], $0xffff  }
0xb2: {  	v50 =	vor.u32 $0x27, v2;
	v53 =	vld.idx.msk [tilespmem:v43+s20+$0x0], $0xffff;
	v52 =	vmul.f32 v41, v12;
	v3 =	vadd.f32 v48, v3  }
0xb3: {  	v55 =	vor.u32 $0x28, v1;
	v6 =	vld.idx.msk [tilespmem:v42+s18+$0x0], $0xffff  }
0xb4: {  	v54 =	vor.u32 $0x28, v2;
	v57 =	vld.idx.msk [tilespmem:v47+s20+$0x0], $0xffff;
	v56 =	vmul.f32 v45, v14;
	v3 =	vadd.f32 v52, v3  }
0xb5: {  	v59 =	vor.u32 $0x29, v1;
	v9 =	vld.idx.msk [tilespmem:v46+s18+$0x0], $0xffff  }
0xb6: {  	v58 =	vor.u32 $0x29, v2;
	v61 =	vld.idx.msk [tilespmem:v51+s20+$0x0], $0xffff;
	v60 =	vmul.f32 v49, v10;
	v3 =	vadd.f32 v56, v3  }
0xb7: {  	v63 =	vor.u32 $0x2A, v1;
	v11 =	vld.idx.msk [tilespmem:v50+s18+$0x0], $0xffff  }
0xb8: {  	v62 =	vor.u32 $0x2A, v2;
	v21 =	vld.idx.msk [tilespmem:v55+s20+$0x0], $0xffff;
	v20 =	vmul.f32 v53, v6;
	v3 =	vadd.f32 v60, v3  }
0xb9: {  	v23 =	vor.u32 $0x2B, v1;
	v12 =	vld.idx.msk [tilespmem:v54+s18+$0x0], $0xffff  }
0xba: {  	v22 =	vor.u32 $0x2B, v2;
	v25 =	vld.idx.msk [tilespmem:v59+s20+$0x0], $0xffff;
	v24 =	vmul.f32 v57, v9;
	v3 =	vadd.f32 v20, v3  }
0xbb: {  	v27 =	vor.u32 $0x2C, v1;
	v14 =	vld.idx.msk [tilespmem:v58+s18+$0x0], $0xffff  }
0xbc: {  	v26 =	vor.u32 $0x2C, v2;
	v29 =	vld.idx.msk [tilespmem:v63+s20+$0x0], $0xffff;
	v28 =	vmul.f32 v61, v11;
	v3 =	vadd.f32 v24, v3  }
0xbd: {  	v31 =	vor.u32 $0x2D, v1;
	v10 =	vld.idx.msk [tilespmem:v62+s18+$0x0], $0xffff  }
0xbe: {  	v30 =	vor.u32 $0x2D, v2;
	v33 =	vld.idx.msk [tilespmem:v23+s20+$0x0], $0xffff;
	v32 =	vmul.f32 v21, v12;
	v3 =	vadd.f32 v28, v3  }
0xbf: {  	v35 =	vor.u32 $0x2E, v1;
	v6 =	vld.idx.msk [tilespmem:v22+s18+$0x0], $0xffff  }
0xc0: {  	v34 =	vor.u32 $0x2E, v2;
	v37 =	vld.idx.msk [tilespmem:v27+s20+$0x0], $0xffff;
	v36 =	vmul.f32 v25, v14;
	v3 =	vadd.f32 v32, v3  }
0xc1: {  	v39 =	vor.u32 $0x2F, v1;
	v9 =	vld.idx.msk [tilespmem:v26+s18+$0x0], $0xffff  }
0xc2: {  	v38 =	vor.u32 $0x2F, v2;
	v41 =	vld.idx.msk [tilespmem:v31+s20+$0x0], $0xffff;
	v40 =	vmul.f32 v29, v10;
	v3 =	vadd.f32 v36, v3  }
0xc3: {  	v43 =	vor.u32 $0x30, v1;
	v11 =	vld.idx.msk [tilespmem:v30+s18+$0x0], $0xffff  }
0xc4: {  	v42 =	vor.u32 $0x30, v2;
	v45 =	vld.idx.msk [tilespmem:v35+s20+$0x0], $0xffff;
	v44 =	vmul.f32 v33, v6;
	v3 =	vadd.f32 v40, v3  }
0xc5: {  	v47 =	vor.u32 $0x31, v1;
	v12 =	vld.idx.msk [tilespmem:v34+s18+$0x0], $0xffff  }
0xc6: {  	v46 =	vor.u32 $0x31, v2;
	v49 =	vld.idx.msk [tilespmem:v39+s20+$0x0], $0xffff;
	v48 =	vmul.f32 v37, v9;
	v3 =	vadd.f32 v44, v3  }
0xc7: {  	v51 =	vor.u32 $0x32, v1;
	v14 =	vld.idx.msk [tilespmem:v38+s18+$0x0], $0xffff  }
0xc8: {  	v50 =	vor.u32 $0x32, v2;
	v53 =	vld.idx.msk [tilespmem:v43+s20+$0x0], $0xffff;
	v52 =	vmul.f32 v41, v11;
	v3 =	vadd.f32 v48, v3  }
0xc9: {  	v54 =	vor.u32 $0x33, v2;
	v10 =	vld.idx.msk [tilespmem:v42+s18+$0x0], $0xffff  }
0xca: {  	v55 =	vor.u32 $0x33, v1;
	v57 =	vld.idx.msk [tilespmem:v47+s20+$0x0], $0xffff;
	v56 =	vmul.f32 v45, v12;
	v3 =	vadd.f32 v52, v3  }
0xcb: {  	v58 =	vor.u32 $0x34, v2;
	v6 =	vld.idx.msk [tilespmem:v46+s18+$0x0], $0xffff  }
0xcc: {  	v59 =	vor.u32 $0x34, v1;
	v61 =	vld.idx.msk [tilespmem:v51+s20+$0x0], $0xffff;
	v60 =	vmul.f32 v49, v14;
	v3 =	vadd.f32 v56, v3  }
0xcd: {  	v62 =	vor.u32 $0x35, v2;
	v9 =	vld.idx.msk [tilespmem:v50+s18+$0x0], $0xffff  }
0xce: {  	v63 =	vor.u32 $0x35, v1;
	v19 =	vmul.f32 v53, v10;
	v11 =	vld.idx.msk [tilespmem:v54+s18+$0x0], $0xffff;
	v3 =	vadd.f32 v60, v3  }
0xcf: {  	v21 =	vor.u32 $0x36, v2;
	v20 =	vld.idx.msk [tilespmem:v55+s20+$0x0], $0xffff  }
0xd0: {  	v22 =	vor.u32 $0x36, v1;
	v23 =	vmul.f32 v57, v6;
	v12 =	vld.idx.msk [tilespmem:v58+s18+$0x0], $0xffff;
	v3 =	vadd.f32 v19, v3  }
0xd1: {  	v25 =	vor.u32 $0x37, v2;
	v24 =	vld.idx.msk [tilespmem:v59+s20+$0x0], $0xffff  }
0xd2: {  	v26 =	vor.u32 $0x37, v1;
	v27 =	vmul.f32 v61, v9;
	v14 =	vld.idx.msk [tilespmem:v62+s18+$0x0], $0xffff;
	v3 =	vadd.f32 v23, v3  }
0xd3: {  	v29 =	vor.u32 $0x38, v2;
	v28 =	vld.idx.msk [tilespmem:v63+s20+$0x0], $0xffff  }
0xd4: {  	v30 =	vor.u32 $0x38, v1;
	v10 =	vld.idx.msk [tilespmem:v21+s18+$0x0], $0xffff;
	v31 =	vmul.f32 v20, v11;
	v3 =	vadd.f32 v27, v3  }
0xd5: {  	v33 =	vor.u32 $0x39, v2;
	v32 =	vld.idx.msk [tilespmem:v22+s20+$0x0], $0xffff  }
0xd6: {  	v34 =	vor.u32 $0x39, v1;
	v6 =	vld.idx.msk [tilespmem:v25+s18+$0x0], $0xffff;
	v35 =	vmul.f32 v24, v12;
	v3 =	vadd.f32 v31, v3  }
0xd7: {  	v37 =	vor.u32 $0x3A, v2;
	v36 =	vld.idx.msk [tilespmem:v26+s20+$0x0], $0xffff  }
0xd8: {  	v38 =	vor.u32 $0x3A, v1;
	v9 =	vld.idx.msk [tilespmem:v29+s18+$0x0], $0xffff;
	v39 =	vmul.f32 v28, v14;
	v3 =	vadd.f32 v35, v3  }
0xd9: {  	v41 =	vor.u32 $0x3B, v2;
	v40 =	vld.idx.msk [tilespmem:v30+s20+$0x0], $0xffff  }
0xda: {  	v42 =	vor.u32 $0x3B, v1;
	v11 =	vld.idx.msk [tilespmem:v33+s18+$0x0], $0xffff;
	v43 =	vmul.f32 v32, v10;
	v3 =	vadd.f32 v39, v3  }
0xdb: {  	v45 =	vor.u32 $0x3C, v2;
	v44 =	vld.idx.msk [tilespmem:v34+s20+$0x0], $0xffff  }
0xdc: {  	v46 =	vor.u32 $0x3C, v1;
	v12 =	vld.idx.msk [tilespmem:v37+s18+$0x0], $0xffff;
	v47 =	vmul.f32 v36, v6;
	v3 =	vadd.f32 v43, v3  }
0xdd: {  	v50 =	vor.u32 $0x3D, v1;
	v48 =	vld.idx.msk [tilespmem:v38+s20+$0x0], $0xffff  }
0xde: {  	v49 =	vor.u32 $0x3D, v2;
	v14 =	vld.idx.msk [tilespmem:v41+s18+$0x0], $0xffff;
	v51 =	vmul.f32 v40, v9;
	v3 =	vadd.f32 v47, v3  }
0xdf: {  	v53 =	vor.u32 $0x3E, v2;
	v52 =	vld.idx.msk [tilespmem:v42+s20+$0x0], $0xffff  }
0xe0: {  	v54 =	vor.u32 $0x3E, v1;
	v10 =	vld.idx.msk [tilespmem:v45+s18+$0x0], $0xffff;
	v55 =	vmul.f32 v44, v11;
	v3 =	vadd.f32 v51, v3  }
0xe1: {  	v1 =	vor.u32 $0x3F, v1;
	v56 =	vld.idx.msk [tilespmem:v46+s20+$0x0], $0xffff  }
0xe2: {  	v58 =	vld.idx.msk [tilespmem:v50+s20+$0x0], $0xffff;
	v2 =	vor.u32 $0x3F, v2;
	v57 =	vmul.f32 v48, v12;
	v3 =	vadd.f32 v55, v3  }
0xe3: {  	v6 =	vld.idx.msk [tilespmem:v49+s18+$0x0], $0xffff  }
0xe4: {  	v9 =	vld.idx.msk [tilespmem:v53+s18+$0x0], $0xffff;
	v59 =	vmul.f32 v52, v14;
	v3 =	vadd.f32 v57, v3  }
0xe5: {  	v60 =	vld.idx.msk [tilespmem:v54+s20+$0x0], $0xffff  }
0xe6: {  	v1 =	vld.idx.msk [tilespmem:v1+s20+$0x0], $0xffff;
	v61 =	vmul.f32 v56, v10;
	v3 =	vadd.f32 v59, v3  }
0xe7: {  	v2 =	vld.idx.msk [tilespmem:v2+s18+$0x0], $0xffff  }
0xe8: {  	v62 =	vmul.f32 v58, v6;
	v3 =	vadd.f32 v61, v3;
	_ =	sdelay $0x1  }
0xe9: {  	v63 =	vmul.f32 v60, v9;
	v3 =	vadd.f32 v62, v3;
	_ =	sdelay $0x1  }
0xea: {  	v1 =	vmul.f32 v1, v2;
	v3 =	vadd.f32 v63, v3;
	_ =	sdelay $0x1  }
0xeb: {  	v1 =	vadd.f32 v1, v3  }
0xec: {  	s29 =	simm.s32 $0x10C00  }
0xed: {  	s30 =	simm.s32 $0x10;
	[tilespmem:s29+$0x0] =	vst v1  }
0xee: {  	s31 =	simm.s32 $0x210;
	v1 =	vld [tilespmem:s30+$0x0]  }
0xef: {  	s0 =	simm.s32 $0x20;
	s3 =	simm.s32 $0x10;
	v2 =	vld [tilespmem:s31+$0x0]  }
.LBB2_10:
0xf0: {  	p0 =	sne.s32 s0, $0xF0;
	_ =	sdelay $0x1  }
0xf1: {  	v3 =	vmov s30;
	s30 =	smov.u32 s0  }
0xf2: {  	v3 =	vshll.u32 v3, $0x7;
	v1 =	vshrl.u32 v1, $0x7  }
0xf3: {  	v3 =	vor.u32 v0, v3;
	v1 =	vand.u32 $0x40, v1;
	v2 =	vshrl.u32 v2, $0x7  }
0xf4: {  	v4 =	vand.u32 $0x40, v2;
	v2 =	vor.u32 v3, v1  }
0xf5: {  	v1 =	vor.u32 v3, v4  }
0xf6: {  	s28 =	sadd.s32 $0x10, s28;
	v3 =	vor.u32 $0x1, v2  }
0xf7: {  	s26 =	sadd.s32 $0x10, s26;
	v5 =	vor.u32 $0x1, v1;
	v4 =	vld [tilespmem:s28+$0x0]  }
0xf8: {  	v7 =	vor.u32 $0x2, v2;
	v6 =	vld [tilespmem:s26+$0x0]  }
0xf9: {  	v9 =	vor.u32 $0x2, v1;
	v8 =	vld.idx.msk [tilespmem:v2+s18+$0x0], $0xffff  }
0xfa: {  	v11 =	vor.u32 $0x3, v2;
	v10 =	vld.idx.msk [tilespmem:v1+s20+$0x0], $0xffff  }
0xfb: {  	v12 =	vor.u32 $0x3, v1;
	v3 =	vld.idx.msk [tilespmem:v3+s18+$0x0], $0xffff  }
0xfc: {  	v13 =	vor.u32 $0x4, v2;
	v5 =	vld.idx.msk [tilespmem:v5+s20+$0x0], $0xffff  }
0xfd: {  	v14 =	vor.u32 $0x4, v1;
	v7 =	vld.idx.msk [tilespmem:v7+s18+$0x0], $0xffff  }
0xfe: {  	v15 =	vor.u32 $0x5, v2;
	v9 =	vld.idx.msk [tilespmem:v9+s20+$0x0], $0xffff  }
0xff: {  	v16 =	vor.u32 $0x5, v1;
	v11 =	vld.idx.msk [tilespmem:v11+s18+$0x0], $0xffff  }
0x100: {  	v4 =	vadd.f32 v6, v4;
	v6 =	vmul.f32 v10, v8;
	v10 =	vor.u32 $0x6, v2;
	v8 =	vld.idx.msk [tilespmem:v12+s20+$0x0], $0xffff  }
0x101: {  	v12 =	vld.idx.msk [tilespmem:v13+s18+$0x0], $0xffff;
	v13 =	vor.u32 $0x6, v1  }
0x102: {  	v4 =	vadd.f32 v6, v4;
	v3 =	vmul.f32 v5, v3;
	v6 =	vor.u32 $0x7, v2;
	v5 =	vld.idx.msk [tilespmem:v14+s20+$0x0], $0xffff  }
0x103: {  	v14 =	vld.idx.msk [tilespmem:v15+s18+$0x0], $0xffff;
	v15 =	vor.u32 $0x7, v1  }
0x104: {  	v3 =	vadd.f32 v3, v4;
	v4 =	vmul.f32 v9, v7;
	v9 =	vor.u32 $0x8, v2;
	v7 =	vld.idx.msk [tilespmem:v16+s20+$0x0], $0xffff  }
0x105: {  	v16 =	vor.u32 $0x8, v1;
	v10 =	vld.idx.msk [tilespmem:v10+s18+$0x0], $0xffff  }
0x106: {  	v3 =	vadd.f32 v4, v3;
	v4 =	vmul.f32 v8, v11;
	v11 =	vor.u32 $0x9, v2;
	v8 =	vld.idx.msk [tilespmem:v13+s20+$0x0], $0xffff  }
0x107: {  	v13 =	vor.u32 $0x9, v1;
	v6 =	vld.idx.msk [tilespmem:v6+s18+$0x0], $0xffff  }
0x108: {  	v3 =	vadd.f32 v4, v3;
	v4 =	vmul.f32 v5, v12;
	v12 =	vor.u32 $0xA, v2;
	v5 =	vld.idx.msk [tilespmem:v15+s20+$0x0], $0xffff  }
0x109: {  	v15 =	vor.u32 $0xA, v1;
	v9 =	vld.idx.msk [tilespmem:v9+s18+$0x0], $0xffff  }
0x10a: {  	v3 =	vadd.f32 v4, v3;
	v4 =	vmul.f32 v7, v14;
	v14 =	vor.u32 $0xB, v2;
	v7 =	vld.idx.msk [tilespmem:v16+s20+$0x0], $0xffff  }
0x10b: {  	v16 =	vor.u32 $0xB, v1;
	v11 =	vld.idx.msk [tilespmem:v11+s18+$0x0], $0xffff  }
0x10c: {  	v3 =	vadd.f32 v4, v3;
	v4 =	vmul.f32 v8, v10;
	v10 =	vor.u32 $0xC, v2;
	v8 =	vld.idx.msk [tilespmem:v13+s20+$0x0], $0xffff  }
0x10d: {  	v13 =	vor.u32 $0xC, v1;
	v12 =	vld.idx.msk [tilespmem:v12+s18+$0x0], $0xffff  }
0x10e: {  	v3 =	vadd.f32 v4, v3;
	v4 =	vmul.f32 v5, v6;
	v6 =	vor.u32 $0xD, v2;
	v5 =	vld.idx.msk [tilespmem:v15+s20+$0x0], $0xffff  }
0x10f: {  	v15 =	vor.u32 $0xD, v1;
	v14 =	vld.idx.msk [tilespmem:v14+s18+$0x0], $0xffff  }
0x110: {  	v3 =	vadd.f32 v4, v3;
	v4 =	vmul.f32 v7, v9;
	v9 =	vor.u32 $0xE, v2;
	v7 =	vld.idx.msk [tilespmem:v16+s20+$0x0], $0xffff  }
0x111: {  	v16 =	vor.u32 $0xE, v1;
	v10 =	vld.idx.msk [tilespmem:v10+s18+$0x0], $0xffff  }
0x112: {  	v3 =	vadd.f32 v4, v3;
	v4 =	vmul.f32 v8, v11;
	v11 =	vor.u32 $0xF, v2;
	v8 =	vld.idx.msk [tilespmem:v13+s20+$0x0], $0xffff  }
0x113: {  	v13 =	vor.u32 $0xF, v1;
	v6 =	vld.idx.msk [tilespmem:v6+s18+$0x0], $0xffff  }
0x114: {  	v3 =	vadd.f32 v4, v3;
	v4 =	vmul.f32 v5, v12;
	v12 =	vor.u32 $0x10, v2;
	v5 =	vld.idx.msk [tilespmem:v15+s20+$0x0], $0xffff  }
0x115: {  	v15 =	vor.u32 $0x10, v1;
	v9 =	vld.idx.msk [tilespmem:v9+s18+$0x0], $0xffff  }
0x116: {  	v3 =	vadd.f32 v4, v3;
	v4 =	vmul.f32 v7, v14;
	v14 =	vor.u32 $0x11, v2;
	v7 =	vld.idx.msk [tilespmem:v16+s20+$0x0], $0xffff  }
0x117: {  	v16 =	vor.u32 $0x11, v1;
	v11 =	vld.idx.msk [tilespmem:v11+s18+$0x0], $0xffff  }
0x118: {  	v3 =	vadd.f32 v4, v3;
	v4 =	vmul.f32 v8, v10;
	v10 =	vor.u32 $0x12, v2;
	v8 =	vld.idx.msk [tilespmem:v13+s20+$0x0], $0xffff  }
0x119: {  	v13 =	vor.u32 $0x12, v1;
	v12 =	vld.idx.msk [tilespmem:v12+s18+$0x0], $0xffff  }
0x11a: {  	v3 =	vadd.f32 v4, v3;
	v4 =	vmul.f32 v5, v6;
	v6 =	vor.u32 $0x13, v2;
	v5 =	vld.idx.msk [tilespmem:v15+s20+$0x0], $0xffff  }
0x11b: {  	v15 =	vor.u32 $0x13, v1;
	v14 =	vld.idx.msk [tilespmem:v14+s18+$0x0], $0xffff  }
0x11c: {  	v3 =	vadd.f32 v4, v3;
	v4 =	vmul.f32 v7, v9;
	v9 =	vor.u32 $0x14, v2;
	v7 =	vld.idx.msk [tilespmem:v16+s20+$0x0], $0xffff  }
0x11d: {  	v16 =	vor.u32 $0x14, v1;
	v10 =	vld.idx.msk [tilespmem:v10+s18+$0x0], $0xffff  }
0x11e: {  	v3 =	vadd.f32 v4, v3;
	v4 =	vmul.f32 v8, v11;
	v11 =	vor.u32 $0x15, v2;
	v8 =	vld.idx.msk [tilespmem:v13+s20+$0x0], $0xffff  }
0x11f: {  	v13 =	vor.u32 $0x15, v1;
	v6 =	vld.idx.msk [tilespmem:v6+s18+$0x0], $0xffff  }
0x120: {  	v3 =	vadd.f32 v4, v3;
	v4 =	vmul.f32 v5, v12;
	v12 =	vor.u32 $0x16, v2;
	v5 =	vld.idx.msk [tilespmem:v15+s20+$0x0], $0xffff  }
0x121: {  	v15 =	vor.u32 $0x16, v1;
	v9 =	vld.idx.msk [tilespmem:v9+s18+$0x0], $0xffff  }
0x122: {  	v3 =	vadd.f32 v4, v3;
	v4 =	vmul.f32 v7, v14;
	v14 =	vor.u32 $0x17, v2;
	v7 =	vld.idx.msk [tilespmem:v16+s20+$0x0], $0xffff  }
0x123: {  	v16 =	vor.u32 $0x17, v1;
	v11 =	vld.idx.msk [tilespmem:v11+s18+$0x0], $0xffff  }
0x124: {  	v3 =	vadd.f32 v4, v3;
	v4 =	vmul.f32 v8, v10;
	v10 =	vor.u32 $0x18, v2;
	v8 =	vld.idx.msk [tilespmem:v13+s20+$0x0], $0xffff  }
0x125: {  	v13 =	vor.u32 $0x18, v1;
	v12 =	vld.idx.msk [tilespmem:v12+s18+$0x0], $0xffff  }
0x126: {  	v3 =	vadd.f32 v4, v3;
	v4 =	vmul.f32 v5, v6;
	v6 =	vor.u32 $0x19, v2;
	v5 =	vld.idx.msk [tilespmem:v15+s20+$0x0], $0xffff  }
0x127: {  	v15 =	vor.u32 $0x19, v1;
	v14 =	vld.idx.msk [tilespmem:v14+s18+$0x0], $0xffff  }
0x128: {  	v3 =	vadd.f32 v4, v3;
	v4 =	vmul.f32 v7, v9;
	v9 =	vor.u32 $0x1A, v2;
	v7 =	vld.idx.msk [tilespmem:v16+s20+$0x0], $0xffff  }
0x129: {  	v16 =	vor.u32 $0x1A, v1;
	v10 =	vld.idx.msk [tilespmem:v10+s18+$0x0], $0xffff  }
0x12a: {  	v3 =	vadd.f32 v4, v3;
	v4 =	vmul.f32 v8, v11;
	v11 =	vor.u32 $0x1B, v2;
	v8 =	vld.idx.msk [tilespmem:v13+s20+$0x0], $0xffff  }
0x12b: {  	v13 =	vor.u32 $0x1B, v1;
	v6 =	vld.idx.msk [tilespmem:v6+s18+$0x0], $0xffff  }
0x12c: {  	v3 =	vadd.f32 v4, v3;
	v4 =	vmul.f32 v5, v12;
	v12 =	vor.u32 $0x1C, v2;
	v5 =	vld.idx.msk [tilespmem:v15+s20+$0x0], $0xffff  }
0x12d: {  	v15 =	vor.u32 $0x1C, v1;
	v9 =	vld.idx.msk [tilespmem:v9+s18+$0x0], $0xffff  }
0x12e: {  	v3 =	vadd.f32 v4, v3;
	v4 =	vmul.f32 v7, v14;
	v14 =	vor.u32 $0x1D, v2;
	v7 =	vld.idx.msk [tilespmem:v16+s20+$0x0], $0xffff  }
0x12f: {  	v16 =	vor.u32 $0x1D, v1;
	v11 =	vld.idx.msk [tilespmem:v11+s18+$0x0], $0xffff  }
0x130: {  	v3 =	vadd.f32 v4, v3;
	v4 =	vmul.f32 v8, v10;
	v10 =	vor.u32 $0x1E, v2;
	v8 =	vld.idx.msk [tilespmem:v13+s20+$0x0], $0xffff  }
0x131: {  	v13 =	vor.u32 $0x1E, v1;
	v12 =	vld.idx.msk [tilespmem:v12+s18+$0x0], $0xffff  }
0x132: {  	v3 =	vadd.f32 v4, v3;
	v4 =	vmul.f32 v5, v6;
	v6 =	vor.u32 $0x1F, v2;
	v5 =	vld.idx.msk [tilespmem:v15+s20+$0x0], $0xffff  }
0x133: {  	v15 =	vor.u32 $0x1F, v1;
	v14 =	vld.idx.msk [tilespmem:v14+s18+$0x0], $0xffff  }
0x134: {  	v3 =	vadd.f32 v4, v3;
	v4 =	vmul.f32 v7, v9;
	v9 =	vor.u32 $0x20, v2;
	v7 =	vld.idx.msk [tilespmem:v16+s20+$0x0], $0xffff  }
0x135: {  	v16 =	vor.u32 $0x20, v1;
	v10 =	vld.idx.msk [tilespmem:v10+s18+$0x0], $0xffff  }
0x136: {  	v3 =	vadd.f32 v4, v3;
	v4 =	vmul.f32 v8, v11;
	v11 =	vor.u32 $0x21, v2;
	v8 =	vld.idx.msk [tilespmem:v13+s20+$0x0], $0xffff  }
0x137: {  	v13 =	vor.u32 $0x21, v1;
	v6 =	vld.idx.msk [tilespmem:v6+s18+$0x0], $0xffff  }
0x138: {  	v3 =	vadd.f32 v4, v3;
	v4 =	vmul.f32 v5, v12;
	v12 =	vor.u32 $0x22, v2;
	v5 =	vld.idx.msk [tilespmem:v15+s20+$0x0], $0xffff  }
0x139: {  	v15 =	vor.u32 $0x22, v1;
	v9 =	vld.idx.msk [tilespmem:v9+s18+$0x0], $0xffff  }
0x13a: {  	v3 =	vadd.f32 v4, v3;
	v4 =	vmul.f32 v7, v14;
	v14 =	vor.u32 $0x23, v2;
	v7 =	vld.idx.msk [tilespmem:v16+s20+$0x0], $0xffff  }
0x13b: {  	v16 =	vor.u32 $0x23, v1;
	v11 =	vld.idx.msk [tilespmem:v11+s18+$0x0], $0xffff  }
0x13c: {  	v3 =	vadd.f32 v4, v3;
	v4 =	vmul.f32 v8, v10;
	v10 =	vor.u32 $0x24, v2;
	v8 =	vld.idx.msk [tilespmem:v13+s20+$0x0], $0xffff  }
0x13d: {  	v13 =	vor.u32 $0x24, v1;
	v12 =	vld.idx.msk [tilespmem:v12+s18+$0x0], $0xffff  }
0x13e: {  	v3 =	vadd.f32 v4, v3;
	v4 =	vmul.f32 v5, v6;
	v6 =	vor.u32 $0x25, v2;
	v5 =	vld.idx.msk [tilespmem:v15+s20+$0x0], $0xffff  }
0x13f: {  	v15 =	vor.u32 $0x25, v1;
	v14 =	vld.idx.msk [tilespmem:v14+s18+$0x0], $0xffff  }
0x140: {  	v3 =	vadd.f32 v4, v3;
	v4 =	vmul.f32 v7, v9;
	v9 =	vor.u32 $0x26, v2;
	v7 =	vld.idx.msk [tilespmem:v16+s20+$0x0], $0xffff  }
0x141: {  	v16 =	vor.u32 $0x26, v1;
	v10 =	vld.idx.msk [tilespmem:v10+s18+$0x0], $0xffff  }
0x142: {  	v3 =	vadd.f32 v4, v3;
	v4 =	vmul.f32 v8, v11;
	v11 =	vor.u32 $0x27, v2;
	v8 =	vld.idx.msk [tilespmem:v13+s20+$0x0], $0xffff  }
0x143: {  	v13 =	vor.u32 $0x27, v1;
	v6 =	vld.idx.msk [tilespmem:v6+s18+$0x0], $0xffff  }
0x144: {  	v3 =	vadd.f32 v4, v3;
	v4 =	vmul.f32 v5, v12;
	v12 =	vor.u32 $0x28, v2;
	v5 =	vld.idx.msk [tilespmem:v15+s20+$0x0], $0xffff  }
0x145: {  	v15 =	vor.u32 $0x28, v1;
	v9 =	vld.idx.msk [tilespmem:v9+s18+$0x0], $0xffff  }
0x146: {  	v3 =	vadd.f32 v4, v3;
	v4 =	vmul.f32 v7, v14;
	v14 =	vor.u32 $0x29, v2;
	v7 =	vld.idx.msk [tilespmem:v16+s20+$0x0], $0xffff  }
0x147: {  	v16 =	vor.u32 $0x29, v1;
	v11 =	vld.idx.msk [tilespmem:v11+s18+$0x0], $0xffff  }
0x148: {  	v3 =	vadd.f32 v4, v3;
	v4 =	vmul.f32 v8, v10;
	v10 =	vor.u32 $0x2A, v2;
	v8 =	vld.idx.msk [tilespmem:v13+s20+$0x0], $0xffff  }
0x149: {  	v13 =	vor.u32 $0x2A, v1;
	v12 =	vld.idx.msk [tilespmem:v12+s18+$0x0], $0xffff  }
0x14a: {  	v3 =	vadd.f32 v4, v3;
	v4 =	vmul.f32 v5, v6;
	v6 =	vor.u32 $0x2B, v2;
	v5 =	vld.idx.msk [tilespmem:v15+s20+$0x0], $0xffff  }
0x14b: {  	v15 =	vor.u32 $0x2B, v1;
	v14 =	vld.idx.msk [tilespmem:v14+s18+$0x0], $0xffff  }
0x14c: {  	v3 =	vadd.f32 v4, v3;
	v4 =	vmul.f32 v7, v9;
	v9 =	vor.u32 $0x2C, v2;
	v7 =	vld.idx.msk [tilespmem:v16+s20+$0x0], $0xffff  }
0x14d: {  	v16 =	vor.u32 $0x2C, v1;
	v10 =	vld.idx.msk [tilespmem:v10+s18+$0x0], $0xffff  }
0x14e: {  	v3 =	vadd.f32 v4, v3;
	v4 =	vmul.f32 v8, v11;
	v11 =	vor.u32 $0x2D, v2;
	v8 =	vld.idx.msk [tilespmem:v13+s20+$0x0], $0xffff  }
0x14f: {  	v13 =	vor.u32 $0x2D, v1;
	v6 =	vld.idx.msk [tilespmem:v6+s18+$0x0], $0xffff  }
0x150: {  	v3 =	vadd.f32 v4, v3;
	v4 =	vmul.f32 v5, v12;
	v12 =	vor.u32 $0x2E, v2;
	v5 =	vld.idx.msk [tilespmem:v15+s20+$0x0], $0xffff  }
0x151: {  	v15 =	vor.u32 $0x2E, v1;
	v9 =	vld.idx.msk [tilespmem:v9+s18+$0x0], $0xffff  }
0x152: {  	v3 =	vadd.f32 v4, v3;
	v4 =	vmul.f32 v7, v14;
	v14 =	vor.u32 $0x2F, v2;
	v7 =	vld.idx.msk [tilespmem:v16+s20+$0x0], $0xffff  }
0x153: {  	v16 =	vor.u32 $0x2F, v1;
	v11 =	vld.idx.msk [tilespmem:v11+s18+$0x0], $0xffff  }
0x154: {  	v3 =	vadd.f32 v4, v3;
	v4 =	vmul.f32 v8, v10;
	v10 =	vor.u32 $0x30, v2;
	v8 =	vld.idx.msk [tilespmem:v13+s20+$0x0], $0xffff  }
0x155: {  	v13 =	vor.u32 $0x30, v1;
	v12 =	vld.idx.msk [tilespmem:v12+s18+$0x0], $0xffff  }
0x156: {  	v3 =	vadd.f32 v4, v3;
	v4 =	vmul.f32 v5, v6;
	v6 =	vor.u32 $0x31, v2;
	v5 =	vld.idx.msk [tilespmem:v15+s20+$0x0], $0xffff  }
0x157: {  	v15 =	vor.u32 $0x31, v1;
	v14 =	vld.idx.msk [tilespmem:v14+s18+$0x0], $0xffff  }
0x158: {  	v3 =	vadd.f32 v4, v3;
	v4 =	vmul.f32 v7, v9;
	v9 =	vor.u32 $0x32, v2;
	v7 =	vld.idx.msk [tilespmem:v16+s20+$0x0], $0xffff  }
0x159: {  	v16 =	vor.u32 $0x32, v1;
	v10 =	vld.idx.msk [tilespmem:v10+s18+$0x0], $0xffff  }
0x15a: {  	v3 =	vadd.f32 v4, v3;
	v4 =	vmul.f32 v8, v11;
	v11 =	vor.u32 $0x33, v2;
	v8 =	vld.idx.msk [tilespmem:v13+s20+$0x0], $0xffff  }
0x15b: {  	v13 =	vor.u32 $0x33, v1;
	v6 =	vld.idx.msk [tilespmem:v6+s18+$0x0], $0xffff  }
0x15c: {  	v3 =	vadd.f32 v4, v3;
	v4 =	vmul.f32 v5, v12;
	v12 =	vor.u32 $0x34, v2;
	v5 =	vld.idx.msk [tilespmem:v15+s20+$0x0], $0xffff  }
0x15d: {  	v15 =	vor.u32 $0x34, v1;
	v9 =	vld.idx.msk [tilespmem:v9+s18+$0x0], $0xffff  }
0x15e: {  	v3 =	vadd.f32 v4, v3;
	v4 =	vmul.f32 v7, v14;
	v14 =	vor.u32 $0x35, v2;
	v7 =	vld.idx.msk [tilespmem:v16+s20+$0x0], $0xffff  }
0x15f: {  	v16 =	vor.u32 $0x35, v1;
	v11 =	vld.idx.msk [tilespmem:v11+s18+$0x0], $0xffff  }
0x160: {  	v3 =	vadd.f32 v4, v3;
	v4 =	vmul.f32 v8, v10;
	v10 =	vor.u32 $0x36, v2;
	v8 =	vld.idx.msk [tilespmem:v13+s20+$0x0], $0xffff  }
0x161: {  	v13 =	vor.u32 $0x36, v1;
	v12 =	vld.idx.msk [tilespmem:v12+s18+$0x0], $0xffff  }
0x162: {  	v3 =	vadd.f32 v4, v3;
	v4 =	vmul.f32 v5, v6;
	v6 =	vor.u32 $0x37, v2;
	v5 =	vld.idx.msk [tilespmem:v15+s20+$0x0], $0xffff  }
0x163: {  	v15 =	vor.u32 $0x37, v1;
	v14 =	vld.idx.msk [tilespmem:v14+s18+$0x0], $0xffff  }
0x164: {  	v3 =	vadd.f32 v4, v3;
	v4 =	vmul.f32 v7, v9;
	v9 =	vor.u32 $0x38, v2;
	v7 =	vld.idx.msk [tilespmem:v16+s20+$0x0], $0xffff  }
0x165: {  	v16 =	vor.u32 $0x38, v1;
	v10 =	vld.idx.msk [tilespmem:v10+s18+$0x0], $0xffff  }
0x166: {  	v3 =	vadd.f32 v4, v3;
	v4 =	vmul.f32 v8, v11;
	v11 =	vor.u32 $0x39, v2;
	v8 =	vld.idx.msk [tilespmem:v13+s20+$0x0], $0xffff  }
0x167: {  	v13 =	vor.u32 $0x39, v1;
	v6 =	vld.idx.msk [tilespmem:v6+s18+$0x0], $0xffff  }
0x168: {  	v3 =	vadd.f32 v4, v3;
	v4 =	vmul.f32 v5, v12;
	v12 =	vor.u32 $0x3A, v2;
	v5 =	vld.idx.msk [tilespmem:v15+s20+$0x0], $0xffff  }
0x169: {  	v15 =	vor.u32 $0x3A, v1;
	v9 =	vld.idx.msk [tilespmem:v9+s18+$0x0], $0xffff  }
0x16a: {  	v3 =	vadd.f32 v4, v3;
	v4 =	vmul.f32 v7, v14;
	v14 =	vor.u32 $0x3B, v2;
	v7 =	vld.idx.msk [tilespmem:v16+s20+$0x0], $0xffff  }
0x16b: {  	v16 =	vor.u32 $0x3B, v1;
	v11 =	vld.idx.msk [tilespmem:v11+s18+$0x0], $0xffff  }
0x16c: {  	v3 =	vadd.f32 v4, v3;
	v4 =	vmul.f32 v8, v10;
	v10 =	vor.u32 $0x3C, v2;
	v8 =	vld.idx.msk [tilespmem:v13+s20+$0x0], $0xffff  }
0x16d: {  	v13 =	vor.u32 $0x3C, v1;
	v12 =	vld.idx.msk [tilespmem:v12+s18+$0x0], $0xffff  }
0x16e: {  	v3 =	vadd.f32 v4, v3;
	v4 =	vmul.f32 v5, v6;
	v6 =	vor.u32 $0x3D, v2;
	v5 =	vld.idx.msk [tilespmem:v15+s20+$0x0], $0xffff  }
0x16f: {  	v15 =	vor.u32 $0x3D, v1;
	v14 =	vld.idx.msk [tilespmem:v14+s18+$0x0], $0xffff  }
0x170: {  	v3 =	vadd.f32 v4, v3;
	v4 =	vmul.f32 v7, v9;
	v9 =	vor.u32 $0x3E, v2;
	v7 =	vld.idx.msk [tilespmem:v16+s20+$0x0], $0xffff  }
0x171: {  	v16 =	vor.u32 $0x3E, v1;
	v10 =	vld.idx.msk [tilespmem:v10+s18+$0x0], $0xffff  }
0x172: {  	v2 =	vor.u32 $0x3F, v2;
	v3 =	vadd.f32 v4, v3;
	v4 =	vmul.f32 v8, v11;
	v8 =	vld.idx.msk [tilespmem:v13+s20+$0x0], $0xffff  }
0x173: {  	v1 =	vor.u32 $0x3F, v1;
	v6 =	vld.idx.msk [tilespmem:v6+s18+$0x0], $0xffff  }
0x174: {  	v3 =	vadd.f32 v4, v3;
	v4 =	vmul.f32 v5, v12;
	v5 =	vld.idx.msk [tilespmem:v15+s20+$0x0], $0xffff  }
0x175: {  	v9 =	vld.idx.msk [tilespmem:v9+s18+$0x0], $0xffff  }
0x176: {  	v3 =	vadd.f32 v4, v3;
	v4 =	vmul.f32 v7, v14;
	v7 =	vld.idx.msk [tilespmem:v16+s20+$0x0], $0xffff  }
0x177: {  	v2 =	vld.idx.msk [tilespmem:v2+s18+$0x0], $0xffff  }
0x178: {  	v3 =	vadd.f32 v4, v3;
	v4 =	vmul.f32 v8, v10;
	v1 =	vld.idx.msk [tilespmem:v1+s20+$0x0], $0xffff;
	_ =	sdelay $0x1  }
0x179: {  	v3 =	vadd.f32 v4, v3;
	v4 =	vmul.f32 v5, v6;
	_ =	sdelay $0x1  }
0x17a: {  	v3 =	vadd.f32 v4, v3;
	v4 =	vmul.f32 v7, v9;
	_ =	sdelay $0x1  }
0x17b: {  	v3 =	vadd.f32 v4, v3;
	v1 =	vmul.f32 v1, v2;
	_ =	sdelay $0x1  }
.Ltmp4:
0x17c: {  	v1 =	vadd.f32 v1, v3;
	(pc) =	sbr.rel @p0 .LBB2_10-.Ltmp4, $4  }
0x17d: {  	s29 =	sadd.s32 $0x10, s29  }
0x17e: {  	s3 =	sadd.s32 $0x10, s3;
	[tilespmem:s29+$0x0] =	vst v1  }
0x17f: {  	s31 =	sadd.s32 $0x10, s31;
	v1 =	vld [tilespmem:s3+$0x0]  }
0x180: {  	s0 =	sadd.s32 $0x10, s0;
	v2 =	vld [tilespmem:s31+$0x0]  }
0x181: {  	_ =	sdelay $0x1  }
0x182: {  	v3 =	vmov s30  }
0x183: {  	v3 =	vshll.u32 v3, $0x7;
	v1 =	vshrl.u32 v1, $0x7  }
0x184: {  	v3 =	vor.u32 v0, v3;
	v1 =	vand.u32 $0x40, v1;
	v2 =	vshrl.u32 v2, $0x7  }
0x185: {  	v4 =	vand.u32 $0x40, v2;
	v2 =	vor.u32 v3, v1  }
0x186: {  	v1 =	vor.u32 v3, v4  }
0x187: {  	s0 =	sadd.s32 $0x10, s28;
	v3 =	vor.u32 $0x1, v2  }
0x188: {  	s26 =	sadd.s32 $0x10, s26;
	v58 =	vld [tilespmem:s0+$0x0];
	v5 =	vor.u32 $0x1, v1  }
0x189: {  	v6 =	vld [tilespmem:s26+$0x0];
	v7 =	vor.u32 $0x2, v2  }
0x18a: {  	v9 =	vor.u32 $0x2, v1;
	v8 =	vld.idx.msk [tilespmem:v2+s18+$0x0], $0xffff  }
0x18b: {  	v11 =	vor.u32 $0x3, v2;
	v10 =	vld.idx.msk [tilespmem:v1+s20+$0x0], $0xffff  }
0x18c: {  	v12 =	vor.u32 $0x3, v1;
	v3 =	vld.idx.msk [tilespmem:v3+s18+$0x0], $0xffff  }
0x18d: {  	v13 =	vor.u32 $0x4, v2;
	v5 =	vld.idx.msk [tilespmem:v5+s20+$0x0], $0xffff  }
0x18e: {  	v14 =	vor.u32 $0x4, v1;
	v7 =	vld.idx.msk [tilespmem:v7+s18+$0x0], $0xffff  }
0x18f: {  	v15 =	vor.u32 $0x5, v2;
	v9 =	vld.idx.msk [tilespmem:v9+s20+$0x0], $0xffff  }
0x190: {  	v4 =	vadd.f32 v6, v58;
	v16 =	vor.u32 $0x5, v1;
	v11 =	vld.idx.msk [tilespmem:v11+s18+$0x0], $0xffff;
	v59 =	vmul.f32 v10, v8  }
0x191: {  	v63 =	vor.u32 $0x6, v1;
	v60 =	vld.idx.msk [tilespmem:v12+s20+$0x0], $0xffff  }
0x192: {  	v61 =	vor.u32 $0x6, v2;
	v62 =	vld.idx.msk [tilespmem:v13+s18+$0x0], $0xffff;
	v3 =	vmul.f32 v5, v3;
	v4 =	vadd.f32 v59, v4  }
0x193: {  	v21 =	vor.u32 $0x7, v2;
	v20 =	vld.idx.msk [tilespmem:v14+s20+$0x0], $0xffff  }
0x194: {  	v23 =	vor.u32 $0x7, v1;
	v22 =	vld.idx.msk [tilespmem:v15+s18+$0x0], $0xffff;
	v24 =	vmul.f32 v9, v7;
	v3 =	vadd.f32 v3, v4  }
0x195: {  	v27 =	vor.u32 $0x8, v1;
	v25 =	vld.idx.msk [tilespmem:v16+s20+$0x0], $0xffff  }
0x196: {  	v26 =	vor.u32 $0x8, v2;
	v29 =	vld.idx.msk [tilespmem:v63+s20+$0x0], $0xffff;
	v28 =	vmul.f32 v60, v11;
	v3 =	vadd.f32 v24, v3  }
0x197: {  	v31 =	vor.u32 $0x9, v1;
	v10 =	vld.idx.msk [tilespmem:v61+s18+$0x0], $0xffff  }
0x198: {  	v30 =	vor.u32 $0x9, v2;
	v6 =	vld.idx.msk [tilespmem:v21+s18+$0x0], $0xffff;
	v32 =	vmul.f32 v20, v62;
	v3 =	vadd.f32 v28, v3  }
0x199: {  	v34 =	vor.u32 $0xA, v2;
	v33 =	vld.idx.msk [tilespmem:v23+s20+$0x0], $0xffff  }
0x19a: {  	v35 =	vor.u32 $0xA, v1;
	v37 =	vld.idx.msk [tilespmem:v27+s20+$0x0], $0xffff;
	v36 =	vmul.f32 v25, v22;
	v3 =	vadd.f32 v32, v3  }
0x19b: {  	v38 =	vor.u32 $0xB, v2;
	v9 =	vld.idx.msk [tilespmem:v26+s18+$0x0], $0xffff  }
0x19c: {  	v39 =	vor.u32 $0xB, v1;
	v41 =	vld.idx.msk [tilespmem:v31+s20+$0x0], $0xffff;
	v40 =	vmul.f32 v29, v10;
	v3 =	vadd.f32 v36, v3  }
0x19d: {  	v43 =	vor.u32 $0xC, v1;
	v11 =	vld.idx.msk [tilespmem:v30+s18+$0x0], $0xffff  }
0x19e: {  	v42 =	vor.u32 $0xC, v2;
	v12 =	vld.idx.msk [tilespmem:v34+s18+$0x0], $0xffff;
	v44 =	vmul.f32 v33, v6;
	v3 =	vadd.f32 v40, v3  }
0x19f: {  	v47 =	vor.u32 $0xD, v1;
	v45 =	vld.idx.msk [tilespmem:v35+s20+$0x0], $0xffff  }
0x1a0: {  	v46 =	vor.u32 $0xD, v2;
	v14 =	vld.idx.msk [tilespmem:v38+s18+$0x0], $0xffff;
	v48 =	vmul.f32 v37, v9;
	v3 =	vadd.f32 v44, v3  }
0x1a1: {  	v51 =	vor.u32 $0xE, v1;
	v49 =	vld.idx.msk [tilespmem:v39+s20+$0x0], $0xffff  }
0x1a2: {  	v50 =	vor.u32 $0xE, v2;
	v53 =	vld.idx.msk [tilespmem:v43+s20+$0x0], $0xffff;
	v52 =	vmul.f32 v41, v11;
	v3 =	vadd.f32 v48, v3  }
0x1a3: {  	v55 =	vor.u32 $0xF, v1;
	v10 =	vld.idx.msk [tilespmem:v42+s18+$0x0], $0xffff  }
0x1a4: {  	v54 =	vor.u32 $0xF, v2;
	v57 =	vld.idx.msk [tilespmem:v47+s20+$0x0], $0xffff;
	v56 =	vmul.f32 v45, v12;
	v3 =	vadd.f32 v52, v3  }
0x1a5: {  	v58 =	vor.u32 $0x10, v2;
	v6 =	vld.idx.msk [tilespmem:v46+s18+$0x0], $0xffff  }
0x1a6: {  	v61 =	vld.idx.msk [tilespmem:v51+s20+$0x0], $0xffff;
	v60 =	vmul.f32 v49, v14;
	v59 =	vor.u32 $0x10, v1;
	v3 =	vadd.f32 v56, v3  }
0x1a7: {  	v63 =	vor.u32 $0x11, v1;
	v9 =	vld.idx.msk [tilespmem:v50+s18+$0x0], $0xffff  }
0x1a8: {  	v21 =	vld.idx.msk [tilespmem:v55+s20+$0x0], $0xffff;
	v62 =	vor.u32 $0x11, v2;
	v20 =	vmul.f32 v53, v10;
	v3 =	vadd.f32 v60, v3  }
0x1a9: {  	v23 =	vor.u32 $0x12, v1;
	v11 =	vld.idx.msk [tilespmem:v54+s18+$0x0], $0xffff  }
0x1aa: {  	v22 =	vor.u32 $0x12, v2;
	v12 =	vld.idx.msk [tilespmem:v58+s18+$0x0], $0xffff;
	v24 =	vmul.f32 v57, v6;
	v3 =	vadd.f32 v20, v3  }
0x1ab: {  	v26 =	vor.u32 $0x13, v2;
	v25 =	vld.idx.msk [tilespmem:v59+s20+$0x0], $0xffff  }
0x1ac: {  	v27 =	vor.u32 $0x13, v1;
	v29 =	vld.idx.msk [tilespmem:v63+s20+$0x0], $0xffff;
	v28 =	vmul.f32 v61, v9;
	v3 =	vadd.f32 v24, v3  }
0x1ad: {  	v31 =	vor.u32 $0x14, v1;
	v14 =	vld.idx.msk [tilespmem:v62+s18+$0x0], $0xffff  }
0x1ae: {  	v30 =	vor.u32 $0x14, v2;
	v33 =	vld.idx.msk [tilespmem:v23+s20+$0x0], $0xffff;
	v32 =	vmul.f32 v21, v11;
	v3 =	vadd.f32 v28, v3  }
0x1af: {  	v35 =	vor.u32 $0x15, v1;
	v10 =	vld.idx.msk [tilespmem:v22+s18+$0x0], $0xffff  }
0x1b0: {  	v34 =	vor.u32 $0x15, v2;
	v6 =	vld.idx.msk [tilespmem:v26+s18+$0x0], $0xffff;
	v36 =	vmul.f32 v25, v12;
	v3 =	vadd.f32 v32, v3  }
0x1b1: {  	v39 =	vor.u32 $0x16, v1;
	v37 =	vld.idx.msk [tilespmem:v27+s20+$0x0], $0xffff  }
0x1b2: {  	v38 =	vor.u32 $0x16, v2;
	v41 =	vld.idx.msk [tilespmem:v31+s20+$0x0], $0xffff;
	v40 =	vmul.f32 v29, v14;
	v3 =	vadd.f32 v36, v3  }
0x1b3: {  	v43 =	vor.u32 $0x17, v1;
	v9 =	vld.idx.msk [tilespmem:v30+s18+$0x0], $0xffff  }
0x1b4: {  	v45 =	vld.idx.msk [tilespmem:v35+s20+$0x0], $0xffff;
	v42 =	vor.u32 $0x17, v2;
	v44 =	vmul.f32 v33, v10;
	v3 =	vadd.f32 v40, v3  }
0x1b5: {  	v47 =	vor.u32 $0x18, v1;
	v11 =	vld.idx.msk [tilespmem:v34+s18+$0x0], $0xffff  }
0x1b6: {  	v46 =	vor.u32 $0x18, v2;
	v49 =	vld.idx.msk [tilespmem:v39+s20+$0x0], $0xffff;
	v48 =	vmul.f32 v37, v6;
	v3 =	vadd.f32 v44, v3  }
0x1b7: {  	v51 =	vor.u32 $0x19, v1;
	v12 =	vld.idx.msk [tilespmem:v38+s18+$0x0], $0xffff  }
0x1b8: {  	v50 =	vor.u32 $0x19, v2;
	v53 =	vld.idx.msk [tilespmem:v43+s20+$0x0], $0xffff;
	v52 =	vmul.f32 v41, v9;
	v3 =	vadd.f32 v48, v3  }
0x1b9: {  	v55 =	vor.u32 $0x1A, v1;
	v14 =	vld.idx.msk [tilespmem:v42+s18+$0x0], $0xffff  }
0x1ba: {  	v54 =	vor.u32 $0x1A, v2;
	v57 =	vld.idx.msk [tilespmem:v47+s20+$0x0], $0xffff;
	v56 =	vmul.f32 v45, v11;
	v3 =	vadd.f32 v52, v3  }
0x1bb: {  	v59 =	vor.u32 $0x1B, v1;
	v10 =	vld.idx.msk [tilespmem:v46+s18+$0x0], $0xffff  }
0x1bc: {  	v58 =	vor.u32 $0x1B, v2;
	v61 =	vld.idx.msk [tilespmem:v51+s20+$0x0], $0xffff;
	v60 =	vmul.f32 v49, v12;
	v3 =	vadd.f32 v56, v3  }
0x1bd: {  	v63 =	vor.u32 $0x1C, v1;
	v6 =	vld.idx.msk [tilespmem:v50+s18+$0x0], $0xffff  }
0x1be: {  	v62 =	vor.u32 $0x1C, v2;
	v21 =	vld.idx.msk [tilespmem:v55+s20+$0x0], $0xffff;
	v20 =	vmul.f32 v53, v14;
	v3 =	vadd.f32 v60, v3  }
0x1bf: {  	v23 =	vor.u32 $0x1D, v1;
	v9 =	vld.idx.msk [tilespmem:v54+s18+$0x0], $0xffff  }
0x1c0: {  	v22 =	vor.u32 $0x1D, v2;
	v25 =	vld.idx.msk [tilespmem:v59+s20+$0x0], $0xffff;
	v24 =	vmul.f32 v57, v10;
	v3 =	vadd.f32 v20, v3  }
0x1c1: {  	v27 =	vor.u32 $0x1E, v1;
	v11 =	vld.idx.msk [tilespmem:v58+s18+$0x0], $0xffff  }
0x1c2: {  	v26 =	vor.u32 $0x1E, v2;
	v29 =	vld.idx.msk [tilespmem:v63+s20+$0x0], $0xffff;
	v28 =	vmul.f32 v61, v6;
	v3 =	vadd.f32 v24, v3  }
0x1c3: {  	v31 =	vor.u32 $0x1F, v1;
	v12 =	vld.idx.msk [tilespmem:v62+s18+$0x0], $0xffff  }
0x1c4: {  	v30 =	vor.u32 $0x1F, v2;
	v33 =	vld.idx.msk [tilespmem:v23+s20+$0x0], $0xffff;
	v32 =	vmul.f32 v21, v9;
	v3 =	vadd.f32 v28, v3  }
0x1c5: {  	v35 =	vor.u32 $0x20, v1;
	v14 =	vld.idx.msk [tilespmem:v22+s18+$0x0], $0xffff  }
0x1c6: {  	v34 =	vor.u32 $0x20, v2;
	v37 =	vld.idx.msk [tilespmem:v27+s20+$0x0], $0xffff;
	v36 =	vmul.f32 v25, v11;
	v3 =	vadd.f32 v32, v3  }
0x1c7: {  	v39 =	vor.u32 $0x21, v1;
	v10 =	vld.idx.msk [tilespmem:v26+s18+$0x0], $0xffff  }
0x1c8: {  	v38 =	vor.u32 $0x21, v2;
	v41 =	vld.idx.msk [tilespmem:v31+s20+$0x0], $0xffff;
	v40 =	vmul.f32 v29, v12;
	v3 =	vadd.f32 v36, v3  }
0x1c9: {  	v43 =	vor.u32 $0x22, v1;
	v6 =	vld.idx.msk [tilespmem:v30+s18+$0x0], $0xffff  }
0x1ca: {  	v42 =	vor.u32 $0x22, v2;
	v45 =	vld.idx.msk [tilespmem:v35+s20+$0x0], $0xffff;
	v44 =	vmul.f32 v33, v14;
	v3 =	vadd.f32 v40, v3  }
0x1cb: {  	v47 =	vor.u32 $0x23, v1;
	v9 =	vld.idx.msk [tilespmem:v34+s18+$0x0], $0xffff  }
0x1cc: {  	v46 =	vor.u32 $0x23, v2;
	v49 =	vld.idx.msk [tilespmem:v39+s20+$0x0], $0xffff;
	v48 =	vmul.f32 v37, v10;
	v3 =	vadd.f32 v44, v3  }
0x1cd: {  	v51 =	vor.u32 $0x24, v1;
	v11 =	vld.idx.msk [tilespmem:v38+s18+$0x0], $0xffff  }
0x1ce: {  	v50 =	vor.u32 $0x24, v2;
	v53 =	vld.idx.msk [tilespmem:v43+s20+$0x0], $0xffff;
	v52 =	vmul.f32 v41, v6;
	v3 =	vadd.f32 v48, v3  }
0x1cf: {  	v55 =	vor.u32 $0x25, v1;
	v12 =	vld.idx.msk [tilespmem:v42+s18+$0x0], $0xffff  }
0x1d0: {  	v54 =	vor.u32 $0x25, v2;
	v57 =	vld.idx.msk [tilespmem:v47+s20+$0x0], $0xffff;
	v56 =	vmul.f32 v45, v9;
	v3 =	vadd.f32 v52, v3  }
0x1d1: {  	v59 =	vor.u32 $0x26, v1;
	v14 =	vld.idx.msk [tilespmem:v46+s18+$0x0], $0xffff  }
0x1d2: {  	v58 =	vor.u32 $0x26, v2;
	v61 =	vld.idx.msk [tilespmem:v51+s20+$0x0], $0xffff;
	v60 =	vmul.f32 v49, v11;
	v3 =	vadd.f32 v56, v3  }
0x1d3: {  	v63 =	vor.u32 $0x27, v1;
	v10 =	vld.idx.msk [tilespmem:v50+s18+$0x0], $0xffff  }
0x1d4: {  	v62 =	vor.u32 $0x27, v2;
	v21 =	vld.idx.msk [tilespmem:v55+s20+$0x0], $0xffff;
	v20 =	vmul.f32 v53, v12;
	v3 =	vadd.f32 v60, v3  }
0x1d5: {  	v23 =	vor.u32 $0x28, v1;
	v6 =	vld.idx.msk [tilespmem:v54+s18+$0x0], $0xffff  }
0x1d6: {  	v22 =	vor.u32 $0x28, v2;
	v25 =	vld.idx.msk [tilespmem:v59+s20+$0x0], $0xffff;
	v24 =	vmul.f32 v57, v14;
	v3 =	vadd.f32 v20, v3  }
0x1d7: {  	v27 =	vor.u32 $0x29, v1;
	v9 =	vld.idx.msk [tilespmem:v58+s18+$0x0], $0xffff  }
0x1d8: {  	v26 =	vor.u32 $0x29, v2;
	v29 =	vld.idx.msk [tilespmem:v63+s20+$0x0], $0xffff;
	v28 =	vmul.f32 v61, v10;
	v3 =	vadd.f32 v24, v3  }
0x1d9: {  	v31 =	vor.u32 $0x2A, v1;
	v11 =	vld.idx.msk [tilespmem:v62+s18+$0x0], $0xffff  }
0x1da: {  	v30 =	vor.u32 $0x2A, v2;
	v33 =	vld.idx.msk [tilespmem:v23+s20+$0x0], $0xffff;
	v32 =	vmul.f32 v21, v6;
	v3 =	vadd.f32 v28, v3  }
0x1db: {  	v35 =	vor.u32 $0x2B, v1;
	v12 =	vld.idx.msk [tilespmem:v22+s18+$0x0], $0xffff  }
0x1dc: {  	v34 =	vor.u32 $0x2B, v2;
	v37 =	vld.idx.msk [tilespmem:v27+s20+$0x0], $0xffff;
	v36 =	vmul.f32 v25, v9;
	v3 =	vadd.f32 v32, v3  }
0x1dd: {  	v39 =	vor.u32 $0x2C, v1;
	v14 =	vld.idx.msk [tilespmem:v26+s18+$0x0], $0xffff  }
0x1de: {  	v38 =	vor.u32 $0x2C, v2;
	v41 =	vld.idx.msk [tilespmem:v31+s20+$0x0], $0xffff;
	v40 =	vmul.f32 v29, v11;
	v3 =	vadd.f32 v36, v3  }
0x1df: {  	v43 =	vor.u32 $0x2D, v1;
	v10 =	vld.idx.msk [tilespmem:v30+s18+$0x0], $0xffff  }
0x1e0: {  	v42 =	vor.u32 $0x2D, v2;
	v45 =	vld.idx.msk [tilespmem:v35+s20+$0x0], $0xffff;
	v44 =	vmul.f32 v33, v12;
	v3 =	vadd.f32 v40, v3  }
0x1e1: {  	v47 =	vor.u32 $0x2E, v1;
	v6 =	vld.idx.msk [tilespmem:v34+s18+$0x0], $0xffff  }
0x1e2: {  	v46 =	vor.u32 $0x2E, v2;
	v49 =	vld.idx.msk [tilespmem:v39+s20+$0x0], $0xffff;
	v48 =	vmul.f32 v37, v14;
	v3 =	vadd.f32 v44, v3  }
0x1e3: {  	v51 =	vor.u32 $0x2F, v1;
	v9 =	vld.idx.msk [tilespmem:v38+s18+$0x0], $0xffff  }
0x1e4: {  	v50 =	vor.u32 $0x2F, v2;
	v53 =	vld.idx.msk [tilespmem:v43+s20+$0x0], $0xffff;
	v52 =	vmul.f32 v41, v10;
	v3 =	vadd.f32 v48, v3  }
0x1e5: {  	v55 =	vor.u32 $0x30, v1;
	v11 =	vld.idx.msk [tilespmem:v42+s18+$0x0], $0xffff  }
0x1e6: {  	v54 =	vor.u32 $0x30, v2;
	v57 =	vld.idx.msk [tilespmem:v47+s20+$0x0], $0xffff;
	v56 =	vmul.f32 v45, v6;
	v3 =	vadd.f32 v52, v3  }
0x1e7: {  	v59 =	vor.u32 $0x31, v1;
	v12 =	vld.idx.msk [tilespmem:v46+s18+$0x0], $0xffff  }
0x1e8: {  	v58 =	vor.u32 $0x31, v2;
	v61 =	vld.idx.msk [tilespmem:v51+s20+$0x0], $0xffff;
	v60 =	vmul.f32 v49, v9;
	v3 =	vadd.f32 v56, v3  }
0x1e9: {  	v63 =	vor.u32 $0x32, v1;
	v14 =	vld.idx.msk [tilespmem:v50+s18+$0x0], $0xffff  }
0x1ea: {  	v62 =	vor.u32 $0x32, v2;
	v21 =	vld.idx.msk [tilespmem:v55+s20+$0x0], $0xffff;
	v20 =	vmul.f32 v53, v11;
	v3 =	vadd.f32 v60, v3  }
0x1eb: {  	v23 =	vor.u32 $0x33, v1;
	v10 =	vld.idx.msk [tilespmem:v54+s18+$0x0], $0xffff  }
0x1ec: {  	v22 =	vor.u32 $0x33, v2;
	v25 =	vld.idx.msk [tilespmem:v59+s20+$0x0], $0xffff;
	v24 =	vmul.f32 v57, v12;
	v3 =	vadd.f32 v20, v3  }
0x1ed: {  	v27 =	vor.u32 $0x34, v1;
	v6 =	vld.idx.msk [tilespmem:v58+s18+$0x0], $0xffff  }
0x1ee: {  	v26 =	vor.u32 $0x34, v2;
	v29 =	vld.idx.msk [tilespmem:v63+s20+$0x0], $0xffff;
	v28 =	vmul.f32 v61, v14;
	v3 =	vadd.f32 v24, v3  }
0x1ef: {  	v31 =	vor.u32 $0x35, v1;
	v9 =	vld.idx.msk [tilespmem:v62+s18+$0x0], $0xffff  }
0x1f0: {  	v30 =	vor.u32 $0x35, v2;
	v33 =	vld.idx.msk [tilespmem:v23+s20+$0x0], $0xffff;
	v32 =	vmul.f32 v21, v10;
	v3 =	vadd.f32 v28, v3  }
0x1f1: {  	v35 =	vor.u32 $0x36, v1;
	v11 =	vld.idx.msk [tilespmem:v22+s18+$0x0], $0xffff  }
0x1f2: {  	v34 =	vor.u32 $0x36, v2;
	v37 =	vld.idx.msk [tilespmem:v27+s20+$0x0], $0xffff;
	v36 =	vmul.f32 v25, v6;
	v3 =	vadd.f32 v32, v3  }
0x1f3: {  	v39 =	vor.u32 $0x37, v1;
	v12 =	vld.idx.msk [tilespmem:v26+s18+$0x0], $0xffff  }
0x1f4: {  	v38 =	vor.u32 $0x37, v2;
	v41 =	vld.idx.msk [tilespmem:v31+s20+$0x0], $0xffff;
	v40 =	vmul.f32 v29, v9;
	v3 =	vadd.f32 v36, v3  }
0x1f5: {  	v43 =	vor.u32 $0x38, v1;
	v14 =	vld.idx.msk [tilespmem:v30+s18+$0x0], $0xffff  }
0x1f6: {  	v42 =	vor.u32 $0x38, v2;
	v45 =	vld.idx.msk [tilespmem:v35+s20+$0x0], $0xffff;
	v44 =	vmul.f32 v33, v11;
	v3 =	vadd.f32 v40, v3  }
0x1f7: {  	v47 =	vor.u32 $0x39, v1;
	v10 =	vld.idx.msk [tilespmem:v34+s18+$0x0], $0xffff  }
0x1f8: {  	v46 =	vor.u32 $0x39, v2;
	v49 =	vld.idx.msk [tilespmem:v39+s20+$0x0], $0xffff;
	v48 =	vmul.f32 v37, v12;
	v3 =	vadd.f32 v44, v3  }
0x1f9: {  	v51 =	vor.u32 $0x3A, v1;
	v6 =	vld.idx.msk [tilespmem:v38+s18+$0x0], $0xffff  }
0x1fa: {  	v50 =	vor.u32 $0x3A, v2;
	v53 =	vld.idx.msk [tilespmem:v43+s20+$0x0], $0xffff;
	v52 =	vmul.f32 v41, v14;
	v3 =	vadd.f32 v48, v3  }
0x1fb: {  	v55 =	vor.u32 $0x3B, v1;
	v9 =	vld.idx.msk [tilespmem:v42+s18+$0x0], $0xffff  }
0x1fc: {  	v54 =	vor.u32 $0x3B, v2;
	v57 =	vld.idx.msk [tilespmem:v47+s20+$0x0], $0xffff;
	v56 =	vmul.f32 v45, v10;
	v3 =	vadd.f32 v52, v3  }
0x1fd: {  	v59 =	vor.u32 $0x3C, v1;
	v11 =	vld.idx.msk [tilespmem:v46+s18+$0x0], $0xffff  }
0x1fe: {  	v58 =	vor.u32 $0x3C, v2;
	v61 =	vld.idx.msk [tilespmem:v51+s20+$0x0], $0xffff;
	v60 =	vmul.f32 v49, v6;
	v3 =	vadd.f32 v56, v3  }
0x1ff: {  	v63 =	vor.u32 $0x3D, v1;
	v12 =	vld.idx.msk [tilespmem:v50+s18+$0x0], $0xffff  }
0x200: {  	v62 =	vor.u32 $0x3D, v2;
	v21 =	vld.idx.msk [tilespmem:v55+s20+$0x0], $0xffff;
	v20 =	vmul.f32 v53, v9;
	v3 =	vadd.f32 v60, v3  }
0x201: {  	v23 =	vor.u32 $0x3E, v1;
	v14 =	vld.idx.msk [tilespmem:v54+s18+$0x0], $0xffff  }
0x202: {  	v22 =	vor.u32 $0x3E, v2;
	v25 =	vld.idx.msk [tilespmem:v59+s20+$0x0], $0xffff;
	v24 =	vmul.f32 v57, v11;
	v3 =	vadd.f32 v20, v3  }
0x203: {  	v1 =	vor.u32 $0x3F, v1;
	v10 =	vld.idx.msk [tilespmem:v58+s18+$0x0], $0xffff  }
0x204: {  	v27 =	vld.idx.msk [tilespmem:v63+s20+$0x0], $0xffff;
	v2 =	vor.u32 $0x3F, v2;
	v26 =	vmul.f32 v61, v12;
	v3 =	vadd.f32 v24, v3  }
0x205: {  	v6 =	vld.idx.msk [tilespmem:v62+s18+$0x0], $0xffff  }
0x206: {  	v29 =	vld.idx.msk [tilespmem:v23+s20+$0x0], $0xffff;
	v28 =	vmul.f32 v21, v14;
	v3 =	vadd.f32 v26, v3  }
0x207: {  	v9 =	vld.idx.msk [tilespmem:v22+s18+$0x0], $0xffff  }
0x208: {  	v1 =	vld.idx.msk [tilespmem:v1+s20+$0x0], $0xffff;
	v30 =	vmul.f32 v25, v10;
	v3 =	vadd.f32 v28, v3  }
0x209: {  	v2 =	vld.idx.msk [tilespmem:v2+s18+$0x0], $0xffff  }
0x20a: {  	v31 =	vmul.f32 v27, v6;
	v3 =	vadd.f32 v30, v3;
	_ =	sdelay $0x1  }
0x20b: {  	v32 =	vmul.f32 v29, v9;
	v3 =	vadd.f32 v31, v3;
	_ =	sdelay $0x1  }
0x20c: {  	v1 =	vmul.f32 v1, v2;
	v3 =	vadd.f32 v32, v3;
	_ =	sdelay $0x1  }
0x20d: {  	v1 =	vadd.f32 v1, v3  }
0x20e: {  	s3 =	sadd.s32 $0x10, s29  }
0x20f: {  	s26 =	simm.s32 $0x100;
	[tilespmem:s3+$0x0] =	vst v1  }
0x210: {  	[tilespmem:s18], [sflag:$0x1] =	stream.indirect.gather [hbm4b:s4+s26], $0x80, s22, s26, $0xb8;
	[tilespmem:$0x10E00] =	vst v63  }
0x211: {  	_ = 	snop  }
0x212: {  	[tilespmem:s20], [sflag:$0x1] =	stream.indirect.gather [hbm4b:s5+s26], $0x80, s23, s26, $0xb8;
	[tilespmem:$0x10E00] =	vst v63  }
0x213: {  	_ =	swait.ge [sflag:s21], $0x8000  }
0x214: {  	[sflag:s21] =	ssyncset.done $0x0  }
0x215: {  	[sflag:s21] =	ssyncadd.s32 $0xFFFF8000  }
0x216: {  	_ =	swait.ge [sflag:s21], $0x8000  }
0x217: {  	[sflag:s21] =	ssyncset.done $0x0  }
0x218: {  	[sflag:s21] =	ssyncadd.s32 $0xFFFF8000  }
0x219: {  	s3 =	simm.s32 $0x300;
	v1 =	vld [tilespmem:s26+$0x0]  }
0x21a: {  	v2 =	vld [tilespmem:s3+$0x0];
	_ =	sdelay $0x1  }
0x21b: {  	s26 =	simm.s32 $0x0  }
0x21c: {  	v3 =	vmov s26  }
0x21d: {  	v3 =	vshll.u32 v3, $0x7;
	v1 =	vshrl.u32 v1, $0x7  }
0x21e: {  	v3 =	vor.u32 v0, v3;
	v2 =	vshrl.u32 v2, $0x7;
	v1 =	vand.u32 $0x40, v1  }
0x21f: {  	v33 =	vand.u32 $0x40, v2;
	v2 =	vor.u32 v3, v1  }
0x220: {  	v1 =	vor.u32 v3, v33  }
0x221: {  	s28 =	simm.s32 $0x10900;
	v3 =	vor.u32 $0x1, v2  }
0x222: {  	v34 =	vld [tilespmem:s28+$0x0];
	s26 =	simm.s32 $0x10B00;
	v35 =	vor.u32 $0x1, v1  }
0x223: {  	v36 =	vld [tilespmem:s26+$0x0];
	v37 =	vor.u32 $0x2, v2  }
0x224: {  	v39 =	vor.u32 $0x2, v1;
	v38 =	vld.idx.msk [tilespmem:v2+s18+$0x0], $0xffff  }
0x225: {  	v41 =	vor.u32 $0x3, v2;
	v40 =	vld.idx.msk [tilespmem:v1+s20+$0x0], $0xffff  }
0x226: {  	v42 =	vor.u32 $0x3, v1;
	v3 =	vld.idx.msk [tilespmem:v3+s18+$0x0], $0xffff  }
0x227: {  	v43 =	vor.u32 $0x4, v2;
	v5 =	vld.idx.msk [tilespmem:v35+s20+$0x0], $0xffff  }
0x228: {  	v44 =	vor.u32 $0x4, v1;
	v7 =	vld.idx.msk [tilespmem:v37+s18+$0x0], $0xffff  }
0x229: {  	v45 =	vor.u32 $0x5, v2;
	v9 =	vld.idx.msk [tilespmem:v39+s20+$0x0], $0xffff  }
0x22a: {  	v4 =	vadd.f32 v36, v34;
	v46 =	vor.u32 $0x5, v1;
	v11 =	vld.idx.msk [tilespmem:v41+s18+$0x0], $0xffff;
	v47 =	vmul.f32 v40, v38  }
0x22b: {  	v49 =	vor.u32 $0x6, v2;
	v48 =	vld.idx.msk [tilespmem:v42+s20+$0x0], $0xffff  }
0x22c: {  	v51 =	vor.u32 $0x6, v1;
	v50 =	vld.idx.msk [tilespmem:v43+s18+$0x0], $0xffff;
	v3 =	vmul.f32 v5, v3;
	v4 =	vadd.f32 v47, v4  }
0x22d: {  	v53 =	vor.u32 $0x7, v2;
	v52 =	vld.idx.msk [tilespmem:v44+s20+$0x0], $0xffff  }
0x22e: {  	v55 =	vor.u32 $0x7, v1;
	v54 =	vld.idx.msk [tilespmem:v45+s18+$0x0], $0xffff;
	v56 =	vmul.f32 v9, v7;
	v3 =	vadd.f32 v3, v4  }
0x22f: {  	v59 =	vor.u32 $0x8, v1;
	v57 =	vld.idx.msk [tilespmem:v46+s20+$0x0], $0xffff  }
0x230: {  	v58 =	vor.u32 $0x8, v2;
	v10 =	vld.idx.msk [tilespmem:v49+s18+$0x0], $0xffff;
	v60 =	vmul.f32 v48, v11;
	v3 =	vadd.f32 v56, v3  }
0x231: {  	v63 =	vor.u32 $0x9, v1;
	v61 =	vld.idx.msk [tilespmem:v51+s20+$0x0], $0xffff  }
0x232: {  	v62 =	vor.u32 $0x9, v2;
	v6 =	vld.idx.msk [tilespmem:v53+s18+$0x0], $0xffff;
	v20 =	vmul.f32 v52, v50;
	v3 =	vadd.f32 v60, v3  }
0x233: {  	v22 =	vor.u32 $0xA, v2;
	v21 =	vld.idx.msk [tilespmem:v55+s20+$0x0], $0xffff  }
0x234: {  	v23 =	vor.u32 $0xA, v1;
	v25 =	vld.idx.msk [tilespmem:v59+s20+$0x0], $0xffff;
	v24 =	vmul.f32 v57, v54;
	v3 =	vadd.f32 v20, v3  }
0x235: {  	v26 =	vor.u32 $0xB, v2;
	v9 =	vld.idx.msk [tilespmem:v58+s18+$0x0], $0xffff  }
0x236: {  	v27 =	vor.u32 $0xB, v1;
	v29 =	vld.idx.msk [tilespmem:v63+s20+$0x0], $0xffff;
	v28 =	vmul.f32 v61, v10;
	v3 =	vadd.f32 v24, v3  }
0x237: {  	v31 =	vor.u32 $0xC, v1;
	v11 =	vld.idx.msk [tilespmem:v62+s18+$0x0], $0xffff  }
0x238: {  	v30 =	vor.u32 $0xC, v2;
	v12 =	vld.idx.msk [tilespmem:v22+s18+$0x0], $0xffff;
	v32 =	vmul.f32 v21, v6;
	v3 =	vadd.f32 v28, v3  }
0x239: {  	v34 =	vor.u32 $0xD, v2;
	v33 =	vld.idx.msk [tilespmem:v23+s20+$0x0], $0xffff  }
0x23a: {  	v14 =	vld.idx.msk [tilespmem:v26+s18+$0x0], $0xffff;
	v35 =	vor.u32 $0xD, v1;
	v36 =	vmul.f32 v25, v9;
	v3 =	vadd.f32 v32, v3  }
0x23b: {  	v37 =	vld.idx.msk [tilespmem:v27+s20+$0x0], $0xffff;
	v39 =	vor.u32 $0xE, v1  }
0x23c: {  	v41 =	vld.idx.msk [tilespmem:v31+s20+$0x0], $0xffff;
	v38 =	vor.u32 $0xE, v2;
	v40 =	vmul.f32 v29, v11;
	v3 =	vadd.f32 v36, v3  }
0x23d: {  	v43 =	vor.u32 $0xF, v1;
	v10 =	vld.idx.msk [tilespmem:v30+s18+$0x0], $0xffff  }
0x23e: {  	v42 =	vor.u32 $0xF, v2;
	v6 =	vld.idx.msk [tilespmem:v34+s18+$0x0], $0xffff;
	v44 =	vmul.f32 v33, v12;
	v3 =	vadd.f32 v40, v3  }
0x23f: {  	v46 =	vor.u32 $0x10, v2;
	v45 =	vld.idx.msk [tilespmem:v35+s20+$0x0], $0xffff  }
0x240: {  	v48 =	vmul.f32 v37, v14;
	v49 =	vld.idx.msk [tilespmem:v39+s20+$0x0], $0xffff;
	v47 =	vor.u32 $0x10, v1;
	v3 =	vadd.f32 v44, v3  }
0x241: {  	v51 =	vor.u32 $0x11, v1;
	v9 =	vld.idx.msk [tilespmem:v38+s18+$0x0], $0xffff  }
0x242: {  	v50 =	vor.u32 $0x11, v2;
	v53 =	vld.idx.msk [tilespmem:v43+s20+$0x0], $0xffff;
	v52 =	vmul.f32 v41, v10;
	v3 =	vadd.f32 v48, v3  }
0x243: {  	v55 =	vor.u32 $0x12, v1;
	v11 =	vld.idx.msk [tilespmem:v42+s18+$0x0], $0xffff  }
0x244: {  	v54 =	vor.u32 $0x12, v2;
	v12 =	vld.idx.msk [tilespmem:v46+s18+$0x0], $0xffff;
	v56 =	vmul.f32 v45, v6;
	v3 =	vadd.f32 v52, v3  }
0x245: {  	v58 =	vor.u32 $0x13, v2;
	v57 =	vld.idx.msk [tilespmem:v47+s20+$0x0], $0xffff  }
0x246: {  	v59 =	vor.u32 $0x13, v1;
	v61 =	vld.idx.msk [tilespmem:v51+s20+$0x0], $0xffff;
	v60 =	vmul.f32 v49, v9;
	v3 =	vadd.f32 v56, v3  }
0x247: {  	v63 =	vor.u32 $0x14, v1;
	v14 =	vld.idx.msk [tilespmem:v50+s18+$0x0], $0xffff  }
0x248: {  	v62 =	vor.u32 $0x14, v2;
	v21 =	vld.idx.msk [tilespmem:v55+s20+$0x0], $0xffff;
	v20 =	vmul.f32 v53, v11;
	v3 =	vadd.f32 v60, v3  }
0x249: {  	v23 =	vor.u32 $0x15, v1;
	v10 =	vld.idx.msk [tilespmem:v54+s18+$0x0], $0xffff  }
0x24a: {  	v22 =	vor.u32 $0x15, v2;
	v6 =	vld.idx.msk [tilespmem:v58+s18+$0x0], $0xffff;
	v24 =	vmul.f32 v57, v12;
	v3 =	vadd.f32 v20, v3  }
0x24b: {  	v27 =	vor.u32 $0x16, v1;
	v25 =	vld.idx.msk [tilespmem:v59+s20+$0x0], $0xffff  }
0x24c: {  	v26 =	vor.u32 $0x16, v2;
	v29 =	vld.idx.msk [tilespmem:v63+s20+$0x0], $0xffff;
	v28 =	vmul.f32 v61, v14;
	v3 =	vadd.f32 v24, v3  }
0x24d: {  	v31 =	vor.u32 $0x17, v1;
	v9 =	vld.idx.msk [tilespmem:v62+s18+$0x0], $0xffff  }
0x24e: {  	v30 =	vor.u32 $0x17, v2;
	v33 =	vld.idx.msk [tilespmem:v23+s20+$0x0], $0xffff;
	v32 =	vmul.f32 v21, v10;
	v3 =	vadd.f32 v28, v3  }
0x24f: {  	v35 =	vor.u32 $0x18, v1;
	v11 =	vld.idx.msk [tilespmem:v22+s18+$0x0], $0xffff  }
0x250: {  	v34 =	vor.u32 $0x18, v2;
	v37 =	vld.idx.msk [tilespmem:v27+s20+$0x0], $0xffff;
	v36 =	vmul.f32 v25, v6;
	v3 =	vadd.f32 v32, v3  }
0x251: {  	v39 =	vor.u32 $0x19, v1;
	v12 =	vld.idx.msk [tilespmem:v26+s18+$0x0], $0xffff  }
0x252: {  	v38 =	vor.u32 $0x19, v2;
	v41 =	vld.idx.msk [tilespmem:v31+s20+$0x0], $0xffff;
	v40 =	vmul.f32 v29, v9;
	v3 =	vadd.f32 v36, v3  }
0x253: {  	v43 =	vor.u32 $0x1A, v1;
	v14 =	vld.idx.msk [tilespmem:v30+s18+$0x0], $0xffff  }
0x254: {  	v42 =	vor.u32 $0x1A, v2;
	v45 =	vld.idx.msk [tilespmem:v35+s20+$0x0], $0xffff;
	v44 =	vmul.f32 v33, v11;
	v3 =	vadd.f32 v40, v3  }
0x255: {  	v47 =	vor.u32 $0x1B, v1;
	v10 =	vld.idx.msk [tilespmem:v34+s18+$0x0], $0xffff  }
0x256: {  	v46 =	vor.u32 $0x1B, v2;
	v49 =	vld.idx.msk [tilespmem:v39+s20+$0x0], $0xffff;
	v48 =	vmul.f32 v37, v12;
	v3 =	vadd.f32 v44, v3  }
0x257: {  	v51 =	vor.u32 $0x1C, v1;
	v6 =	vld.idx.msk [tilespmem:v38+s18+$0x0], $0xffff  }
0x258: {  	v50 =	vor.u32 $0x1C, v2;
	v53 =	vld.idx.msk [tilespmem:v43+s20+$0x0], $0xffff;
	v52 =	vmul.f32 v41, v14;
	v3 =	vadd.f32 v48, v3  }
0x259: {  	v55 =	vor.u32 $0x1D, v1;
	v9 =	vld.idx.msk [tilespmem:v42+s18+$0x0], $0xffff  }
0x25a: {  	v54 =	vor.u32 $0x1D, v2;
	v57 =	vld.idx.msk [tilespmem:v47+s20+$0x0], $0xffff;
	v56 =	vmul.f32 v45, v10;
	v3 =	vadd.f32 v52, v3  }
0x25b: {  	v59 =	vor.u32 $0x1E, v1;
	v11 =	vld.idx.msk [tilespmem:v46+s18+$0x0], $0xffff  }
0x25c: {  	v58 =	vor.u32 $0x1E, v2;
	v61 =	vld.idx.msk [tilespmem:v51+s20+$0x0], $0xffff;
	v60 =	vmul.f32 v49, v6;
	v3 =	vadd.f32 v56, v3  }
0x25d: {  	v63 =	vor.u32 $0x1F, v1;
	v12 =	vld.idx.msk [tilespmem:v50+s18+$0x0], $0xffff  }
0x25e: {  	v62 =	vor.u32 $0x1F, v2;
	v21 =	vld.idx.msk [tilespmem:v55+s20+$0x0], $0xffff;
	v20 =	vmul.f32 v53, v9;
	v3 =	vadd.f32 v60, v3  }
0x25f: {  	v23 =	vor.u32 $0x20, v1;
	v14 =	vld.idx.msk [tilespmem:v54+s18+$0x0], $0xffff  }
0x260: {  	v22 =	vor.u32 $0x20, v2;
	v25 =	vld.idx.msk [tilespmem:v59+s20+$0x0], $0xffff;
	v24 =	vmul.f32 v57, v11;
	v3 =	vadd.f32 v20, v3  }
0x261: {  	v27 =	vor.u32 $0x21, v1;
	v10 =	vld.idx.msk [tilespmem:v58+s18+$0x0], $0xffff  }
0x262: {  	v26 =	vor.u32 $0x21, v2;
	v29 =	vld.idx.msk [tilespmem:v63+s20+$0x0], $0xffff;
	v28 =	vmul.f32 v61, v12;
	v3 =	vadd.f32 v24, v3  }
0x263: {  	v31 =	vor.u32 $0x22, v1;
	v6 =	vld.idx.msk [tilespmem:v62+s18+$0x0], $0xffff  }
0x264: {  	v30 =	vor.u32 $0x22, v2;
	v33 =	vld.idx.msk [tilespmem:v23+s20+$0x0], $0xffff;
	v32 =	vmul.f32 v21, v14;
	v3 =	vadd.f32 v28, v3  }
0x265: {  	v35 =	vor.u32 $0x23, v1;
	v9 =	vld.idx.msk [tilespmem:v22+s18+$0x0], $0xffff  }
0x266: {  	v34 =	vor.u32 $0x23, v2;
	v37 =	vld.idx.msk [tilespmem:v27+s20+$0x0], $0xffff;
	v36 =	vmul.f32 v25, v10;
	v3 =	vadd.f32 v32, v3  }
0x267: {  	v39 =	vor.u32 $0x24, v1;
	v11 =	vld.idx.msk [tilespmem:v26+s18+$0x0], $0xffff  }
0x268: {  	v38 =	vor.u32 $0x24, v2;
	v41 =	vld.idx.msk [tilespmem:v31+s20+$0x0], $0xffff;
	v40 =	vmul.f32 v29, v6;
	v3 =	vadd.f32 v36, v3  }
0x269: {  	v43 =	vor.u32 $0x25, v1;
	v12 =	vld.idx.msk [tilespmem:v30+s18+$0x0], $0xffff  }
0x26a: {  	v42 =	vor.u32 $0x25, v2;
	v45 =	vld.idx.msk [tilespmem:v35+s20+$0x0], $0xffff;
	v44 =	vmul.f32 v33, v9;
	v3 =	vadd.f32 v40, v3  }
0x26b: {  	v47 =	vor.u32 $0x26, v1;
	v14 =	vld.idx.msk [tilespmem:v34+s18+$0x0], $0xffff  }
0x26c: {  	v46 =	vor.u32 $0x26, v2;
	v49 =	vld.idx.msk [tilespmem:v39+s20+$0x0], $0xffff;
	v48 =	vmul.f32 v37, v11;
	v3 =	vadd.f32 v44, v3  }
0x26d: {  	v51 =	vor.u32 $0x27, v1;
	v10 =	vld.idx.msk [tilespmem:v38+s18+$0x0], $0xffff  }
0x26e: {  	v50 =	vor.u32 $0x27, v2;
	v53 =	vld.idx.msk [tilespmem:v43+s20+$0x0], $0xffff;
	v52 =	vmul.f32 v41, v12;
	v3 =	vadd.f32 v48, v3  }
0x26f: {  	v55 =	vor.u32 $0x28, v1;
	v6 =	vld.idx.msk [tilespmem:v42+s18+$0x0], $0xffff  }
0x270: {  	v54 =	vor.u32 $0x28, v2;
	v57 =	vld.idx.msk [tilespmem:v47+s20+$0x0], $0xffff;
	v56 =	vmul.f32 v45, v14;
	v3 =	vadd.f32 v52, v3  }
0x271: {  	v59 =	vor.u32 $0x29, v1;
	v9 =	vld.idx.msk [tilespmem:v46+s18+$0x0], $0xffff  }
0x272: {  	v58 =	vor.u32 $0x29, v2;
	v61 =	vld.idx.msk [tilespmem:v51+s20+$0x0], $0xffff;
	v60 =	vmul.f32 v49, v10;
	v3 =	vadd.f32 v56, v3  }
0x273: {  	v63 =	vor.u32 $0x2A, v1;
	v11 =	vld.idx.msk [tilespmem:v50+s18+$0x0], $0xffff  }
0x274: {  	v62 =	vor.u32 $0x2A, v2;
	v21 =	vld.idx.msk [tilespmem:v55+s20+$0x0], $0xffff;
	v20 =	vmul.f32 v53, v6;
	v3 =	vadd.f32 v60, v3  }
0x275: {  	v23 =	vor.u32 $0x2B, v1;
	v12 =	vld.idx.msk [tilespmem:v54+s18+$0x0], $0xffff  }
0x276: {  	v22 =	vor.u32 $0x2B, v2;
	v25 =	vld.idx.msk [tilespmem:v59+s20+$0x0], $0xffff;
	v24 =	vmul.f32 v57, v9;
	v3 =	vadd.f32 v20, v3  }
0x277: {  	v27 =	vor.u32 $0x2C, v1;
	v14 =	vld.idx.msk [tilespmem:v58+s18+$0x0], $0xffff  }
0x278: {  	v26 =	vor.u32 $0x2C, v2;
	v29 =	vld.idx.msk [tilespmem:v63+s20+$0x0], $0xffff;
	v28 =	vmul.f32 v61, v11;
	v3 =	vadd.f32 v24, v3  }
0x279: {  	v31 =	vor.u32 $0x2D, v1;
	v10 =	vld.idx.msk [tilespmem:v62+s18+$0x0], $0xffff  }
0x27a: {  	v30 =	vor.u32 $0x2D, v2;
	v33 =	vld.idx.msk [tilespmem:v23+s20+$0x0], $0xffff;
	v32 =	vmul.f32 v21, v12;
	v3 =	vadd.f32 v28, v3  }
0x27b: {  	v35 =	vor.u32 $0x2E, v1;
	v6 =	vld.idx.msk [tilespmem:v22+s18+$0x0], $0xffff  }
0x27c: {  	v34 =	vor.u32 $0x2E, v2;
	v37 =	vld.idx.msk [tilespmem:v27+s20+$0x0], $0xffff;
	v36 =	vmul.f32 v25, v14;
	v3 =	vadd.f32 v32, v3  }
0x27d: {  	v39 =	vor.u32 $0x2F, v1;
	v9 =	vld.idx.msk [tilespmem:v26+s18+$0x0], $0xffff  }
0x27e: {  	v38 =	vor.u32 $0x2F, v2;
	v41 =	vld.idx.msk [tilespmem:v31+s20+$0x0], $0xffff;
	v40 =	vmul.f32 v29, v10;
	v3 =	vadd.f32 v36, v3  }
0x27f: {  	v43 =	vor.u32 $0x30, v1;
	v11 =	vld.idx.msk [tilespmem:v30+s18+$0x0], $0xffff  }
0x280: {  	v42 =	vor.u32 $0x30, v2;
	v45 =	vld.idx.msk [tilespmem:v35+s20+$0x0], $0xffff;
	v44 =	vmul.f32 v33, v6;
	v3 =	vadd.f32 v40, v3  }
0x281: {  	v47 =	vor.u32 $0x31, v1;
	v12 =	vld.idx.msk [tilespmem:v34+s18+$0x0], $0xffff  }
0x282: {  	v46 =	vor.u32 $0x31, v2;
	v49 =	vld.idx.msk [tilespmem:v39+s20+$0x0], $0xffff;
	v48 =	vmul.f32 v37, v9;
	v3 =	vadd.f32 v44, v3  }
0x283: {  	v51 =	vor.u32 $0x32, v1;
	v14 =	vld.idx.msk [tilespmem:v38+s18+$0x0], $0xffff  }
0x284: {  	v50 =	vor.u32 $0x32, v2;
	v53 =	vld.idx.msk [tilespmem:v43+s20+$0x0], $0xffff;
	v52 =	vmul.f32 v41, v11;
	v3 =	vadd.f32 v48, v3  }
0x285: {  	v54 =	vor.u32 $0x33, v2;
	v10 =	vld.idx.msk [tilespmem:v42+s18+$0x0], $0xffff  }
0x286: {  	v55 =	vor.u32 $0x33, v1;
	v57 =	vld.idx.msk [tilespmem:v47+s20+$0x0], $0xffff;
	v56 =	vmul.f32 v45, v12;
	v3 =	vadd.f32 v52, v3  }
0x287: {  	v58 =	vor.u32 $0x34, v2;
	v6 =	vld.idx.msk [tilespmem:v46+s18+$0x0], $0xffff  }
0x288: {  	v59 =	vor.u32 $0x34, v1;
	v61 =	vld.idx.msk [tilespmem:v51+s20+$0x0], $0xffff;
	v60 =	vmul.f32 v49, v14;
	v3 =	vadd.f32 v56, v3  }
0x289: {  	v62 =	vor.u32 $0x35, v2;
	v9 =	vld.idx.msk [tilespmem:v50+s18+$0x0], $0xffff  }
0x28a: {  	v63 =	vor.u32 $0x35, v1;
	v19 =	vmul.f32 v53, v10;
	v11 =	vld.idx.msk [tilespmem:v54+s18+$0x0], $0xffff;
	v3 =	vadd.f32 v60, v3  }
0x28b: {  	v21 =	vor.u32 $0x36, v2;
	v20 =	vld.idx.msk [tilespmem:v55+s20+$0x0], $0xffff  }
0x28c: {  	v22 =	vor.u32 $0x36, v1;
	v23 =	vmul.f32 v57, v6;
	v12 =	vld.idx.msk [tilespmem:v58+s18+$0x0], $0xffff;
	v3 =	vadd.f32 v19, v3  }
0x28d: {  	v25 =	vor.u32 $0x37, v2;
	v24 =	vld.idx.msk [tilespmem:v59+s20+$0x0], $0xffff  }
0x28e: {  	v26 =	vor.u32 $0x37, v1;
	v27 =	vmul.f32 v61, v9;
	v14 =	vld.idx.msk [tilespmem:v62+s18+$0x0], $0xffff;
	v3 =	vadd.f32 v23, v3  }
0x28f: {  	v29 =	vor.u32 $0x38, v2;
	v28 =	vld.idx.msk [tilespmem:v63+s20+$0x0], $0xffff  }
0x290: {  	v30 =	vor.u32 $0x38, v1;
	v10 =	vld.idx.msk [tilespmem:v21+s18+$0x0], $0xffff;
	v31 =	vmul.f32 v20, v11;
	v3 =	vadd.f32 v27, v3  }
0x291: {  	v33 =	vor.u32 $0x39, v2;
	v32 =	vld.idx.msk [tilespmem:v22+s20+$0x0], $0xffff  }
0x292: {  	v34 =	vor.u32 $0x39, v1;
	v6 =	vld.idx.msk [tilespmem:v25+s18+$0x0], $0xffff;
	v35 =	vmul.f32 v24, v12;
	v3 =	vadd.f32 v31, v3  }
0x293: {  	v37 =	vor.u32 $0x3A, v2;
	v36 =	vld.idx.msk [tilespmem:v26+s20+$0x0], $0xffff  }
0x294: {  	v38 =	vor.u32 $0x3A, v1;
	v9 =	vld.idx.msk [tilespmem:v29+s18+$0x0], $0xffff;
	v39 =	vmul.f32 v28, v14;
	v3 =	vadd.f32 v35, v3  }
0x295: {  	v41 =	vor.u32 $0x3B, v2;
	v40 =	vld.idx.msk [tilespmem:v30+s20+$0x0], $0xffff  }
0x296: {  	v42 =	vor.u32 $0x3B, v1;
	v11 =	vld.idx.msk [tilespmem:v33+s18+$0x0], $0xffff;
	v43 =	vmul.f32 v32, v10;
	v3 =	vadd.f32 v39, v3  }
0x297: {  	v45 =	vor.u32 $0x3C, v2;
	v44 =	vld.idx.msk [tilespmem:v34+s20+$0x0], $0xffff  }
0x298: {  	v46 =	vor.u32 $0x3C, v1;
	v12 =	vld.idx.msk [tilespmem:v37+s18+$0x0], $0xffff;
	v47 =	vmul.f32 v36, v6;
	v3 =	vadd.f32 v43, v3  }
0x299: {  	v50 =	vor.u32 $0x3D, v1;
	v48 =	vld.idx.msk [tilespmem:v38+s20+$0x0], $0xffff  }
0x29a: {  	v49 =	vor.u32 $0x3D, v2;
	v14 =	vld.idx.msk [tilespmem:v41+s18+$0x0], $0xffff;
	v51 =	vmul.f32 v40, v9;
	v3 =	vadd.f32 v47, v3  }
0x29b: {  	v53 =	vor.u32 $0x3E, v2;
	v52 =	vld.idx.msk [tilespmem:v42+s20+$0x0], $0xffff  }
0x29c: {  	v54 =	vor.u32 $0x3E, v1;
	v10 =	vld.idx.msk [tilespmem:v45+s18+$0x0], $0xffff;
	v55 =	vmul.f32 v44, v11;
	v3 =	vadd.f32 v51, v3  }
0x29d: {  	v1 =	vor.u32 $0x3F, v1;
	v56 =	vld.idx.msk [tilespmem:v46+s20+$0x0], $0xffff  }
0x29e: {  	v58 =	vld.idx.msk [tilespmem:v50+s20+$0x0], $0xffff;
	v2 =	vor.u32 $0x3F, v2;
	v57 =	vmul.f32 v48, v12;
	v3 =	vadd.f32 v55, v3  }
0x29f: {  	v6 =	vld.idx.msk [tilespmem:v49+s18+$0x0], $0xffff  }
0x2a0: {  	v9 =	vld.idx.msk [tilespmem:v53+s18+$0x0], $0xffff;
	v59 =	vmul.f32 v52, v14;
	v3 =	vadd.f32 v57, v3  }
0x2a1: {  	v60 =	vld.idx.msk [tilespmem:v54+s20+$0x0], $0xffff  }
0x2a2: {  	v1 =	vld.idx.msk [tilespmem:v1+s20+$0x0], $0xffff;
	v61 =	vmul.f32 v56, v10;
	v3 =	vadd.f32 v59, v3  }
0x2a3: {  	v2 =	vld.idx.msk [tilespmem:v2+s18+$0x0], $0xffff  }
0x2a4: {  	v62 =	vmul.f32 v58, v6;
	v3 =	vadd.f32 v61, v3;
	_ =	sdelay $0x1  }
0x2a5: {  	v63 =	vmul.f32 v60, v9;
	v3 =	vadd.f32 v62, v3;
	_ =	sdelay $0x1  }
0x2a6: {  	v1 =	vmul.f32 v1, v2;
	v3 =	vadd.f32 v63, v3;
	_ =	sdelay $0x1  }
0x2a7: {  	v1 =	vadd.f32 v1, v3  }
0x2a8: {  	s29 =	simm.s32 $0x10D00  }
0x2a9: {  	s30 =	simm.s32 $0x110;
	[tilespmem:s29+$0x0] =	vst v1  }
0x2aa: {  	s31 =	simm.s32 $0x310;
	v1 =	vld [tilespmem:s30+$0x0]  }
0x2ab: {  	s0 =	simm.s32 $0x10;
	s3 =	simm.s32 $0x20;
	v2 =	vld [tilespmem:s31+$0x0]  }
.LBB2_12:
0x2ac: {  	p0 =	sne.s32 s3, $0xF0;
	_ =	sdelay $0x1  }
0x2ad: {  	v3 =	vmov s0;
	s0 =	smov.u32 s3  }
0x2ae: {  	v3 =	vshll.u32 v3, $0x7;
	v1 =	vshrl.u32 v1, $0x7  }
0x2af: {  	v3 =	vor.u32 v0, v3;
	v1 =	vand.u32 $0x40, v1;
	v2 =	vshrl.u32 v2, $0x7  }
0x2b0: {  	v4 =	vand.u32 $0x40, v2;
	v2 =	vor.u32 v3, v1  }
0x2b1: {  	v1 =	vor.u32 v3, v4  }
0x2b2: {  	s28 =	sadd.s32 $0x10, s28;
	v3 =	vor.u32 $0x1, v2  }
0x2b3: {  	s26 =	sadd.s32 $0x10, s26;
	v5 =	vor.u32 $0x1, v1;
	v4 =	vld [tilespmem:s28+$0x0]  }
0x2b4: {  	v7 =	vor.u32 $0x2, v2;
	v6 =	vld [tilespmem:s26+$0x0]  }
0x2b5: {  	v9 =	vor.u32 $0x2, v1;
	v8 =	vld.idx.msk [tilespmem:v2+s18+$0x0], $0xffff  }
0x2b6: {  	v11 =	vor.u32 $0x3, v2;
	v10 =	vld.idx.msk [tilespmem:v1+s20+$0x0], $0xffff  }
0x2b7: {  	v12 =	vor.u32 $0x3, v1;
	v3 =	vld.idx.msk [tilespmem:v3+s18+$0x0], $0xffff  }
0x2b8: {  	v13 =	vor.u32 $0x4, v2;
	v5 =	vld.idx.msk [tilespmem:v5+s20+$0x0], $0xffff  }
0x2b9: {  	v14 =	vor.u32 $0x4, v1;
	v7 =	vld.idx.msk [tilespmem:v7+s18+$0x0], $0xffff  }
0x2ba: {  	v15 =	vor.u32 $0x5, v2;
	v9 =	vld.idx.msk [tilespmem:v9+s20+$0x0], $0xffff  }
0x2bb: {  	v16 =	vor.u32 $0x5, v1;
	v11 =	vld.idx.msk [tilespmem:v11+s18+$0x0], $0xffff  }
0x2bc: {  	v4 =	vadd.f32 v6, v4;
	v6 =	vmul.f32 v10, v8;
	v10 =	vor.u32 $0x6, v2;
	v8 =	vld.idx.msk [tilespmem:v12+s20+$0x0], $0xffff  }
0x2bd: {  	v12 =	vld.idx.msk [tilespmem:v13+s18+$0x0], $0xffff;
	v13 =	vor.u32 $0x6, v1  }
0x2be: {  	v4 =	vadd.f32 v6, v4;
	v3 =	vmul.f32 v5, v3;
	v6 =	vor.u32 $0x7, v2;
	v5 =	vld.idx.msk [tilespmem:v14+s20+$0x0], $0xffff  }
0x2bf: {  	v14 =	vld.idx.msk [tilespmem:v15+s18+$0x0], $0xffff;
	v15 =	vor.u32 $0x7, v1  }
0x2c0: {  	v3 =	vadd.f32 v3, v4;
	v4 =	vmul.f32 v9, v7;
	v9 =	vor.u32 $0x8, v2;
	v7 =	vld.idx.msk [tilespmem:v16+s20+$0x0], $0xffff  }
0x2c1: {  	v16 =	vor.u32 $0x8, v1;
	v10 =	vld.idx.msk [tilespmem:v10+s18+$0x0], $0xffff  }
0x2c2: {  	v3 =	vadd.f32 v4, v3;
	v4 =	vmul.f32 v8, v11;
	v11 =	vor.u32 $0x9, v2;
	v8 =	vld.idx.msk [tilespmem:v13+s20+$0x0], $0xffff  }
0x2c3: {  	v13 =	vor.u32 $0x9, v1;
	v6 =	vld.idx.msk [tilespmem:v6+s18+$0x0], $0xffff  }
0x2c4: {  	v3 =	vadd.f32 v4, v3;
	v4 =	vmul.f32 v5, v12;
	v12 =	vor.u32 $0xA, v2;
	v5 =	vld.idx.msk [tilespmem:v15+s20+$0x0], $0xffff  }
0x2c5: {  	v15 =	vor.u32 $0xA, v1;
	v9 =	vld.idx.msk [tilespmem:v9+s18+$0x0], $0xffff  }
0x2c6: {  	v3 =	vadd.f32 v4, v3;
	v4 =	vmul.f32 v7, v14;
	v14 =	vor.u32 $0xB, v2;
	v7 =	vld.idx.msk [tilespmem:v16+s20+$0x0], $0xffff  }
0x2c7: {  	v16 =	vor.u32 $0xB, v1;
	v11 =	vld.idx.msk [tilespmem:v11+s18+$0x0], $0xffff  }
0x2c8: {  	v3 =	vadd.f32 v4, v3;
	v4 =	vmul.f32 v8, v10;
	v10 =	vor.u32 $0xC, v2;
	v8 =	vld.idx.msk [tilespmem:v13+s20+$0x0], $0xffff  }
0x2c9: {  	v13 =	vor.u32 $0xC, v1;
	v12 =	vld.idx.msk [tilespmem:v12+s18+$0x0], $0xffff  }
0x2ca: {  	v3 =	vadd.f32 v4, v3;
	v4 =	vmul.f32 v5, v6;
	v6 =	vor.u32 $0xD, v2;
	v5 =	vld.idx.msk [tilespmem:v15+s20+$0x0], $0xffff  }
0x2cb: {  	v15 =	vor.u32 $0xD, v1;
	v14 =	vld.idx.msk [tilespmem:v14+s18+$0x0], $0xffff  }
0x2cc: {  	v3 =	vadd.f32 v4, v3;
	v4 =	vmul.f32 v7, v9;
	v9 =	vor.u32 $0xE, v2;
	v7 =	vld.idx.msk [tilespmem:v16+s20+$0x0], $0xffff  }
0x2cd: {  	v16 =	vor.u32 $0xE, v1;
	v10 =	vld.idx.msk [tilespmem:v10+s18+$0x0], $0xffff  }
0x2ce: {  	v3 =	vadd.f32 v4, v3;
	v4 =	vmul.f32 v8, v11;
	v11 =	vor.u32 $0xF, v2;
	v8 =	vld.idx.msk [tilespmem:v13+s20+$0x0], $0xffff  }
0x2cf: {  	v13 =	vor.u32 $0xF, v1;
	v6 =	vld.idx.msk [tilespmem:v6+s18+$0x0], $0xffff  }
0x2d0: {  	v3 =	vadd.f32 v4, v3;
	v4 =	vmul.f32 v5, v12;
	v12 =	vor.u32 $0x10, v2;
	v5 =	vld.idx.msk [tilespmem:v15+s20+$0x0], $0xffff  }
0x2d1: {  	v15 =	vor.u32 $0x10, v1;
	v9 =	vld.idx.msk [tilespmem:v9+s18+$0x0], $0xffff  }
0x2d2: {  	v3 =	vadd.f32 v4, v3;
	v4 =	vmul.f32 v7, v14;
	v14 =	vor.u32 $0x11, v2;
	v7 =	vld.idx.msk [tilespmem:v16+s20+$0x0], $0xffff  }
0x2d3: {  	v16 =	vor.u32 $0x11, v1;
	v11 =	vld.idx.msk [tilespmem:v11+s18+$0x0], $0xffff  }
0x2d4: {  	v3 =	vadd.f32 v4, v3;
	v4 =	vmul.f32 v8, v10;
	v10 =	vor.u32 $0x12, v2;
	v8 =	vld.idx.msk [tilespmem:v13+s20+$0x0], $0xffff  }
0x2d5: {  	v13 =	vor.u32 $0x12, v1;
	v12 =	vld.idx.msk [tilespmem:v12+s18+$0x0], $0xffff  }
0x2d6: {  	v3 =	vadd.f32 v4, v3;
	v4 =	vmul.f32 v5, v6;
	v6 =	vor.u32 $0x13, v2;
	v5 =	vld.idx.msk [tilespmem:v15+s20+$0x0], $0xffff  }
0x2d7: {  	v15 =	vor.u32 $0x13, v1;
	v14 =	vld.idx.msk [tilespmem:v14+s18+$0x0], $0xffff  }
0x2d8: {  	v3 =	vadd.f32 v4, v3;
	v4 =	vmul.f32 v7, v9;
	v9 =	vor.u32 $0x14, v2;
	v7 =	vld.idx.msk [tilespmem:v16+s20+$0x0], $0xffff  }
0x2d9: {  	v16 =	vor.u32 $0x14, v1;
	v10 =	vld.idx.msk [tilespmem:v10+s18+$0x0], $0xffff  }
0x2da: {  	v3 =	vadd.f32 v4, v3;
	v4 =	vmul.f32 v8, v11;
	v11 =	vor.u32 $0x15, v2;
	v8 =	vld.idx.msk [tilespmem:v13+s20+$0x0], $0xffff  }
0x2db: {  	v13 =	vor.u32 $0x15, v1;
	v6 =	vld.idx.msk [tilespmem:v6+s18+$0x0], $0xffff  }
0x2dc: {  	v3 =	vadd.f32 v4, v3;
	v4 =	vmul.f32 v5, v12;
	v12 =	vor.u32 $0x16, v2;
	v5 =	vld.idx.msk [tilespmem:v15+s20+$0x0], $0xffff  }
0x2dd: {  	v15 =	vor.u32 $0x16, v1;
	v9 =	vld.idx.msk [tilespmem:v9+s18+$0x0], $0xffff  }
0x2de: {  	v3 =	vadd.f32 v4, v3;
	v4 =	vmul.f32 v7, v14;
	v14 =	vor.u32 $0x17, v2;
	v7 =	vld.idx.msk [tilespmem:v16+s20+$0x0], $0xffff  }
0x2df: {  	v16 =	vor.u32 $0x17, v1;
	v11 =	vld.idx.msk [tilespmem:v11+s18+$0x0], $0xffff  }
0x2e0: {  	v3 =	vadd.f32 v4, v3;
	v4 =	vmul.f32 v8, v10;
	v10 =	vor.u32 $0x18, v2;
	v8 =	vld.idx.msk [tilespmem:v13+s20+$0x0], $0xffff  }
0x2e1: {  	v13 =	vor.u32 $0x18, v1;
	v12 =	vld.idx.msk [tilespmem:v12+s18+$0x0], $0xffff  }
0x2e2: {  	v3 =	vadd.f32 v4, v3;
	v4 =	vmul.f32 v5, v6;
	v6 =	vor.u32 $0x19, v2;
	v5 =	vld.idx.msk [tilespmem:v15+s20+$0x0], $0xffff  }
0x2e3: {  	v15 =	vor.u32 $0x19, v1;
	v14 =	vld.idx.msk [tilespmem:v14+s18+$0x0], $0xffff  }
0x2e4: {  	v3 =	vadd.f32 v4, v3;
	v4 =	vmul.f32 v7, v9;
	v9 =	vor.u32 $0x1A, v2;
	v7 =	vld.idx.msk [tilespmem:v16+s20+$0x0], $0xffff  }
0x2e5: {  	v16 =	vor.u32 $0x1A, v1;
	v10 =	vld.idx.msk [tilespmem:v10+s18+$0x0], $0xffff  }
0x2e6: {  	v3 =	vadd.f32 v4, v3;
	v4 =	vmul.f32 v8, v11;
	v11 =	vor.u32 $0x1B, v2;
	v8 =	vld.idx.msk [tilespmem:v13+s20+$0x0], $0xffff  }
0x2e7: {  	v13 =	vor.u32 $0x1B, v1;
	v6 =	vld.idx.msk [tilespmem:v6+s18+$0x0], $0xffff  }
0x2e8: {  	v3 =	vadd.f32 v4, v3;
	v4 =	vmul.f32 v5, v12;
	v12 =	vor.u32 $0x1C, v2;
	v5 =	vld.idx.msk [tilespmem:v15+s20+$0x0], $0xffff  }
0x2e9: {  	v15 =	vor.u32 $0x1C, v1;
	v9 =	vld.idx.msk [tilespmem:v9+s18+$0x0], $0xffff  }
0x2ea: {  	v3 =	vadd.f32 v4, v3;
	v4 =	vmul.f32 v7, v14;
	v14 =	vor.u32 $0x1D, v2;
	v7 =	vld.idx.msk [tilespmem:v16+s20+$0x0], $0xffff  }
0x2eb: {  	v16 =	vor.u32 $0x1D, v1;
	v11 =	vld.idx.msk [tilespmem:v11+s18+$0x0], $0xffff  }
0x2ec: {  	v3 =	vadd.f32 v4, v3;
	v4 =	vmul.f32 v8, v10;
	v10 =	vor.u32 $0x1E, v2;
	v8 =	vld.idx.msk [tilespmem:v13+s20+$0x0], $0xffff  }
0x2ed: {  	v13 =	vor.u32 $0x1E, v1;
	v12 =	vld.idx.msk [tilespmem:v12+s18+$0x0], $0xffff  }
0x2ee: {  	v3 =	vadd.f32 v4, v3;
	v4 =	vmul.f32 v5, v6;
	v6 =	vor.u32 $0x1F, v2;
	v5 =	vld.idx.msk [tilespmem:v15+s20+$0x0], $0xffff  }
0x2ef: {  	v15 =	vor.u32 $0x1F, v1;
	v14 =	vld.idx.msk [tilespmem:v14+s18+$0x0], $0xffff  }
0x2f0: {  	v3 =	vadd.f32 v4, v3;
	v4 =	vmul.f32 v7, v9;
	v9 =	vor.u32 $0x20, v2;
	v7 =	vld.idx.msk [tilespmem:v16+s20+$0x0], $0xffff  }
0x2f1: {  	v16 =	vor.u32 $0x20, v1;
	v10 =	vld.idx.msk [tilespmem:v10+s18+$0x0], $0xffff  }
0x2f2: {  	v3 =	vadd.f32 v4, v3;
	v4 =	vmul.f32 v8, v11;
	v11 =	vor.u32 $0x21, v2;
	v8 =	vld.idx.msk [tilespmem:v13+s20+$0x0], $0xffff  }
0x2f3: {  	v13 =	vor.u32 $0x21, v1;
	v6 =	vld.idx.msk [tilespmem:v6+s18+$0x0], $0xffff  }
0x2f4: {  	v3 =	vadd.f32 v4, v3;
	v4 =	vmul.f32 v5, v12;
	v12 =	vor.u32 $0x22, v2;
	v5 =	vld.idx.msk [tilespmem:v15+s20+$0x0], $0xffff  }
0x2f5: {  	v15 =	vor.u32 $0x22, v1;
	v9 =	vld.idx.msk [tilespmem:v9+s18+$0x0], $0xffff  }
0x2f6: {  	v3 =	vadd.f32 v4, v3;
	v4 =	vmul.f32 v7, v14;
	v14 =	vor.u32 $0x23, v2;
	v7 =	vld.idx.msk [tilespmem:v16+s20+$0x0], $0xffff  }
0x2f7: {  	v16 =	vor.u32 $0x23, v1;
	v11 =	vld.idx.msk [tilespmem:v11+s18+$0x0], $0xffff  }
0x2f8: {  	v3 =	vadd.f32 v4, v3;
	v4 =	vmul.f32 v8, v10;
	v10 =	vor.u32 $0x24, v2;
	v8 =	vld.idx.msk [tilespmem:v13+s20+$0x0], $0xffff  }
0x2f9: {  	v13 =	vor.u32 $0x24, v1;
	v12 =	vld.idx.msk [tilespmem:v12+s18+$0x0], $0xffff  }
0x2fa: {  	v3 =	vadd.f32 v4, v3;
	v4 =	vmul.f32 v5, v6;
	v6 =	vor.u32 $0x25, v2;
	v5 =	vld.idx.msk [tilespmem:v15+s20+$0x0], $0xffff  }
0x2fb: {  	v15 =	vor.u32 $0x25, v1;
	v14 =	vld.idx.msk [tilespmem:v14+s18+$0x0], $0xffff  }
0x2fc: {  	v3 =	vadd.f32 v4, v3;
	v4 =	vmul.f32 v7, v9;
	v9 =	vor.u32 $0x26, v2;
	v7 =	vld.idx.msk [tilespmem:v16+s20+$0x0], $0xffff  }
0x2fd: {  	v16 =	vor.u32 $0x26, v1;
	v10 =	vld.idx.msk [tilespmem:v10+s18+$0x0], $0xffff  }
0x2fe: {  	v3 =	vadd.f32 v4, v3;
	v4 =	vmul.f32 v8, v11;
	v11 =	vor.u32 $0x27, v2;
	v8 =	vld.idx.msk [tilespmem:v13+s20+$0x0], $0xffff  }
0x2ff: {  	v13 =	vor.u32 $0x27, v1;
	v6 =	vld.idx.msk [tilespmem:v6+s18+$0x0], $0xffff  }
0x300: {  	v3 =	vadd.f32 v4, v3;
	v4 =	vmul.f32 v5, v12;
	v12 =	vor.u32 $0x28, v2;
	v5 =	vld.idx.msk [tilespmem:v15+s20+$0x0], $0xffff  }
0x301: {  	v15 =	vor.u32 $0x28, v1;
	v9 =	vld.idx.msk [tilespmem:v9+s18+$0x0], $0xffff  }
0x302: {  	v3 =	vadd.f32 v4, v3;
	v4 =	vmul.f32 v7, v14;
	v14 =	vor.u32 $0x29, v2;
	v7 =	vld.idx.msk [tilespmem:v16+s20+$0x0], $0xffff  }
0x303: {  	v16 =	vor.u32 $0x29, v1;
	v11 =	vld.idx.msk [tilespmem:v11+s18+$0x0], $0xffff  }
0x304: {  	v3 =	vadd.f32 v4, v3;
	v4 =	vmul.f32 v8, v10;
	v10 =	vor.u32 $0x2A, v2;
	v8 =	vld.idx.msk [tilespmem:v13+s20+$0x0], $0xffff  }
0x305: {  	v13 =	vor.u32 $0x2A, v1;
	v12 =	vld.idx.msk [tilespmem:v12+s18+$0x0], $0xffff  }
0x306: {  	v3 =	vadd.f32 v4, v3;
	v4 =	vmul.f32 v5, v6;
	v6 =	vor.u32 $0x2B, v2;
	v5 =	vld.idx.msk [tilespmem:v15+s20+$0x0], $0xffff  }
0x307: {  	v15 =	vor.u32 $0x2B, v1;
	v14 =	vld.idx.msk [tilespmem:v14+s18+$0x0], $0xffff  }
0x308: {  	v3 =	vadd.f32 v4, v3;
	v4 =	vmul.f32 v7, v9;
	v9 =	vor.u32 $0x2C, v2;
	v7 =	vld.idx.msk [tilespmem:v16+s20+$0x0], $0xffff  }
0x309: {  	v16 =	vor.u32 $0x2C, v1;
	v10 =	vld.idx.msk [tilespmem:v10+s18+$0x0], $0xffff  }
0x30a: {  	v3 =	vadd.f32 v4, v3;
	v4 =	vmul.f32 v8, v11;
	v11 =	vor.u32 $0x2D, v2;
	v8 =	vld.idx.msk [tilespmem:v13+s20+$0x0], $0xffff  }
0x30b: {  	v13 =	vor.u32 $0x2D, v1;
	v6 =	vld.idx.msk [tilespmem:v6+s18+$0x0], $0xffff  }
0x30c: {  	v3 =	vadd.f32 v4, v3;
	v4 =	vmul.f32 v5, v12;
	v12 =	vor.u32 $0x2E, v2;
	v5 =	vld.idx.msk [tilespmem:v15+s20+$0x0], $0xffff  }
0x30d: {  	v15 =	vor.u32 $0x2E, v1;
	v9 =	vld.idx.msk [tilespmem:v9+s18+$0x0], $0xffff  }
0x30e: {  	v3 =	vadd.f32 v4, v3;
	v4 =	vmul.f32 v7, v14;
	v14 =	vor.u32 $0x2F, v2;
	v7 =	vld.idx.msk [tilespmem:v16+s20+$0x0], $0xffff  }
0x30f: {  	v16 =	vor.u32 $0x2F, v1;
	v11 =	vld.idx.msk [tilespmem:v11+s18+$0x0], $0xffff  }
0x310: {  	v3 =	vadd.f32 v4, v3;
	v4 =	vmul.f32 v8, v10;
	v10 =	vor.u32 $0x30, v2;
	v8 =	vld.idx.msk [tilespmem:v13+s20+$0x0], $0xffff  }
0x311: {  	v13 =	vor.u32 $0x30, v1;
	v12 =	vld.idx.msk [tilespmem:v12+s18+$0x0], $0xffff  }
0x312: {  	v3 =	vadd.f32 v4, v3;
	v4 =	vmul.f32 v5, v6;
	v6 =	vor.u32 $0x31, v2;
	v5 =	vld.idx.msk [tilespmem:v15+s20+$0x0], $0xffff  }
0x313: {  	v15 =	vor.u32 $0x31, v1;
	v14 =	vld.idx.msk [tilespmem:v14+s18+$0x0], $0xffff  }
0x314: {  	v3 =	vadd.f32 v4, v3;
	v4 =	vmul.f32 v7, v9;
	v9 =	vor.u32 $0x32, v2;
	v7 =	vld.idx.msk [tilespmem:v16+s20+$0x0], $0xffff  }
0x315: {  	v16 =	vor.u32 $0x32, v1;
	v10 =	vld.idx.msk [tilespmem:v10+s18+$0x0], $0xffff  }
0x316: {  	v3 =	vadd.f32 v4, v3;
	v4 =	vmul.f32 v8, v11;
	v11 =	vor.u32 $0x33, v2;
	v8 =	vld.idx.msk [tilespmem:v13+s20+$0x0], $0xffff  }
0x317: {  	v13 =	vor.u32 $0x33, v1;
	v6 =	vld.idx.msk [tilespmem:v6+s18+$0x0], $0xffff  }
0x318: {  	v3 =	vadd.f32 v4, v3;
	v4 =	vmul.f32 v5, v12;
	v12 =	vor.u32 $0x34, v2;
	v5 =	vld.idx.msk [tilespmem:v15+s20+$0x0], $0xffff  }
0x319: {  	v15 =	vor.u32 $0x34, v1;
	v9 =	vld.idx.msk [tilespmem:v9+s18+$0x0], $0xffff  }
0x31a: {  	v3 =	vadd.f32 v4, v3;
	v4 =	vmul.f32 v7, v14;
	v14 =	vor.u32 $0x35, v2;
	v7 =	vld.idx.msk [tilespmem:v16+s20+$0x0], $0xffff  }
0x31b: {  	v16 =	vor.u32 $0x35, v1;
	v11 =	vld.idx.msk [tilespmem:v11+s18+$0x0], $0xffff  }
0x31c: {  	v3 =	vadd.f32 v4, v3;
	v4 =	vmul.f32 v8, v10;
	v10 =	vor.u32 $0x36, v2;
	v8 =	vld.idx.msk [tilespmem:v13+s20+$0x0], $0xffff  }
0x31d: {  	v13 =	vor.u32 $0x36, v1;
	v12 =	vld.idx.msk [tilespmem:v12+s18+$0x0], $0xffff  }
0x31e: {  	v3 =	vadd.f32 v4, v3;
	v4 =	vmul.f32 v5, v6;
	v6 =	vor.u32 $0x37, v2;
	v5 =	vld.idx.msk [tilespmem:v15+s20+$0x0], $0xffff  }
0x31f: {  	v15 =	vor.u32 $0x37, v1;
	v14 =	vld.idx.msk [tilespmem:v14+s18+$0x0], $0xffff  }
0x320: {  	v3 =	vadd.f32 v4, v3;
	v4 =	vmul.f32 v7, v9;
	v9 =	vor.u32 $0x38, v2;
	v7 =	vld.idx.msk [tilespmem:v16+s20+$0x0], $0xffff  }
0x321: {  	v16 =	vor.u32 $0x38, v1;
	v10 =	vld.idx.msk [tilespmem:v10+s18+$0x0], $0xffff  }
0x322: {  	v3 =	vadd.f32 v4, v3;
	v4 =	vmul.f32 v8, v11;
	v11 =	vor.u32 $0x39, v2;
	v8 =	vld.idx.msk [tilespmem:v13+s20+$0x0], $0xffff  }
0x323: {  	v13 =	vor.u32 $0x39, v1;
	v6 =	vld.idx.msk [tilespmem:v6+s18+$0x0], $0xffff  }
0x324: {  	v3 =	vadd.f32 v4, v3;
	v4 =	vmul.f32 v5, v12;
	v12 =	vor.u32 $0x3A, v2;
	v5 =	vld.idx.msk [tilespmem:v15+s20+$0x0], $0xffff  }
0x325: {  	v15 =	vor.u32 $0x3A, v1;
	v9 =	vld.idx.msk [tilespmem:v9+s18+$0x0], $0xffff  }
0x326: {  	v3 =	vadd.f32 v4, v3;
	v4 =	vmul.f32 v7, v14;
	v14 =	vor.u32 $0x3B, v2;
	v7 =	vld.idx.msk [tilespmem:v16+s20+$0x0], $0xffff  }
0x327: {  	v16 =	vor.u32 $0x3B, v1;
	v11 =	vld.idx.msk [tilespmem:v11+s18+$0x0], $0xffff  }
0x328: {  	v3 =	vadd.f32 v4, v3;
	v4 =	vmul.f32 v8, v10;
	v10 =	vor.u32 $0x3C, v2;
	v8 =	vld.idx.msk [tilespmem:v13+s20+$0x0], $0xffff  }
0x329: {  	v13 =	vor.u32 $0x3C, v1;
	v12 =	vld.idx.msk [tilespmem:v12+s18+$0x0], $0xffff  }
0x32a: {  	v3 =	vadd.f32 v4, v3;
	v4 =	vmul.f32 v5, v6;
	v6 =	vor.u32 $0x3D, v2;
	v5 =	vld.idx.msk [tilespmem:v15+s20+$0x0], $0xffff  }
0x32b: {  	v15 =	vor.u32 $0x3D, v1;
	v14 =	vld.idx.msk [tilespmem:v14+s18+$0x0], $0xffff  }
0x32c: {  	v3 =	vadd.f32 v4, v3;
	v4 =	vmul.f32 v7, v9;
	v9 =	vor.u32 $0x3E, v2;
	v7 =	vld.idx.msk [tilespmem:v16+s20+$0x0], $0xffff  }
0x32d: {  	v16 =	vor.u32 $0x3E, v1;
	v10 =	vld.idx.msk [tilespmem:v10+s18+$0x0], $0xffff  }
0x32e: {  	v2 =	vor.u32 $0x3F, v2;
	v3 =	vadd.f32 v4, v3;
	v4 =	vmul.f32 v8, v11;
	v8 =	vld.idx.msk [tilespmem:v13+s20+$0x0], $0xffff  }
0x32f: {  	v1 =	vor.u32 $0x3F, v1;
	v6 =	vld.idx.msk [tilespmem:v6+s18+$0x0], $0xffff  }
0x330: {  	v3 =	vadd.f32 v4, v3;
	v4 =	vmul.f32 v5, v12;
	v5 =	vld.idx.msk [tilespmem:v15+s20+$0x0], $0xffff  }
0x331: {  	v9 =	vld.idx.msk [tilespmem:v9+s18+$0x0], $0xffff  }
0x332: {  	v3 =	vadd.f32 v4, v3;
	v4 =	vmul.f32 v7, v14;
	v7 =	vld.idx.msk [tilespmem:v16+s20+$0x0], $0xffff  }
0x333: {  	v2 =	vld.idx.msk [tilespmem:v2+s18+$0x0], $0xffff  }
0x334: {  	v3 =	vadd.f32 v4, v3;
	v4 =	vmul.f32 v8, v10;
	v1 =	vld.idx.msk [tilespmem:v1+s20+$0x0], $0xffff;
	_ =	sdelay $0x1  }
0x335: {  	v3 =	vadd.f32 v4, v3;
	v4 =	vmul.f32 v5, v6;
	_ =	sdelay $0x1  }
0x336: {  	v3 =	vadd.f32 v4, v3;
	v4 =	vmul.f32 v7, v9;
	_ =	sdelay $0x1  }
0x337: {  	v3 =	vadd.f32 v4, v3;
	v1 =	vmul.f32 v1, v2;
	_ =	sdelay $0x1  }
.Ltmp5:
0x338: {  	v1 =	vadd.f32 v1, v3;
	(pc) =	sbr.rel @p0 .LBB2_12-.Ltmp5, $4  }
0x339: {  	s29 =	sadd.s32 $0x10, s29  }
0x33a: {  	s30 =	sadd.s32 $0x10, s30;
	[tilespmem:s29+$0x0] =	vst v1  }
0x33b: {  	s31 =	sadd.s32 $0x10, s31;
	v1 =	vld [tilespmem:s30+$0x0]  }
0x33c: {  	s3 =	sadd.s32 $0x10, s3;
	v2 =	vld [tilespmem:s31+$0x0]  }
0x33d: {  	_ =	sdelay $0x1  }
0x33e: {  	v3 =	vmov s0  }
0x33f: {  	v3 =	vshll.u32 v3, $0x7;
	v1 =	vshrl.u32 v1, $0x7  }
0x340: {  	v3 =	vor.u32 v0, v3;
	v1 =	vand.u32 $0x40, v1;
	v2 =	vshrl.u32 v2, $0x7  }
0x341: {  	v4 =	vand.u32 $0x40, v2;
	v2 =	vor.u32 v3, v1  }
0x342: {  	v1 =	vor.u32 v3, v4  }
0x343: {  	s28 =	sadd.s32 $0x10, s28;
	v3 =	vor.u32 $0x1, v2  }
0x344: {  	s30 =	sadd.s32 $0x10, s26;
	v46 =	vld [tilespmem:s28+$0x0];
	v5 =	vor.u32 $0x1, v1  }
0x345: {  	v6 =	vld [tilespmem:s30+$0x0];
	v7 =	vor.u32 $0x2, v2  }
0x346: {  	v9 =	vor.u32 $0x2, v1;
	v8 =	vld.idx.msk [tilespmem:v2+s18+$0x0], $0xffff  }
0x347: {  	v11 =	vor.u32 $0x3, v2;
	v10 =	vld.idx.msk [tilespmem:v1+s20+$0x0], $0xffff  }
0x348: {  	v12 =	vor.u32 $0x3, v1;
	v3 =	vld.idx.msk [tilespmem:v3+s18+$0x0], $0xffff  }
0x349: {  	v13 =	vor.u32 $0x4, v2;
	v5 =	vld.idx.msk [tilespmem:v5+s20+$0x0], $0xffff  }
0x34a: {  	v14 =	vor.u32 $0x4, v1;
	v7 =	vld.idx.msk [tilespmem:v7+s18+$0x0], $0xffff  }
0x34b: {  	v15 =	vor.u32 $0x5, v2;
	v9 =	vld.idx.msk [tilespmem:v9+s20+$0x0], $0xffff  }
0x34c: {  	v4 =	vadd.f32 v6, v46;
	v16 =	vor.u32 $0x5, v1;
	v11 =	vld.idx.msk [tilespmem:v11+s18+$0x0], $0xffff;
	v47 =	vmul.f32 v10, v8  }
0x34d: {  	v51 =	vor.u32 $0x6, v1;
	v48 =	vld.idx.msk [tilespmem:v12+s20+$0x0], $0xffff  }
0x34e: {  	v49 =	vor.u32 $0x6, v2;
	v50 =	vld.idx.msk [tilespmem:v13+s18+$0x0], $0xffff;
	v3 =	vmul.f32 v5, v3;
	v4 =	vadd.f32 v47, v4  }
0x34f: {  	v53 =	vor.u32 $0x7, v2;
	v52 =	vld.idx.msk [tilespmem:v14+s20+$0x0], $0xffff  }
0x350: {  	v55 =	vor.u32 $0x7, v1;
	v54 =	vld.idx.msk [tilespmem:v15+s18+$0x0], $0xffff;
	v56 =	vmul.f32 v9, v7;
	v3 =	vadd.f32 v3, v4  }
0x351: {  	v59 =	vor.u32 $0x8, v1;
	v57 =	vld.idx.msk [tilespmem:v16+s20+$0x0], $0xffff  }
0x352: {  	v58 =	vor.u32 $0x8, v2;
	v61 =	vld.idx.msk [tilespmem:v51+s20+$0x0], $0xffff;
	v60 =	vmul.f32 v48, v11;
	v3 =	vadd.f32 v56, v3  }
0x353: {  	v63 =	vor.u32 $0x9, v1;
	v10 =	vld.idx.msk [tilespmem:v49+s18+$0x0], $0xffff  }
0x354: {  	v62 =	vor.u32 $0x9, v2;
	v6 =	vld.idx.msk [tilespmem:v53+s18+$0x0], $0xffff;
	v20 =	vmul.f32 v52, v50;
	v3 =	vadd.f32 v60, v3  }
0x355: {  	v22 =	vor.u32 $0xA, v2;
	v21 =	vld.idx.msk [tilespmem:v55+s20+$0x0], $0xffff  }
0x356: {  	v23 =	vor.u32 $0xA, v1;
	v25 =	vld.idx.msk [tilespmem:v59+s20+$0x0], $0xffff;
	v24 =	vmul.f32 v57, v54;
	v3 =	vadd.f32 v20, v3  }
0x357: {  	v26 =	vor.u32 $0xB, v2;
	v9 =	vld.idx.msk [tilespmem:v58+s18+$0x0], $0xffff  }
0x358: {  	v27 =	vor.u32 $0xB, v1;
	v29 =	vld.idx.msk [tilespmem:v63+s20+$0x0], $0xffff;
	v28 =	vmul.f32 v61, v10;
	v3 =	vadd.f32 v24, v3  }
0x359: {  	v31 =	vor.u32 $0xC, v1;
	v11 =	vld.idx.msk [tilespmem:v62+s18+$0x0], $0xffff  }
0x35a: {  	v30 =	vor.u32 $0xC, v2;
	v12 =	vld.idx.msk [tilespmem:v22+s18+$0x0], $0xffff;
	v32 =	vmul.f32 v21, v6;
	v3 =	vadd.f32 v28, v3  }
0x35b: {  	v35 =	vor.u32 $0xD, v1;
	v33 =	vld.idx.msk [tilespmem:v23+s20+$0x0], $0xffff  }
0x35c: {  	v34 =	vor.u32 $0xD, v2;
	v14 =	vld.idx.msk [tilespmem:v26+s18+$0x0], $0xffff;
	v36 =	vmul.f32 v25, v9;
	v3 =	vadd.f32 v32, v3  }
0x35d: {  	v39 =	vor.u32 $0xE, v1;
	v37 =	vld.idx.msk [tilespmem:v27+s20+$0x0], $0xffff  }
0x35e: {  	v38 =	vor.u32 $0xE, v2;
	v41 =	vld.idx.msk [tilespmem:v31+s20+$0x0], $0xffff;
	v40 =	vmul.f32 v29, v11;
	v3 =	vadd.f32 v36, v3  }
0x35f: {  	v43 =	vor.u32 $0xF, v1;
	v10 =	vld.idx.msk [tilespmem:v30+s18+$0x0], $0xffff  }
0x360: {  	v42 =	vor.u32 $0xF, v2;
	v45 =	vld.idx.msk [tilespmem:v35+s20+$0x0], $0xffff;
	v44 =	vmul.f32 v33, v12;
	v3 =	vadd.f32 v40, v3  }
0x361: {  	v46 =	vor.u32 $0x10, v2;
	v6 =	vld.idx.msk [tilespmem:v34+s18+$0x0], $0xffff  }
0x362: {  	v49 =	vld.idx.msk [tilespmem:v39+s20+$0x0], $0xffff;
	v48 =	vmul.f32 v37, v14;
	v47 =	vor.u32 $0x10, v1;
	v3 =	vadd.f32 v44, v3  }
0x363: {  	v51 =	vor.u32 $0x11, v1;
	v9 =	vld.idx.msk [tilespmem:v38+s18+$0x0], $0xffff  }
0x364: {  	v53 =	vld.idx.msk [tilespmem:v43+s20+$0x0], $0xffff;
	v50 =	vor.u32 $0x11, v2;
	v52 =	vmul.f32 v41, v10;
	v3 =	vadd.f32 v48, v3  }
0x365: {  	v55 =	vor.u32 $0x12, v1;
	v11 =	vld.idx.msk [tilespmem:v42+s18+$0x0], $0xffff  }
0x366: {  	v54 =	vor.u32 $0x12, v2;
	v12 =	vld.idx.msk [tilespmem:v46+s18+$0x0], $0xffff;
	v56 =	vmul.f32 v45, v6;
	v3 =	vadd.f32 v52, v3  }
0x367: {  	v58 =	vor.u32 $0x13, v2;
	v57 =	vld.idx.msk [tilespmem:v47+s20+$0x0], $0xffff  }
0x368: {  	v59 =	vor.u32 $0x13, v1;
	v61 =	vld.idx.msk [tilespmem:v51+s20+$0x0], $0xffff;
	v60 =	vmul.f32 v49, v9;
	v3 =	vadd.f32 v56, v3  }
0x369: {  	v63 =	vor.u32 $0x14, v1;
	v14 =	vld.idx.msk [tilespmem:v50+s18+$0x0], $0xffff  }
0x36a: {  	v62 =	vor.u32 $0x14, v2;
	v21 =	vld.idx.msk [tilespmem:v55+s20+$0x0], $0xffff;
	v20 =	vmul.f32 v53, v11;
	v3 =	vadd.f32 v60, v3  }
0x36b: {  	v23 =	vor.u32 $0x15, v1;
	v10 =	vld.idx.msk [tilespmem:v54+s18+$0x0], $0xffff  }
0x36c: {  	v22 =	vor.u32 $0x15, v2;
	v6 =	vld.idx.msk [tilespmem:v58+s18+$0x0], $0xffff;
	v24 =	vmul.f32 v57, v12;
	v3 =	vadd.f32 v20, v3  }
0x36d: {  	v27 =	vor.u32 $0x16, v1;
	v25 =	vld.idx.msk [tilespmem:v59+s20+$0x0], $0xffff  }
0x36e: {  	v26 =	vor.u32 $0x16, v2;
	v29 =	vld.idx.msk [tilespmem:v63+s20+$0x0], $0xffff;
	v28 =	vmul.f32 v61, v14;
	v3 =	vadd.f32 v24, v3  }
0x36f: {  	v31 =	vor.u32 $0x17, v1;
	v9 =	vld.idx.msk [tilespmem:v62+s18+$0x0], $0xffff  }
0x370: {  	v33 =	vld.idx.msk [tilespmem:v23+s20+$0x0], $0xffff;
	v30 =	vor.u32 $0x17, v2;
	v32 =	vmul.f32 v21, v10;
	v3 =	vadd.f32 v28, v3  }
0x371: {  	v35 =	vor.u32 $0x18, v1;
	v11 =	vld.idx.msk [tilespmem:v22+s18+$0x0], $0xffff  }
0x372: {  	v34 =	vor.u32 $0x18, v2;
	v37 =	vld.idx.msk [tilespmem:v27+s20+$0x0], $0xffff;
	v36 =	vmul.f32 v25, v6;
	v3 =	vadd.f32 v32, v3  }
0x373: {  	v39 =	vor.u32 $0x19, v1;
	v12 =	vld.idx.msk [tilespmem:v26+s18+$0x0], $0xffff  }
0x374: {  	v38 =	vor.u32 $0x19, v2;
	v41 =	vld.idx.msk [tilespmem:v31+s20+$0x0], $0xffff;
	v40 =	vmul.f32 v29, v9;
	v3 =	vadd.f32 v36, v3  }
0x375: {  	v43 =	vor.u32 $0x1A, v1;
	v14 =	vld.idx.msk [tilespmem:v30+s18+$0x0], $0xffff  }
0x376: {  	v42 =	vor.u32 $0x1A, v2;
	v45 =	vld.idx.msk [tilespmem:v35+s20+$0x0], $0xffff;
	v44 =	vmul.f32 v33, v11;
	v3 =	vadd.f32 v40, v3  }
0x377: {  	v47 =	vor.u32 $0x1B, v1;
	v10 =	vld.idx.msk [tilespmem:v34+s18+$0x0], $0xffff  }
0x378: {  	v46 =	vor.u32 $0x1B, v2;
	v49 =	vld.idx.msk [tilespmem:v39+s20+$0x0], $0xffff;
	v48 =	vmul.f32 v37, v12;
	v3 =	vadd.f32 v44, v3  }
0x379: {  	v51 =	vor.u32 $0x1C, v1;
	v6 =	vld.idx.msk [tilespmem:v38+s18+$0x0], $0xffff  }
0x37a: {  	v50 =	vor.u32 $0x1C, v2;
	v53 =	vld.idx.msk [tilespmem:v43+s20+$0x0], $0xffff;
	v52 =	vmul.f32 v41, v14;
	v3 =	vadd.f32 v48, v3  }
0x37b: {  	v55 =	vor.u32 $0x1D, v1;
	v9 =	vld.idx.msk [tilespmem:v42+s18+$0x0], $0xffff  }
0x37c: {  	v54 =	vor.u32 $0x1D, v2;
	v57 =	vld.idx.msk [tilespmem:v47+s20+$0x0], $0xffff;
	v56 =	vmul.f32 v45, v10;
	v3 =	vadd.f32 v52, v3  }
0x37d: {  	v59 =	vor.u32 $0x1E, v1;
	v11 =	vld.idx.msk [tilespmem:v46+s18+$0x0], $0xffff  }
0x37e: {  	v58 =	vor.u32 $0x1E, v2;
	v61 =	vld.idx.msk [tilespmem:v51+s20+$0x0], $0xffff;
	v60 =	vmul.f32 v49, v6;
	v3 =	vadd.f32 v56, v3  }
0x37f: {  	v63 =	vor.u32 $0x1F, v1;
	v12 =	vld.idx.msk [tilespmem:v50+s18+$0x0], $0xffff  }
0x380: {  	v62 =	vor.u32 $0x1F, v2;
	v21 =	vld.idx.msk [tilespmem:v55+s20+$0x0], $0xffff;
	v20 =	vmul.f32 v53, v9;
	v3 =	vadd.f32 v60, v3  }
0x381: {  	v23 =	vor.u32 $0x20, v1;
	v14 =	vld.idx.msk [tilespmem:v54+s18+$0x0], $0xffff  }
0x382: {  	v22 =	vor.u32 $0x20, v2;
	v25 =	vld.idx.msk [tilespmem:v59+s20+$0x0], $0xffff;
	v24 =	vmul.f32 v57, v11;
	v3 =	vadd.f32 v20, v3  }
0x383: {  	v27 =	vor.u32 $0x21, v1;
	v10 =	vld.idx.msk [tilespmem:v58+s18+$0x0], $0xffff  }
0x384: {  	v26 =	vor.u32 $0x21, v2;
	v29 =	vld.idx.msk [tilespmem:v63+s20+$0x0], $0xffff;
	v28 =	vmul.f32 v61, v12;
	v3 =	vadd.f32 v24, v3  }
0x385: {  	v31 =	vor.u32 $0x22, v1;
	v6 =	vld.idx.msk [tilespmem:v62+s18+$0x0], $0xffff  }
0x386: {  	v30 =	vor.u32 $0x22, v2;
	v33 =	vld.idx.msk [tilespmem:v23+s20+$0x0], $0xffff;
	v32 =	vmul.f32 v21, v14;
	v3 =	vadd.f32 v28, v3  }
0x387: {  	v35 =	vor.u32 $0x23, v1;
	v9 =	vld.idx.msk [tilespmem:v22+s18+$0x0], $0xffff  }
0x388: {  	v34 =	vor.u32 $0x23, v2;
	v37 =	vld.idx.msk [tilespmem:v27+s20+$0x0], $0xffff;
	v36 =	vmul.f32 v25, v10;
	v3 =	vadd.f32 v32, v3  }
0x389: {  	v39 =	vor.u32 $0x24, v1;
	v11 =	vld.idx.msk [tilespmem:v26+s18+$0x0], $0xffff  }
0x38a: {  	v38 =	vor.u32 $0x24, v2;
	v41 =	vld.idx.msk [tilespmem:v31+s20+$0x0], $0xffff;
	v40 =	vmul.f32 v29, v6;
	v3 =	vadd.f32 v36, v3  }
0x38b: {  	v43 =	vor.u32 $0x25, v1;
	v12 =	vld.idx.msk [tilespmem:v30+s18+$0x0], $0xffff  }
0x38c: {  	v42 =	vor.u32 $0x25, v2;
	v45 =	vld.idx.msk [tilespmem:v35+s20+$0x0], $0xffff;
	v44 =	vmul.f32 v33, v9;
	v3 =	vadd.f32 v40, v3  }
0x38d: {  	v47 =	vor.u32 $0x26, v1;
	v14 =	vld.idx.msk [tilespmem:v34+s18+$0x0], $0xffff  }
0x38e: {  	v46 =	vor.u32 $0x26, v2;
	v49 =	vld.idx.msk [tilespmem:v39+s20+$0x0], $0xffff;
	v48 =	vmul.f32 v37, v11;
	v3 =	vadd.f32 v44, v3  }
0x38f: {  	v51 =	vor.u32 $0x27, v1;
	v10 =	vld.idx.msk [tilespmem:v38+s18+$0x0], $0xffff  }
0x390: {  	v50 =	vor.u32 $0x27, v2;
	v53 =	vld.idx.msk [tilespmem:v43+s20+$0x0], $0xffff;
	v52 =	vmul.f32 v41, v12;
	v3 =	vadd.f32 v48, v3  }
0x391: {  	v55 =	vor.u32 $0x28, v1;
	v6 =	vld.idx.msk [tilespmem:v42+s18+$0x0], $0xffff  }
0x392: {  	v54 =	vor.u32 $0x28, v2;
	v57 =	vld.idx.msk [tilespmem:v47+s20+$0x0], $0xffff;
	v56 =	vmul.f32 v45, v14;
	v3 =	vadd.f32 v52, v3  }
0x393: {  	v59 =	vor.u32 $0x29, v1;
	v9 =	vld.idx.msk [tilespmem:v46+s18+$0x0], $0xffff  }
0x394: {  	v58 =	vor.u32 $0x29, v2;
	v61 =	vld.idx.msk [tilespmem:v51+s20+$0x0], $0xffff;
	v60 =	vmul.f32 v49, v10;
	v3 =	vadd.f32 v56, v3  }
0x395: {  	v63 =	vor.u32 $0x2A, v1;
	v11 =	vld.idx.msk [tilespmem:v50+s18+$0x0], $0xffff  }
0x396: {  	v62 =	vor.u32 $0x2A, v2;
	v21 =	vld.idx.msk [tilespmem:v55+s20+$0x0], $0xffff;
	v20 =	vmul.f32 v53, v6;
	v3 =	vadd.f32 v60, v3  }
0x397: {  	v23 =	vor.u32 $0x2B, v1;
	v12 =	vld.idx.msk [tilespmem:v54+s18+$0x0], $0xffff  }
0x398: {  	v22 =	vor.u32 $0x2B, v2;
	v25 =	vld.idx.msk [tilespmem:v59+s20+$0x0], $0xffff;
	v24 =	vmul.f32 v57, v9;
	v3 =	vadd.f32 v20, v3  }
0x399: {  	v27 =	vor.u32 $0x2C, v1;
	v14 =	vld.idx.msk [tilespmem:v58+s18+$0x0], $0xffff  }
0x39a: {  	v26 =	vor.u32 $0x2C, v2;
	v29 =	vld.idx.msk [tilespmem:v63+s20+$0x0], $0xffff;
	v28 =	vmul.f32 v61, v11;
	v3 =	vadd.f32 v24, v3  }
0x39b: {  	v31 =	vor.u32 $0x2D, v1;
	v10 =	vld.idx.msk [tilespmem:v62+s18+$0x0], $0xffff  }
0x39c: {  	v30 =	vor.u32 $0x2D, v2;
	v33 =	vld.idx.msk [tilespmem:v23+s20+$0x0], $0xffff;
	v32 =	vmul.f32 v21, v12;
	v3 =	vadd.f32 v28, v3  }
0x39d: {  	v35 =	vor.u32 $0x2E, v1;
	v6 =	vld.idx.msk [tilespmem:v22+s18+$0x0], $0xffff  }
0x39e: {  	v34 =	vor.u32 $0x2E, v2;
	v37 =	vld.idx.msk [tilespmem:v27+s20+$0x0], $0xffff;
	v36 =	vmul.f32 v25, v14;
	v3 =	vadd.f32 v32, v3  }
0x39f: {  	v39 =	vor.u32 $0x2F, v1;
	v9 =	vld.idx.msk [tilespmem:v26+s18+$0x0], $0xffff  }
0x3a0: {  	v38 =	vor.u32 $0x2F, v2;
	v41 =	vld.idx.msk [tilespmem:v31+s20+$0x0], $0xffff;
	v40 =	vmul.f32 v29, v10;
	v3 =	vadd.f32 v36, v3  }
0x3a1: {  	v43 =	vor.u32 $0x30, v1;
	v11 =	vld.idx.msk [tilespmem:v30+s18+$0x0], $0xffff  }
0x3a2: {  	v42 =	vor.u32 $0x30, v2;
	v45 =	vld.idx.msk [tilespmem:v35+s20+$0x0], $0xffff;
	v44 =	vmul.f32 v33, v6;
	v3 =	vadd.f32 v40, v3  }
0x3a3: {  	v47 =	vor.u32 $0x31, v1;
	v12 =	vld.idx.msk [tilespmem:v34+s18+$0x0], $0xffff  }
0x3a4: {  	v46 =	vor.u32 $0x31, v2;
	v49 =	vld.idx.msk [tilespmem:v39+s20+$0x0], $0xffff;
	v48 =	vmul.f32 v37, v9;
	v3 =	vadd.f32 v44, v3  }
0x3a5: {  	v51 =	vor.u32 $0x32, v1;
	v14 =	vld.idx.msk [tilespmem:v38+s18+$0x0], $0xffff  }
0x3a6: {  	v50 =	vor.u32 $0x32, v2;
	v53 =	vld.idx.msk [tilespmem:v43+s20+$0x0], $0xffff;
	v52 =	vmul.f32 v41, v11;
	v3 =	vadd.f32 v48, v3  }
0x3a7: {  	v54 =	vor.u32 $0x33, v2;
	v10 =	vld.idx.msk [tilespmem:v42+s18+$0x0], $0xffff  }
0x3a8: {  	v55 =	vor.u32 $0x33, v1;
	v57 =	vld.idx.msk [tilespmem:v47+s20+$0x0], $0xffff;
	v56 =	vmul.f32 v45, v12;
	v3 =	vadd.f32 v52, v3  }
0x3a9: {  	v58 =	vor.u32 $0x34, v2;
	v6 =	vld.idx.msk [tilespmem:v46+s18+$0x0], $0xffff  }
0x3aa: {  	v59 =	vor.u32 $0x34, v1;
	v61 =	vld.idx.msk [tilespmem:v51+s20+$0x0], $0xffff;
	v60 =	vmul.f32 v49, v14;
	v3 =	vadd.f32 v56, v3  }
0x3ab: {  	v62 =	vor.u32 $0x35, v2;
	v9 =	vld.idx.msk [tilespmem:v50+s18+$0x0], $0xffff  }
0x3ac: {  	v63 =	vor.u32 $0x35, v1;
	v19 =	vmul.f32 v53, v10;
	v11 =	vld.idx.msk [tilespmem:v54+s18+$0x0], $0xffff;
	v3 =	vadd.f32 v60, v3  }
0x3ad: {  	v21 =	vor.u32 $0x36, v2;
	v20 =	vld.idx.msk [tilespmem:v55+s20+$0x0], $0xffff  }
0x3ae: {  	v22 =	vor.u32 $0x36, v1;
	v23 =	vmul.f32 v57, v6;
	v12 =	vld.idx.msk [tilespmem:v58+s18+$0x0], $0xffff;
	v3 =	vadd.f32 v19, v3  }
0x3af: {  	v25 =	vor.u32 $0x37, v2;
	v24 =	vld.idx.msk [tilespmem:v59+s20+$0x0], $0xffff  }
0x3b0: {  	v26 =	vor.u32 $0x37, v1;
	v27 =	vmul.f32 v61, v9;
	v14 =	vld.idx.msk [tilespmem:v62+s18+$0x0], $0xffff;
	v3 =	vadd.f32 v23, v3  }
0x3b1: {  	v29 =	vor.u32 $0x38, v2;
	v28 =	vld.idx.msk [tilespmem:v63+s20+$0x0], $0xffff  }
0x3b2: {  	v30 =	vor.u32 $0x38, v1;
	v10 =	vld.idx.msk [tilespmem:v21+s18+$0x0], $0xffff;
	v31 =	vmul.f32 v20, v11;
	v3 =	vadd.f32 v27, v3  }
0x3b3: {  	v33 =	vor.u32 $0x39, v2;
	v32 =	vld.idx.msk [tilespmem:v22+s20+$0x0], $0xffff  }
0x3b4: {  	v34 =	vor.u32 $0x39, v1;
	v6 =	vld.idx.msk [tilespmem:v25+s18+$0x0], $0xffff;
	v35 =	vmul.f32 v24, v12;
	v3 =	vadd.f32 v31, v3  }
0x3b5: {  	v37 =	vor.u32 $0x3A, v2;
	v36 =	vld.idx.msk [tilespmem:v26+s20+$0x0], $0xffff  }
0x3b6: {  	v38 =	vor.u32 $0x3A, v1;
	v9 =	vld.idx.msk [tilespmem:v29+s18+$0x0], $0xffff;
	v39 =	vmul.f32 v28, v14;
	v3 =	vadd.f32 v35, v3  }
0x3b7: {  	v41 =	vor.u32 $0x3B, v2;
	v40 =	vld.idx.msk [tilespmem:v30+s20+$0x0], $0xffff  }
0x3b8: {  	v42 =	vor.u32 $0x3B, v1;
	v11 =	vld.idx.msk [tilespmem:v33+s18+$0x0], $0xffff;
	v43 =	vmul.f32 v32, v10;
	v3 =	vadd.f32 v39, v3  }
0x3b9: {  	v45 =	vor.u32 $0x3C, v2;
	v44 =	vld.idx.msk [tilespmem:v34+s20+$0x0], $0xffff  }
0x3ba: {  	v46 =	vor.u32 $0x3C, v1;
	v12 =	vld.idx.msk [tilespmem:v37+s18+$0x0], $0xffff;
	v47 =	vmul.f32 v36, v6;
	v3 =	vadd.f32 v43, v3  }
0x3bb: {  	v50 =	vor.u32 $0x3D, v1;
	v48 =	vld.idx.msk [tilespmem:v38+s20+$0x0], $0xffff  }
0x3bc: {  	v49 =	vor.u32 $0x3D, v2;
	v14 =	vld.idx.msk [tilespmem:v41+s18+$0x0], $0xffff;
	v51 =	vmul.f32 v40, v9;
	v3 =	vadd.f32 v47, v3  }
0x3bd: {  	v53 =	vor.u32 $0x3E, v2;
	v52 =	vld.idx.msk [tilespmem:v42+s20+$0x0], $0xffff  }
0x3be: {  	v54 =	vor.u32 $0x3E, v1;
	v10 =	vld.idx.msk [tilespmem:v45+s18+$0x0], $0xffff;
	v55 =	vmul.f32 v44, v11;
	v3 =	vadd.f32 v51, v3  }
0x3bf: {  	v1 =	vor.u32 $0x3F, v1;
	v56 =	vld.idx.msk [tilespmem:v46+s20+$0x0], $0xffff  }
0x3c0: {  	v58 =	vld.idx.msk [tilespmem:v50+s20+$0x0], $0xffff;
	v2 =	vor.u32 $0x3F, v2;
	v57 =	vmul.f32 v48, v12;
	v3 =	vadd.f32 v55, v3  }
0x3c1: {  	v6 =	vld.idx.msk [tilespmem:v49+s18+$0x0], $0xffff  }
0x3c2: {  	v9 =	vld.idx.msk [tilespmem:v53+s18+$0x0], $0xffff;
	v59 =	vmul.f32 v52, v14;
	v3 =	vadd.f32 v57, v3  }
0x3c3: {  	v60 =	vld.idx.msk [tilespmem:v54+s20+$0x0], $0xffff  }
0x3c4: {  	v1 =	vld.idx.msk [tilespmem:v1+s20+$0x0], $0xffff;
	v61 =	vmul.f32 v56, v10;
	v3 =	vadd.f32 v59, v3  }
0x3c5: {  	v2 =	vld.idx.msk [tilespmem:v2+s18+$0x0], $0xffff  }
0x3c6: {  	v62 =	vmul.f32 v58, v6;
	v3 =	vadd.f32 v61, v3;
	_ =	sdelay $0x1  }
0x3c7: {  	v63 =	vmul.f32 v60, v9;
	v3 =	vadd.f32 v62, v3;
	_ =	sdelay $0x1  }
0x3c8: {  	v1 =	vmul.f32 v1, v2;
	v3 =	vadd.f32 v63, v3;
	_ =	sdelay $0x1  }
0x3c9: {  	s25 =	sadd.s32 $0x1, s25;
	v1 =	vadd.f32 v1, v3  }
0x3ca: {  	s31 =	sadd.s32 $0x10, s29;
	p0 =	sne.s32 s25, s10  }
.Ltmp6:
0x3cb: {  	[tilespmem:s31+$0x0] =	vst v1;
	(pc) =	sbr.rel @p0 .LBB2_1-.Ltmp6, $4  }
0x3cc: {  	[hbm4b:s9+s2] =	stream.linear.scatter [tilespmem:s24], [sflag:$0x3], $0x200, $0x38;
	[tilespmem:$0x10E00] =	vst v63  }
0x3cd: {  	_ =	swait.ge [sflag:s11], $0x200  }
0x3ce: {  	[sflag:s11] =	ssyncset.done $0x0  }
0x3cf: {  	[sflag:s11] =	ssyncadd.s32 $0xFFFFFE00  }
0x3d0: {  	_ =	sfence.sel $0x180000  }
0x3d1: {  	[bflag:$0x0] =	sbarrier.arrive $0xFFFF  }
0x3d2: {  	_ =	strace $0x90000047  }
0x3d3: {  	s0 =	stileid.u32;
	[bflag:$0x2] =	sbarrier.arrive $0xFFFF  }
0x3d4: {  	p0 =	sne.s32 s0, $0x0;
	s0 =	rddreg [dreg:$0x4]  }
0x3d5: {  	s0 =	sadd.s32 @!p0 $0x100000, s0  }
0x3d6: {  	[sflag:s0] =	ssyncadd.tile.s32 @!p0 $0x1;
	_ =	shalt  }
.Lfunc_end2:
_tile_overlayer_lowered:
.L_overlay_start_2:
0x3d7: {  	(tag) =	ssettag $0x2  }
0x3d8: {  	s0 =	rddreg [dreg:$0x0];
	s2 =	stileid.u32  }
0x3d9: {  	s1 =	rddreg [dreg:$0x1];
	p0 =	sne.s32 s2, $0x0  }
0x3da: {  	s3 =	rddreg [dreg:$0x2];
	[bflag:$0x3] =	sbarrier.arrive $0xFFFF;
	s2 =	simm.s32 @!p0 $0x1C03  }
0x3db: {  	[timem:s3], [sflag:s2] =	dma.local @!p0 [hbm:s0], s1  }
0x3dc: {  	s0 =	simm.s32 @!p0 $0x3  }
0x3dd: {  	_ =	swait.ge @!p0 [sflag:s0], s1  }
0x3de: {  	s1 =	ssub.s32 @!p0 $0x0, s1;
	[sflag:s0] =	ssyncset.done @!p0 $0x0  }
0x3df: {  	[sflag:s0] =	ssyncadd.s32 @!p0 s1  }
0x3e0: {  	[bflag:$0x3] =	sbarrier.arrive $0xFFFF  }
0x3e1: {  	_ =	shalt  }

</sc_bundles>
